<compile_context>
chip_gen: v7x
topology: tpu7x:2x2x1
jax: 0.10.2.dev20260603
libtpu: 0.0.44.dev20260713+nightly
codegen_flags: <defaults>
</compile_context>

<pallas_src>
import jax
import jax.numpy as jnp
from jax import lax
from jax.experimental import pallas as pl
from jax.experimental.pallas import tpu as pltpu
from jax.experimental.pallas import tpu_sc as plsc

D = 128
B = 1024
A = 200
SE = 256
AE = 256
H = 512

NC, NS = 2, 16
NW = NC * NS
BPW = B // NW
SW = 208

_F32 = jnp.float32


def _mesh():
    return plsc.VectorSubcoreMesh(
        core_axis_name="c", subcore_axis_name="s",
        num_cores=NC, num_subcores=NS)


def _wid():
    return lax.axis_index("s") * NC + lax.axis_index("c")


def _gather3_body(prev_hbm, cur_hbm, qry_hbm, emb_hbm,
                  rel_out, cur_out, qry_out,
                  ip, ic, iq, rp, rc, rq, sem):
    base = _wid() * BPW
    pltpu.sync_copy(prev_hbm.at[pl.ds(base, BPW)], ip)
    pltpu.sync_copy(cur_hbm.at[pl.ds(base, BPW)], ic)
    pltpu.sync_copy(qry_hbm.at[pl.ds(base, BPW)], iq)
    cp1 = pltpu.async_copy(emb_hbm.at[ip], rp, sem)
    cp2 = pltpu.async_copy(emb_hbm.at[ic], rc, sem)
    cp3 = pltpu.async_copy(emb_hbm.at[iq], rq, sem)
    cp1.wait()
    cp2.wait()
    cp3.wait()
    pltpu.sync_copy(rp, rel_out.at[pl.ds(base, BPW)])
    pltpu.sync_copy(rc, cur_out.at[pl.ds(base, BPW)])
    pltpu.sync_copy(rq, qry_out.at[pl.ds(base, BPW)])


def _gather3(prev, cur, qry, emb):
    f = pl.kernel(
        _gather3_body,
        out_type=[jax.ShapeDtypeStruct((B, D), _F32)] * 3,
        mesh=_mesh(),
        scratch_types=[
            pltpu.VMEM((BPW,), jnp.int32),
            pltpu.VMEM((BPW,), jnp.int32),
            pltpu.VMEM((BPW,), jnp.int32),
            pltpu.VMEM((BPW, D), _F32),
            pltpu.VMEM((BPW, D), _F32),
            pltpu.VMEM((BPW, D), _F32),
            pltpu.SemaphoreType.DMA,
        ],
    )
    return f(prev, cur, qry, emb)


def _dense_body(rel_ref, cur_ref, qry_ref, wih_ref, bih_ref, bhh_ref,
                w1_ref, b1_ref, w2_ref, b2_ref, out_ref):
    def dot_t(a, w):
        return lax.dot_general(
            a, w, (((1,), (1,)), ((), ())),
            preferred_element_type=_F32)

    rel = rel_ref[...]
    cur = cur_ref[...]
    qry = qry_ref[...]
    wih = wih_ref[...]
    gates = dot_t(rel, wih[:, :D]) + dot_t(cur, wih[:, D:]) \
        + bih_ref[...] + bhh_ref[...]
    i_g = jax.nn.sigmoid(gates[:, :SE])
    g_g = jnp.tanh(gates[:, 2 * SE:3 * SE])
    o_g = jax.nn.sigmoid(gates[:, 3 * SE:])
    h = o_g * jnp.tanh(i_g * g_g)
    w1 = w1_ref[...]
    hid = dot_t(h, w1[:, :SE]) + dot_t(qry, w1[:, SE:SE + D]) \
        + dot_t(cur, w1[:, SE + D:]) + b1_ref[...]
    hid = jnp.maximum(hid, 0.0)
    out = dot_t(hid, w2_ref[...]) + b2_ref[...]
    out_ref[...] = jnp.maximum(out, 0.0)


def _dense(rel_e, cur_e, qry_e, W_ih, b_ih, b_hh, W1, b1, W2, b2):
    return pl.pallas_call(
        _dense_body,
        out_shape=jax.ShapeDtypeStruct((B, AE), _F32),
    )(rel_e, cur_e, qry_e, W_ih, b_ih.reshape(1, 4 * SE),
      b_hh.reshape(1, 4 * SE), W1, b1.reshape(1, H), W2, b2.reshape(1, AE))


H_OFF = (0, 96)
H_N = (96, 104)
H_CHUNK = (((0, 0, 40), (1, 0, 40), (2, 0, 16)),
           ((2, 16, 24), (3, 0, 40), (4, 0, 40)))


def _score_body(rel_hbm, ent_hbm, out_hbm, emb_hbm, scores_hbm,
                idx_r, idx_e, o_all,
                rows_r0, rows_e0, rows_r1, rows_e1, scores_v, sem0, sem1):
    wid = _wid()
    base = wid * BPW
    nrow = BPW * 5
    pltpu.sync_copy(rel_hbm.at[pl.ds(wid * nrow, nrow)], idx_r)
    pltpu.sync_copy(ent_hbm.at[pl.ds(wid * nrow, nrow)], idx_e)
    pltpu.sync_copy(out_hbm.at[pl.ds(base, BPW)], o_all)

    lane15 = lax.iota(jnp.int32, 16) == 15

    def issue(bi, half, rows_r, rows_e, sem):
        dst = 0
        for (j, col, sz) in H_CHUNK[half]:
            pltpu.async_copy(emb_hbm.at[idx_r.at[bi * 5 + j, pl.ds(col, sz)]],
                             rows_r.at[pl.ds(dst, sz)], sem)
            pltpu.async_copy(emb_hbm.at[idx_e.at[bi * 5 + j, pl.ds(col, sz)]],
                             rows_e.at[pl.ds(dst, sz)], sem)
            dst += sz

    def drain(half, rows_r, rows_e, sem):
        n = H_N[half]
        pltpu.make_async_copy(
            emb_hbm.at[pl.ds(0, n)], rows_r.at[pl.ds(0, n)], sem).wait()
        pltpu.make_async_copy(
            emb_hbm.at[pl.ds(0, n)], rows_e.at[pl.ds(0, n)], sem).wait()

    def compute(bi, half, rows_r, rows_e):
        oc = [o_all[bi, pl.ds(c * 16, 16)] for c in range(16)]
        base_v = jnp.full((16,), bi * SW + H_OFF[half], jnp.int32)

        @plsc.parallel_loop(0, H_N[half], step=1, unroll=4)
        def _loop(al):
            prods = [rows_r[al, pl.ds(c * 16, 16)] * oc[c] for c in range(8)]
            prods += [rows_e[al, pl.ds((c - 8) * 16, 16)] * oc[c]
                      for c in range(8, 16)]
            while len(prods) > 1:
                prods = [prods[k] + prods[k + 1]
                         for k in range(0, len(prods), 2)]
            ps = plsc.cumsum(prods[0])
            plsc.store_scatter(scores_v, [base_v + al], ps, mask=lane15)

    NG = SW // 16
    lane_i = lax.iota(jnp.int32, 16)
    LN2 = 0.6931471805599453

    def bcast_last_max(v):
        return plsc.cummax(lax.rev(plsc.cummax(v), (0,)))

    def log_softmax_b(bi):
        sv = []
        for g in range(NG):
            s = scores_v[pl.ds(bi * SW + g * 16, 16)]
            p0 = g * 16
            r0 = p0 // 40
            brk = (r0 + 1) * 40 - p0
            if g == NG - 1:
                pv = jnp.minimum(lane_i + p0, A - 1)
                rowc = jnp.full((16,), bi * 5 + r0, jnp.int32)
                colc = pv - 40 * r0
            elif brk >= 16:
                rowc = jnp.full((16,), bi * 5 + r0, jnp.int32)
                colc = lane_i + (p0 - 40 * r0)
            else:
                ind = (lane_i >= brk).astype(jnp.int32)
                rowc = (bi * 5 + r0) + ind
                colc = lane_i + (p0 - 40 * r0) - 40 * ind
            ids = plsc.load_gather(idx_e, [rowc, colc])
            s = jnp.where(ids == 0, -99999.0, s)
            if g == NG - 1:
                s = jnp.where(lane_i >= 8, -jnp.inf, s)
            sv.append(s)
        mt = sv
        while len(mt) > 1:
            mt = [jnp.maximum(mt[k], mt[k + 1]) if k + 1 < len(mt) else mt[k]
                  for k in range(0, len(mt), 2)]
        bmax = bcast_last_max(mt[0])
        ev = [jnp.exp(s - bmax) for s in sv]
        while len(ev) > 1:
            ev = [ev[k] + ev[k + 1] if k + 1 < len(ev) else ev[k]
                  for k in range(0, len(ev), 2)]
        bsum = bcast_last_max(plsc.cumsum(ev[0]))
        bits = plsc.bitcast(bsum, jnp.int32)
        e_val = ((bits >> 23) & 0xFF) - 127
        mant = plsc.bitcast((bits & 0x7FFFFF) | 0x3F800000, _F32)
        tq = (mant - 1.0) / (mant + 1.0)
        t2 = tq * tq
        lnm = 2.0 * tq * (1.0 + t2 * (1.0 / 3.0 + t2 * (0.2 + t2 / 7.0)))
        lsum = e_val.astype(_F32) * LN2 + lnm
        off = bmax + lsum
        for g in range(NG):
            sg = sv[g] - off
            scores_v[pl.ds(bi * SW + g * 16, 16)] = sg

    issue(0, 0, rows_r0, rows_e0, sem0)

    def step(t, carry):
        issue(t, 1, rows_r1, rows_e1, sem1)
        drain(0, rows_r0, rows_e0, sem0)
        compute(t, 0, rows_r0, rows_e0)

        @pl.when(t + 1 < BPW)
        def _():
            issue(t + 1, 0, rows_r0, rows_e0, sem0)

        drain(1, rows_r1, rows_e1, sem1)
        compute(t, 1, rows_r1, rows_e1)
        log_softmax_b(t)
        return carry

    lax.fori_loop(0, BPW, step, 0)
    pltpu.sync_copy(scores_v, scores_hbm.at[pl.ds(base * SW, BPW * SW)])


def _score(rel_ids, ent_ids, out, emb):
    f = pl.kernel(
        _score_body,
        out_type=jax.ShapeDtypeStruct((B * SW,), _F32),
        mesh=_mesh(),
        scratch_types=[
            pltpu.VMEM((BPW * 5, 40), jnp.int32),
            pltpu.VMEM((BPW * 5, 40), jnp.int32),
            pltpu.VMEM((BPW, AE), _F32),
            pltpu.VMEM((96, D), _F32),
            pltpu.VMEM((96, D), _F32),
            pltpu.VMEM((104, D), _F32),
            pltpu.VMEM((104, D), _F32),
            pltpu.VMEM((BPW * SW,), _F32),
            pltpu.SemaphoreType.DMA,
            pltpu.SemaphoreType.DMA,
        ],
        compiler_params=pltpu.CompilerParams(needs_layout_passes=False),
    )
    return f(rel_ids, ent_ids, out, emb)


def kernel(prev_relation, current_entity, actions_id, queries, emb,
           W_ih, W_hh, b_ih, b_hh, W1, b1, W2, b2):
    del W_hh
    prev32 = prev_relation.astype(jnp.int32)
    cur32 = current_entity.astype(jnp.int32)
    qry32 = queries.astype(jnp.int32)
    act32 = actions_id.astype(jnp.int32)
    rel_ids = act32[:, :, 0]
    ent_ids = act32[:, :, 1]

    rel_e, cur_e, qry_e = _gather3(prev32, cur32, qry32, emb)
    out = _dense(rel_e, cur_e, qry_e, W_ih, b_ih, b_hh, W1, b1, W2, b2)
    logits = _score(rel_ids.reshape(B * 5, 40), ent_ids.reshape(B * 5, 40),
                    out, emb).reshape(B, SW)[:, :A]
    return (logits, rel_ids, ent_ids)

# --- scband reference (transcript-rebuilt; emitter-appended) ---
"""Pipeline reference for scband-agent-60035052863578 (READ-ONLY COPY).

The authoritative reference and input builder live on the scoring server;
editing this copy changes nothing except your own understanding.
"""

import jax, jax.numpy as jnp
import numpy as np

NUM_REL = 400
NUM_ENT = 100000
VOCAB = NUM_REL + NUM_ENT
D = 128          # relation_embed_size
B = 1024         # batch
A = 200          # actions per node
SE = 256         # state_embed_size
AE = 256         # action_embed_size (= 2*D, use_entity_embed=True)
H = 512          # mlp_hidden_size
PAD = 0          # pad_token_id


def setup_inputs(seed: int = 0) -> dict:
    key = jax.random.key(seed)
    ks = jax.random.split(key, 12)
    emb = jax.random.normal(ks[0], (VOCAB, D), dtype=jnp.float32) * 0.02
    emb = emb.at[PAD].set(0.0)  # padding_idx row is zero
    prev_relation = jax.random.randint(ks[1], (B,), 0, VOCAB)
    current_entity = jax.random.randint(ks[2], (B,), 0, VOCAB)
    actions_id = jax.random.randint(ks[3], (B, A, 2), 0, VOCAB)
    queries = jax.random.randint(ks[4], (B,), 0, NUM_REL)
    W_ih = jax.random.normal(ks[5], (4 * SE, AE), dtype=jnp.float32) * 0.02
    W_hh = jax.random.normal(ks[6], (4 * SE, SE), dtype=jnp.float32) * 0.02
    b_ih = jnp.zeros((4 * SE,), dtype=jnp.float32)
    b_hh = jnp.zeros((4 * SE,), dtype=jnp.float32)
    W1 = jax.random.normal(ks[7], (H, SE + AE), dtype=jnp.float32) * 0.02
    b1 = jnp.zeros((H,), dtype=jnp.float32)
    W2 = jax.random.normal(ks[8], (AE, H), dtype=jnp.float32) * 0.02
    b2 = jnp.zeros((AE,), dtype=jnp.float32)
    return {
        'prev_relation': prev_relation,
        'current_entity': current_entity,
        'actions_id': actions_id,
        'queries': queries,
        'emb': emb,
        'W_ih': W_ih, 'W_hh': W_hh, 'b_ih': b_ih, 'b_hh': b_hh,
        'W1': W1, 'b1': b1, 'W2': W2, 'b2': b2,
    }


def reference(prev_relation, current_entity, actions_id, queries, emb,
              W_ih, W_hh, b_ih, b_hh, W1, b1, W2, b2):
    # Agent.get_action_dist with mode='lstm_mlp', use_entity_embed=True, random=False,
    # self.state=None (LSTMCell default zero h0/c0).
    out_relations_id = actions_id[:, :, 0]
    out_entities_id = actions_id[:, :, 1]

    def action_encoder(rel_ids, ent_ids):
        return jnp.concatenate(
            [jnp.take(emb, rel_ids, axis=0), jnp.take(emb, ent_ids, axis=0)], axis=-1)

    action = action_encoder(out_relations_id, out_entities_id)          # [B, A, 2D]
    prev_action_embedding = action_encoder(prev_relation, current_entity)  # [B, 2D]

    # LSTMCell (torch gate order: i, f, g, o) with h0 = c0 = 0
    h0 = jnp.zeros((prev_action_embedding.shape[0], SE), dtype=jnp.float32)
    gates = (prev_action_embedding @ W_ih.T + b_ih) + (h0 @ W_hh.T + b_hh)
    i_g, f_g, g_g, o_g = jnp.split(gates, 4, axis=-1)
    i_g = jax.nn.sigmoid(i_g)
    f_g = jax.nn.sigmoid(f_g)
    g_g = jnp.tanh(g_g)
    o_g = jax.nn.sigmoid(o_g)
    c = f_g * 0.0 + i_g * g_g
    h = o_g * jnp.tanh(c)
    current_state = h                                                   # [B, SE]

    ent_q = action_encoder(queries, current_entity)                     # [B, 2D]
    state_query = jnp.concatenate([current_state, ent_q], axis=-1)      # [B, SE+AE]

    hidden = jax.nn.relu(state_query @ W1.T + b1)
    output = jax.nn.relu(hidden @ W2.T + b2)[:, None, :]                # [B, 1, AE]

    prelim_scores = jnp.sum(output * action, axis=-1)                   # [B, A]
    mask = out_entities_id == PAD
    scores = jnp.where(mask, jnp.full_like(prelim_scores, -99999.0), prelim_scores)
    logits = jax.nn.log_softmax(scores, axis=-1)
    return (logits, out_relations_id, out_entities_id)

if __name__ == "__main__":
    import jax
    _d = setup_inputs()
    print(jax.jit(kernel)(*tuple(_d.values())))

</pallas_src>

<mosaic_0001>
#map = affine_map<(d0, d1) -> (0, 0)>
#map1 = affine_map<(d0, d1) -> (0)>
module attributes {stable_mosaic.version = 14 : i64} {
  func.func @_score_body(%arg0: i32, %arg1: i32, %arg2: memref<5120x40xi32, #tpu.memory_space<hbm>>, %arg3: memref<5120x40xi32, #tpu.memory_space<hbm>>, %arg4: memref<1024x256xf32, #tpu.memory_space<hbm>>, %arg5: memref<100400x128xf32, #tpu.memory_space<hbm>>, %arg6: memref<212992xf32, #tpu.memory_space<hbm>>, %arg7: memref<160x40xi32, #tpu.memory_space<vmem>>, %arg8: memref<160x40xi32, #tpu.memory_space<vmem>>, %arg9: memref<32x256xf32, #tpu.memory_space<vmem>>, %arg10: memref<96x128xf32, #tpu.memory_space<vmem>>, %arg11: memref<96x128xf32, #tpu.memory_space<vmem>>, %arg12: memref<104x128xf32, #tpu.memory_space<vmem>>, %arg13: memref<104x128xf32, #tpu.memory_space<vmem>>, %arg14: memref<6656xf32, #tpu.memory_space<vmem>>, %arg15: memref<!tpu.dma_semaphore, #tpu.memory_space<semaphore_mem>>, %arg16: memref<!tpu.dma_semaphore, #tpu.memory_space<semaphore_mem>>) attributes {dimension_semantics = [#tpu.dimension_semantics<core_parallel>, #tpu.dimension_semantics<subcore_parallel>], iteration_bounds = array<i64: 2, 16>, scalar_prefetch = 0 : i64, scratch_operands = 10 : i64, tpu.core_type = #tpu.core_type<sc_vector_subcore>, window_params = [{transform_indices = #map}, {transform_indices = #map}, {transform_indices = #map}, {transform_indices = #map}, {transform_indices = #map1}]} {
    %mul3A = arith.constant 2 : i32
    %mul3A_0 = arith.muli %arg1, %mul3A : i32
    %add3A = arith.addi %mul3A_0, %arg0 : i32
    %mul3A_1 = arith.constant 32 : i32
    %mul3A_2 = arith.muli %add3A, %mul3A_1 : i32
    %mul3A_3 = arith.constant 160 : i32
    %mul3A_4 = arith.muli %add3A, %mul3A_3 : i32
    "tpu.region"() ({
      %run_scoped3A = tpu.sem_alloc : memref<!tpu.dma_semaphore, #tpu.memory_space<semaphore_mem>>
      %dma_start3A_76 = arith.constant 0 : i32
      %dma_start3A_77 = tpu.memref_slice %arg2[%mul3A_4, %dma_start3A_76] : memref<5120x40xi32, #tpu.memory_space<hbm>> -> memref<160x40xi32, #tpu.memory_space<hbm>>
      %dma_start3A_78 = arith.constant 0 : i32
      %dma_start3A_79 = tpu.memref_slice %arg2[%mul3A_4, %dma_start3A_78] : memref<5120x40xi32, #tpu.memory_space<hbm>> -> memref<160x40xi32, #tpu.memory_space<hbm>>
      tpu.enqueue_dma source(%dma_start3A_79 : memref<160x40xi32, #tpu.memory_space<hbm>>) target(%arg7 : memref<160x40xi32, #tpu.memory_space<vmem>>) target_semaphore(%run_scoped3A : memref<!tpu.dma_semaphore, #tpu.memory_space<semaphore_mem>>)
      %dma_wait3A = arith.constant 0 : i32
      %dma_wait3A_80 = tpu.memref_slice %arg2[%mul3A_4, %dma_wait3A] : memref<5120x40xi32, #tpu.memory_space<hbm>> -> memref<160x40xi32, #tpu.memory_space<hbm>>
      %dma_wait3A_81 = arith.constant 0 : i32
      %dma_wait3A_82 = tpu.memref_slice %arg2[%mul3A_4, %dma_wait3A_81] : memref<5120x40xi32, #tpu.memory_space<hbm>> -> memref<160x40xi32, #tpu.memory_space<hbm>>
      tpu.wait_dma2 semaphore(%run_scoped3A : memref<!tpu.dma_semaphore, #tpu.memory_space<semaphore_mem>>) src(%dma_wait3A_82 : memref<160x40xi32, #tpu.memory_space<hbm>>) dst(%arg7 : memref<160x40xi32, #tpu.memory_space<vmem>>)
      tpu.yield
    }) : () -> ()
    %mul3A_5 = arith.constant 160 : i32
    %mul3A_6 = arith.muli %add3A, %mul3A_5 : i32
    "tpu.region"() ({
      %run_scoped3A = tpu.sem_alloc : memref<!tpu.dma_semaphore, #tpu.memory_space<semaphore_mem>>
      %dma_start3A_76 = arith.constant 0 : i32
      %dma_start3A_77 = tpu.memref_slice %arg3[%mul3A_6, %dma_start3A_76] : memref<5120x40xi32, #tpu.memory_space<hbm>> -> memref<160x40xi32, #tpu.memory_space<hbm>>
      %dma_start3A_78 = arith.constant 0 : i32
      %dma_start3A_79 = tpu.memref_slice %arg3[%mul3A_6, %dma_start3A_78] : memref<5120x40xi32, #tpu.memory_space<hbm>> -> memref<160x40xi32, #tpu.memory_space<hbm>>
      tpu.enqueue_dma source(%dma_start3A_79 : memref<160x40xi32, #tpu.memory_space<hbm>>) target(%arg8 : memref<160x40xi32, #tpu.memory_space<vmem>>) target_semaphore(%run_scoped3A : memref<!tpu.dma_semaphore, #tpu.memory_space<semaphore_mem>>)
      %dma_wait3A = arith.constant 0 : i32
      %dma_wait3A_80 = tpu.memref_slice %arg3[%mul3A_6, %dma_wait3A] : memref<5120x40xi32, #tpu.memory_space<hbm>> -> memref<160x40xi32, #tpu.memory_space<hbm>>
      %dma_wait3A_81 = arith.constant 0 : i32
      %dma_wait3A_82 = tpu.memref_slice %arg3[%mul3A_6, %dma_wait3A_81] : memref<5120x40xi32, #tpu.memory_space<hbm>> -> memref<160x40xi32, #tpu.memory_space<hbm>>
      tpu.wait_dma2 semaphore(%run_scoped3A : memref<!tpu.dma_semaphore, #tpu.memory_space<semaphore_mem>>) src(%dma_wait3A_82 : memref<160x40xi32, #tpu.memory_space<hbm>>) dst(%arg8 : memref<160x40xi32, #tpu.memory_space<vmem>>)
      tpu.yield
    }) : () -> ()
    "tpu.region"() ({
      %run_scoped3A = tpu.sem_alloc : memref<!tpu.dma_semaphore, #tpu.memory_space<semaphore_mem>>
      %dma_start3A_76 = arith.constant 0 : i32
      %dma_start3A_77 = tpu.memref_slice %arg4[%mul3A_2, %dma_start3A_76] : memref<1024x256xf32, #tpu.memory_space<hbm>> -> memref<32x256xf32, #tpu.memory_space<hbm>>
      %dma_start3A_78 = arith.constant 0 : i32
      %dma_start3A_79 = tpu.memref_slice %arg4[%mul3A_2, %dma_start3A_78] : memref<1024x256xf32, #tpu.memory_space<hbm>> -> memref<32x256xf32, #tpu.memory_space<hbm>>
      tpu.enqueue_dma source(%dma_start3A_79 : memref<32x256xf32, #tpu.memory_space<hbm>>) target(%arg9 : memref<32x256xf32, #tpu.memory_space<vmem>>) target_semaphore(%run_scoped3A : memref<!tpu.dma_semaphore, #tpu.memory_space<semaphore_mem>>)
      %dma_wait3A = arith.constant 0 : i32
      %dma_wait3A_80 = tpu.memref_slice %arg4[%mul3A_2, %dma_wait3A] : memref<1024x256xf32, #tpu.memory_space<hbm>> -> memref<32x256xf32, #tpu.memory_space<hbm>>
      %dma_wait3A_81 = arith.constant 0 : i32
      %dma_wait3A_82 = tpu.memref_slice %arg4[%mul3A_2, %dma_wait3A_81] : memref<1024x256xf32, #tpu.memory_space<hbm>> -> memref<32x256xf32, #tpu.memory_space<hbm>>
      tpu.wait_dma2 semaphore(%run_scoped3A : memref<!tpu.dma_semaphore, #tpu.memory_space<semaphore_mem>>) src(%dma_wait3A_82 : memref<32x256xf32, #tpu.memory_space<hbm>>) dst(%arg9 : memref<32x256xf32, #tpu.memory_space<vmem>>)
      tpu.yield
    }) : () -> ()
    %iota3A = tpu.iota {dimensions = array<i32: 0>} : vector<16xi32>
    %eq3A = arith.constant 15 : i32
    %eq3A_7 = vector.broadcast %eq3A : i32 to vector<16xi32>
    %eq3A_8 = arith.cmpi eq, %iota3A, %eq3A_7 : vector<16xi32>
    %iota3A_9 = tpu.iota {dimensions = array<i32: 0>} : vector<16xi32>
    %dma_start3A = arith.constant 0 : i32
    %dma_start3A_10 = arith.constant 0 : i32
    %dma_start3A_11 = arith.constant 0 : i32
    %dma_start3A_12 = tpu.memref_slice %arg10[%dma_start3A_10, %dma_start3A_11] : memref<96x128xf32, #tpu.memory_space<vmem>> -> memref<40x128xf32, #tpu.memory_space<vmem>>
    %dma_start3A_13 = arith.constant 0 : i32
    %dma_start3A_14 = tpu.memref_slice %arg7[%dma_start3A, %dma_start3A_13] : memref<160x40xi32, #tpu.memory_space<vmem>> -> memref<1x40xi32, #tpu.memory_space<vmem>>
    %dma_start3A_15 = tpu.memref_squeeze %dma_start3A_14 : memref<1x40xi32, #tpu.memory_space<vmem>> -> memref<40xi32, #tpu.memory_space<vmem>>
    %dma_start3A_16 = arith.constant 0 : i32
    %dma_start3A_17 = arith.constant 0 : i32
    %dma_start3A_18 = tpu.memref_slice %arg5[%dma_start3A_16, %dma_start3A_17] : memref<100400x128xf32, #tpu.memory_space<hbm>> -> memref<100400x128xf32, #tpu.memory_space<hbm>>
    tpu.enqueue_indirect_dma source(%dma_start3A_18 : memref<100400x128xf32, #tpu.memory_space<hbm>>) target(%dma_start3A_12 : memref<40x128xf32, #tpu.memory_space<vmem>>) offsets(%dma_start3A_15 : memref<40xi32, #tpu.memory_space<vmem>>) semaphore(%arg15 : memref<!tpu.dma_semaphore, #tpu.memory_space<semaphore_mem>>)
    %dma_start3A_19 = arith.constant 0 : i32
    %dma_start3A_20 = arith.constant 0 : i32
    %dma_start3A_21 = arith.constant 0 : i32
    %dma_start3A_22 = tpu.memref_slice %arg11[%dma_start3A_20, %dma_start3A_21] : memref<96x128xf32, #tpu.memory_space<vmem>> -> memref<40x128xf32, #tpu.memory_space<vmem>>
    %dma_start3A_23 = arith.constant 0 : i32
    %dma_start3A_24 = tpu.memref_slice %arg8[%dma_start3A_19, %dma_start3A_23] : memref<160x40xi32, #tpu.memory_space<vmem>> -> memref<1x40xi32, #tpu.memory_space<vmem>>
    %dma_start3A_25 = tpu.memref_squeeze %dma_start3A_24 : memref<1x40xi32, #tpu.memory_space<vmem>> -> memref<40xi32, #tpu.memory_space<vmem>>
    %dma_start3A_26 = arith.constant 0 : i32
    %dma_start3A_27 = arith.constant 0 : i32
    %dma_start3A_28 = tpu.memref_slice %arg5[%dma_start3A_26, %dma_start3A_27] : memref<100400x128xf32, #tpu.memory_space<hbm>> -> memref<100400x128xf32, #tpu.memory_space<hbm>>
    tpu.enqueue_indirect_dma source(%dma_start3A_28 : memref<100400x128xf32, #tpu.memory_space<hbm>>) target(%dma_start3A_22 : memref<40x128xf32, #tpu.memory_space<vmem>>) offsets(%dma_start3A_25 : memref<40xi32, #tpu.memory_space<vmem>>) semaphore(%arg15 : memref<!tpu.dma_semaphore, #tpu.memory_space<semaphore_mem>>)
    %dma_start3A_29 = arith.constant 1 : i32
    %dma_start3A_30 = arith.constant 40 : i32
    %dma_start3A_31 = arith.constant 0 : i32
    %dma_start3A_32 = tpu.memref_slice %arg10[%dma_start3A_30, %dma_start3A_31] : memref<96x128xf32, #tpu.memory_space<vmem>> -> memref<40x128xf32, #tpu.memory_space<vmem>>
    %dma_start3A_33 = arith.constant 0 : i32
    %dma_start3A_34 = tpu.memref_slice %arg7[%dma_start3A_29, %dma_start3A_33] : memref<160x40xi32, #tpu.memory_space<vmem>> -> memref<1x40xi32, #tpu.memory_space<vmem>>
    %dma_start3A_35 = tpu.memref_squeeze %dma_start3A_34 : memref<1x40xi32, #tpu.memory_space<vmem>> -> memref<40xi32, #tpu.memory_space<vmem>>
    %dma_start3A_36 = arith.constant 0 : i32
    %dma_start3A_37 = arith.constant 0 : i32
    %dma_start3A_38 = tpu.memref_slice %arg5[%dma_start3A_36, %dma_start3A_37] : memref<100400x128xf32, #tpu.memory_space<hbm>> -> memref<100400x128xf32, #tpu.memory_space<hbm>>
    tpu.enqueue_indirect_dma source(%dma_start3A_38 : memref<100400x128xf32, #tpu.memory_space<hbm>>) target(%dma_start3A_32 : memref<40x128xf32, #tpu.memory_space<vmem>>) offsets(%dma_start3A_35 : memref<40xi32, #tpu.memory_space<vmem>>) semaphore(%arg15 : memref<!tpu.dma_semaphore, #tpu.memory_space<semaphore_mem>>)
    %dma_start3A_39 = arith.constant 1 : i32
    %dma_start3A_40 = arith.constant 40 : i32
    %dma_start3A_41 = arith.constant 0 : i32
    %dma_start3A_42 = tpu.memref_slice %arg11[%dma_start3A_40, %dma_start3A_41] : memref<96x128xf32, #tpu.memory_space<vmem>> -> memref<40x128xf32, #tpu.memory_space<vmem>>
    %dma_start3A_43 = arith.constant 0 : i32
    %dma_start3A_44 = tpu.memref_slice %arg8[%dma_start3A_39, %dma_start3A_43] : memref<160x40xi32, #tpu.memory_space<vmem>> -> memref<1x40xi32, #tpu.memory_space<vmem>>
    %dma_start3A_45 = tpu.memref_squeeze %dma_start3A_44 : memref<1x40xi32, #tpu.memory_space<vmem>> -> memref<40xi32, #tpu.memory_space<vmem>>
    %dma_start3A_46 = arith.constant 0 : i32
    %dma_start3A_47 = arith.constant 0 : i32
    %dma_start3A_48 = tpu.memref_slice %arg5[%dma_start3A_46, %dma_start3A_47] : memref<100400x128xf32, #tpu.memory_space<hbm>> -> memref<100400x128xf32, #tpu.memory_space<hbm>>
    tpu.enqueue_indirect_dma source(%dma_start3A_48 : memref<100400x128xf32, #tpu.memory_space<hbm>>) target(%dma_start3A_42 : memref<40x128xf32, #tpu.memory_space<vmem>>) offsets(%dma_start3A_45 : memref<40xi32, #tpu.memory_space<vmem>>) semaphore(%arg15 : memref<!tpu.dma_semaphore, #tpu.memory_space<semaphore_mem>>)
    %dma_start3A_49 = arith.constant 2 : i32
    %dma_start3A_50 = arith.constant 80 : i32
    %dma_start3A_51 = arith.constant 0 : i32
    %dma_start3A_52 = tpu.memref_slice %arg10[%dma_start3A_50, %dma_start3A_51] : memref<96x128xf32, #tpu.memory_space<vmem>> -> memref<16x128xf32, #tpu.memory_space<vmem>>
    %dma_start3A_53 = arith.constant 0 : i32
    %dma_start3A_54 = tpu.memref_slice %arg7[%dma_start3A_49, %dma_start3A_53] : memref<160x40xi32, #tpu.memory_space<vmem>> -> memref<1x16xi32, #tpu.memory_space<vmem>>
    %dma_start3A_55 = tpu.memref_squeeze %dma_start3A_54 : memref<1x16xi32, #tpu.memory_space<vmem>> -> memref<16xi32, #tpu.memory_space<vmem>>
    %dma_start3A_56 = arith.constant 0 : i32
    %dma_start3A_57 = arith.constant 0 : i32
    %dma_start3A_58 = tpu.memref_slice %arg5[%dma_start3A_56, %dma_start3A_57] : memref<100400x128xf32, #tpu.memory_space<hbm>> -> memref<100400x128xf32, #tpu.memory_space<hbm>>
    tpu.enqueue_indirect_dma source(%dma_start3A_58 : memref<100400x128xf32, #tpu.memory_space<hbm>>) target(%dma_start3A_52 : memref<16x128xf32, #tpu.memory_space<vmem>>) offsets(%dma_start3A_55 : memref<16xi32, #tpu.memory_space<vmem>>) semaphore(%arg15 : memref<!tpu.dma_semaphore, #tpu.memory_space<semaphore_mem>>)
    %dma_start3A_59 = arith.constant 2 : i32
    %dma_start3A_60 = arith.constant 80 : i32
    %dma_start3A_61 = arith.constant 0 : i32
    %dma_start3A_62 = tpu.memref_slice %arg11[%dma_start3A_60, %dma_start3A_61] : memref<96x128xf32, #tpu.memory_space<vmem>> -> memref<16x128xf32, #tpu.memory_space<vmem>>
    %dma_start3A_63 = arith.constant 0 : i32
    %dma_start3A_64 = tpu.memref_slice %arg8[%dma_start3A_59, %dma_start3A_63] : memref<160x40xi32, #tpu.memory_space<vmem>> -> memref<1x16xi32, #tpu.memory_space<vmem>>
    %dma_start3A_65 = tpu.memref_squeeze %dma_start3A_64 : memref<1x16xi32, #tpu.memory_space<vmem>> -> memref<16xi32, #tpu.memory_space<vmem>>
    %dma_start3A_66 = arith.constant 0 : i32
    %dma_start3A_67 = arith.constant 0 : i32
    %dma_start3A_68 = tpu.memref_slice %arg5[%dma_start3A_66, %dma_start3A_67] : memref<100400x128xf32, #tpu.memory_space<hbm>> -> memref<100400x128xf32, #tpu.memory_space<hbm>>
    tpu.enqueue_indirect_dma source(%dma_start3A_68 : memref<100400x128xf32, #tpu.memory_space<hbm>>) target(%dma_start3A_62 : memref<16x128xf32, #tpu.memory_space<vmem>>) offsets(%dma_start3A_65 : memref<16xi32, #tpu.memory_space<vmem>>) semaphore(%arg15 : memref<!tpu.dma_semaphore, #tpu.memory_space<semaphore_mem>>)
    %scan3A = arith.constant 0 : i32
    %scan3A_69 = arith.constant 0 : i32
    %scan3A_70 = arith.constant 32 : i32
    %scan3A_71 = arith.addi %scan3A_69, %scan3A_70 : i32
    %scan3A_72 = arith.constant 1 : i32
    scf.for %scan3A_76 = %scan3A_69 to %scan3A_71 step %scan3A_72  : i32 {
      %mul3A_77 = arith.constant 5 : i32
      %mul3A_78 = arith.muli %scan3A_76, %mul3A_77 : i32
      %add3A_79 = arith.constant 2 : i32
      %add3A_80 = arith.addi %mul3A_78, %add3A_79 : i32
      %dma_start3A_81 = arith.constant 0 : i32
      %dma_start3A_82 = arith.constant 0 : i32
      %dma_start3A_83 = tpu.memref_slice %arg12[%dma_start3A_81, %dma_start3A_82] : memref<104x128xf32, #tpu.memory_space<vmem>> -> memref<24x128xf32, #tpu.memory_space<vmem>>
      %dma_start3A_84 = arith.constant 16 : i32
      %dma_start3A_85 = tpu.memref_slice %arg7[%add3A_80, %dma_start3A_84] : memref<160x40xi32, #tpu.memory_space<vmem>> -> memref<1x24xi32, #tpu.memory_space<vmem>>
      %dma_start3A_86 = tpu.memref_squeeze %dma_start3A_85 : memref<1x24xi32, #tpu.memory_space<vmem>> -> memref<24xi32, #tpu.memory_space<vmem>>
      %dma_start3A_87 = arith.constant 0 : i32
      %dma_start3A_88 = arith.constant 0 : i32
      %dma_start3A_89 = tpu.memref_slice %arg5[%dma_start3A_87, %dma_start3A_88] : memref<100400x128xf32, #tpu.memory_space<hbm>> -> memref<100400x128xf32, #tpu.memory_space<hbm>>
      tpu.enqueue_indirect_dma source(%dma_start3A_89 : memref<100400x128xf32, #tpu.memory_space<hbm>>) target(%dma_start3A_83 : memref<24x128xf32, #tpu.memory_space<vmem>>) offsets(%dma_start3A_86 : memref<24xi32, #tpu.memory_space<vmem>>) semaphore(%arg16 : memref<!tpu.dma_semaphore, #tpu.memory_space<semaphore_mem>>)
      %mul3A_90 = arith.constant 5 : i32
      %mul3A_91 = arith.muli %scan3A_76, %mul3A_90 : i32
      %add3A_92 = arith.constant 2 : i32
      %add3A_93 = arith.addi %mul3A_91, %add3A_92 : i32
      %dma_start3A_94 = arith.constant 0 : i32
      %dma_start3A_95 = arith.constant 0 : i32
      %dma_start3A_96 = tpu.memref_slice %arg13[%dma_start3A_94, %dma_start3A_95] : memref<104x128xf32, #tpu.memory_space<vmem>> -> memref<24x128xf32, #tpu.memory_space<vmem>>
      %dma_start3A_97 = arith.constant 16 : i32
      %dma_start3A_98 = tpu.memref_slice %arg8[%add3A_93, %dma_start3A_97] : memref<160x40xi32, #tpu.memory_space<vmem>> -> memref<1x24xi32, #tpu.memory_space<vmem>>
      %dma_start3A_99 = tpu.memref_squeeze %dma_start3A_98 : memref<1x24xi32, #tpu.memory_space<vmem>> -> memref<24xi32, #tpu.memory_space<vmem>>
      %dma_start3A_100 = arith.constant 0 : i32
      %dma_start3A_101 = arith.constant 0 : i32
      %dma_start3A_102 = tpu.memref_slice %arg5[%dma_start3A_100, %dma_start3A_101] : memref<100400x128xf32, #tpu.memory_space<hbm>> -> memref<100400x128xf32, #tpu.memory_space<hbm>>
      tpu.enqueue_indirect_dma source(%dma_start3A_102 : memref<100400x128xf32, #tpu.memory_space<hbm>>) target(%dma_start3A_96 : memref<24x128xf32, #tpu.memory_space<vmem>>) offsets(%dma_start3A_99 : memref<24xi32, #tpu.memory_space<vmem>>) semaphore(%arg16 : memref<!tpu.dma_semaphore, #tpu.memory_space<semaphore_mem>>)
      %mul3A_103 = arith.constant 5 : i32
      %mul3A_104 = arith.muli %scan3A_76, %mul3A_103 : i32
      %add3A_105 = arith.constant 3 : i32
      %add3A_106 = arith.addi %mul3A_104, %add3A_105 : i32
      %dma_start3A_107 = arith.constant 24 : i32
      %dma_start3A_108 = arith.constant 0 : i32
      %dma_start3A_109 = tpu.memref_slice %arg12[%dma_start3A_107, %dma_start3A_108] : memref<104x128xf32, #tpu.memory_space<vmem>> -> memref<40x128xf32, #tpu.memory_space<vmem>>
      %dma_start3A_110 = arith.constant 0 : i32
      %dma_start3A_111 = tpu.memref_slice %arg7[%add3A_106, %dma_start3A_110] : memref<160x40xi32, #tpu.memory_space<vmem>> -> memref<1x40xi32, #tpu.memory_space<vmem>>
      %dma_start3A_112 = tpu.memref_squeeze %dma_start3A_111 : memref<1x40xi32, #tpu.memory_space<vmem>> -> memref<40xi32, #tpu.memory_space<vmem>>
      %dma_start3A_113 = arith.constant 0 : i32
      %dma_start3A_114 = arith.constant 0 : i32
      %dma_start3A_115 = tpu.memref_slice %arg5[%dma_start3A_113, %dma_start3A_114] : memref<100400x128xf32, #tpu.memory_space<hbm>> -> memref<100400x128xf32, #tpu.memory_space<hbm>>
      tpu.enqueue_indirect_dma source(%dma_start3A_115 : memref<100400x128xf32, #tpu.memory_space<hbm>>) target(%dma_start3A_109 : memref<40x128xf32, #tpu.memory_space<vmem>>) offsets(%dma_start3A_112 : memref<40xi32, #tpu.memory_space<vmem>>) semaphore(%arg16 : memref<!tpu.dma_semaphore, #tpu.memory_space<semaphore_mem>>)
      %mul3A_116 = arith.constant 5 : i32
      %mul3A_117 = arith.muli %scan3A_76, %mul3A_116 : i32
      %add3A_118 = arith.constant 3 : i32
      %add3A_119 = arith.addi %mul3A_117, %add3A_118 : i32
      %dma_start3A_120 = arith.constant 24 : i32
      %dma_start3A_121 = arith.constant 0 : i32
      %dma_start3A_122 = tpu.memref_slice %arg13[%dma_start3A_120, %dma_start3A_121] : memref<104x128xf32, #tpu.memory_space<vmem>> -> memref<40x128xf32, #tpu.memory_space<vmem>>
      %dma_start3A_123 = arith.constant 0 : i32
      %dma_start3A_124 = tpu.memref_slice %arg8[%add3A_119, %dma_start3A_123] : memref<160x40xi32, #tpu.memory_space<vmem>> -> memref<1x40xi32, #tpu.memory_space<vmem>>
      %dma_start3A_125 = tpu.memref_squeeze %dma_start3A_124 : memref<1x40xi32, #tpu.memory_space<vmem>> -> memref<40xi32, #tpu.memory_space<vmem>>
      %dma_start3A_126 = arith.constant 0 : i32
      %dma_start3A_127 = arith.constant 0 : i32
      %dma_start3A_128 = tpu.memref_slice %arg5[%dma_start3A_126, %dma_start3A_127] : memref<100400x128xf32, #tpu.memory_space<hbm>> -> memref<100400x128xf32, #tpu.memory_space<hbm>>
      tpu.enqueue_indirect_dma source(%dma_start3A_128 : memref<100400x128xf32, #tpu.memory_space<hbm>>) target(%dma_start3A_122 : memref<40x128xf32, #tpu.memory_space<vmem>>) offsets(%dma_start3A_125 : memref<40xi32, #tpu.memory_space<vmem>>) semaphore(%arg16 : memref<!tpu.dma_semaphore, #tpu.memory_space<semaphore_mem>>)
      %mul3A_129 = arith.constant 5 : i32
      %mul3A_130 = arith.muli %scan3A_76, %mul3A_129 : i32
      %add3A_131 = arith.constant 4 : i32
      %add3A_132 = arith.addi %mul3A_130, %add3A_131 : i32
      %dma_start3A_133 = arith.constant 64 : i32
      %dma_start3A_134 = arith.constant 0 : i32
      %dma_start3A_135 = tpu.memref_slice %arg12[%dma_start3A_133, %dma_start3A_134] : memref<104x128xf32, #tpu.memory_space<vmem>> -> memref<40x128xf32, #tpu.memory_space<vmem>>
      %dma_start3A_136 = arith.constant 0 : i32
      %dma_start3A_137 = tpu.memref_slice %arg7[%add3A_132, %dma_start3A_136] : memref<160x40xi32, #tpu.memory_space<vmem>> -> memref<1x40xi32, #tpu.memory_space<vmem>>
      %dma_start3A_138 = tpu.memref_squeeze %dma_start3A_137 : memref<1x40xi32, #tpu.memory_space<vmem>> -> memref<40xi32, #tpu.memory_space<vmem>>
      %dma_start3A_139 = arith.constant 0 : i32
      %dma_start3A_140 = arith.constant 0 : i32
      %dma_start3A_141 = tpu.memref_slice %arg5[%dma_start3A_139, %dma_start3A_140] : memref<100400x128xf32, #tpu.memory_space<hbm>> -> memref<100400x128xf32, #tpu.memory_space<hbm>>
      tpu.enqueue_indirect_dma source(%dma_start3A_141 : memref<100400x128xf32, #tpu.memory_space<hbm>>) target(%dma_start3A_135 : memref<40x128xf32, #tpu.memory_space<vmem>>) offsets(%dma_start3A_138 : memref<40xi32, #tpu.memory_space<vmem>>) semaphore(%arg16 : memref<!tpu.dma_semaphore, #tpu.memory_space<semaphore_mem>>)
      %mul3A_142 = arith.constant 5 : i32
      %mul3A_143 = arith.muli %scan3A_76, %mul3A_142 : i32
      %add3A_144 = arith.constant 4 : i32
      %add3A_145 = arith.addi %mul3A_143, %add3A_144 : i32
      %dma_start3A_146 = arith.constant 64 : i32
      %dma_start3A_147 = arith.constant 0 : i32
      %dma_start3A_148 = tpu.memref_slice %arg13[%dma_start3A_146, %dma_start3A_147] : memref<104x128xf32, #tpu.memory_space<vmem>> -> memref<40x128xf32, #tpu.memory_space<vmem>>
      %dma_start3A_149 = arith.constant 0 : i32
      %dma_start3A_150 = tpu.memref_slice %arg8[%add3A_145, %dma_start3A_149] : memref<160x40xi32, #tpu.memory_space<vmem>> -> memref<1x40xi32, #tpu.memory_space<vmem>>
      %dma_start3A_151 = tpu.memref_squeeze %dma_start3A_150 : memref<1x40xi32, #tpu.memory_space<vmem>> -> memref<40xi32, #tpu.memory_space<vmem>>
      %dma_start3A_152 = arith.constant 0 : i32
      %dma_start3A_153 = arith.constant 0 : i32
      %dma_start3A_154 = tpu.memref_slice %arg5[%dma_start3A_152, %dma_start3A_153] : memref<100400x128xf32, #tpu.memory_space<hbm>> -> memref<100400x128xf32, #tpu.memory_space<hbm>>
      tpu.enqueue_indirect_dma source(%dma_start3A_154 : memref<100400x128xf32, #tpu.memory_space<hbm>>) target(%dma_start3A_148 : memref<40x128xf32, #tpu.memory_space<vmem>>) offsets(%dma_start3A_151 : memref<40xi32, #tpu.memory_space<vmem>>) semaphore(%arg16 : memref<!tpu.dma_semaphore, #tpu.memory_space<semaphore_mem>>)
      %dma_wait3A = arith.constant 0 : i32
      %dma_wait3A_155 = arith.constant 0 : i32
      %dma_wait3A_156 = tpu.memref_slice %arg10[%dma_wait3A, %dma_wait3A_155] : memref<96x128xf32, #tpu.memory_space<vmem>> -> memref<96x128xf32, #tpu.memory_space<vmem>>
      %dma_wait3A_157 = arith.constant 0 : i32
      %dma_wait3A_158 = arith.constant 0 : i32
      %dma_wait3A_159 = tpu.memref_slice %arg5[%dma_wait3A_157, %dma_wait3A_158] : memref<100400x128xf32, #tpu.memory_space<hbm>> -> memref<96x128xf32, #tpu.memory_space<hbm>>
      %dma_wait3A_160 = arith.constant 0 : i32
      %dma_wait3A_161 = arith.constant 0 : i32
      %dma_wait3A_162 = tpu.memref_slice %arg10[%dma_wait3A_160, %dma_wait3A_161] : memref<96x128xf32, #tpu.memory_space<vmem>> -> memref<96x128xf32, #tpu.memory_space<vmem>>
      %dma_wait3A_163 = arith.constant 0 : i32
      %dma_wait3A_164 = arith.constant 0 : i32
      %dma_wait3A_165 = tpu.memref_slice %arg5[%dma_wait3A_163, %dma_wait3A_164] : memref<100400x128xf32, #tpu.memory_space<hbm>> -> memref<96x128xf32, #tpu.memory_space<hbm>>
      tpu.wait_dma2 semaphore(%arg15 : memref<!tpu.dma_semaphore, #tpu.memory_space<semaphore_mem>>) src(%dma_wait3A_165 : memref<96x128xf32, #tpu.memory_space<hbm>>) dst(%dma_wait3A_162 : memref<96x128xf32, #tpu.memory_space<vmem>>)
      %dma_wait3A_166 = arith.constant 0 : i32
      %dma_wait3A_167 = arith.constant 0 : i32
      %dma_wait3A_168 = tpu.memref_slice %arg11[%dma_wait3A_166, %dma_wait3A_167] : memref<96x128xf32, #tpu.memory_space<vmem>> -> memref<96x128xf32, #tpu.memory_space<vmem>>
      %dma_wait3A_169 = arith.constant 0 : i32
      %dma_wait3A_170 = arith.constant 0 : i32
      %dma_wait3A_171 = tpu.memref_slice %arg5[%dma_wait3A_169, %dma_wait3A_170] : memref<100400x128xf32, #tpu.memory_space<hbm>> -> memref<96x128xf32, #tpu.memory_space<hbm>>
      %dma_wait3A_172 = arith.constant 0 : i32
      %dma_wait3A_173 = arith.constant 0 : i32
      %dma_wait3A_174 = tpu.memref_slice %arg11[%dma_wait3A_172, %dma_wait3A_173] : memref<96x128xf32, #tpu.memory_space<vmem>> -> memref<96x128xf32, #tpu.memory_space<vmem>>
      %dma_wait3A_175 = arith.constant 0 : i32
      %dma_wait3A_176 = arith.constant 0 : i32
      %dma_wait3A_177 = tpu.memref_slice %arg5[%dma_wait3A_175, %dma_wait3A_176] : memref<100400x128xf32, #tpu.memory_space<hbm>> -> memref<96x128xf32, #tpu.memory_space<hbm>>
      tpu.wait_dma2 semaphore(%arg15 : memref<!tpu.dma_semaphore, #tpu.memory_space<semaphore_mem>>) src(%dma_wait3A_177 : memref<96x128xf32, #tpu.memory_space<hbm>>) dst(%dma_wait3A_174 : memref<96x128xf32, #tpu.memory_space<vmem>>)
      %get3A = arith.index_cast %scan3A_76 : i32 to index
      %get3A_178 = arith.constant 0 : index
      %get3A_179 = tpu.vector_load %arg9[%get3A, %get3A_178] {strides = array<i32>} : memref<32x256xf32, #tpu.memory_space<vmem>>, vector<16xf32>,
      %get3A_180 = arith.index_cast %scan3A_76 : i32 to index
      %get3A_181 = arith.constant 16 : index
      %get3A_182 = tpu.vector_load %arg9[%get3A_180, %get3A_181] {strides = array<i32>} : memref<32x256xf32, #tpu.memory_space<vmem>>, vector<16xf32>,
      %get3A_183 = arith.index_cast %scan3A_76 : i32 to index
      %get3A_184 = arith.constant 32 : index
      %get3A_185 = tpu.vector_load %arg9[%get3A_183, %get3A_184] {strides = array<i32>} : memref<32x256xf32, #tpu.memory_space<vmem>>, vector<16xf32>,
      %get3A_186 = arith.index_cast %scan3A_76 : i32 to index
      %get3A_187 = arith.constant 48 : index
      %get3A_188 = tpu.vector_load %arg9[%get3A_186, %get3A_187] {strides = array<i32>} : memref<32x256xf32, #tpu.memory_space<vmem>>, vector<16xf32>,
      %get3A_189 = arith.index_cast %scan3A_76 : i32 to index
      %get3A_190 = arith.constant 64 : index
      %get3A_191 = tpu.vector_load %arg9[%get3A_189, %get3A_190] {strides = array<i32>} : memref<32x256xf32, #tpu.memory_space<vmem>>, vector<16xf32>,
      %get3A_192 = arith.index_cast %scan3A_76 : i32 to index
      %get3A_193 = arith.constant 80 : index
      %get3A_194 = tpu.vector_load %arg9[%get3A_192, %get3A_193] {strides = array<i32>} : memref<32x256xf32, #tpu.memory_space<vmem>>, vector<16xf32>,
      %get3A_195 = arith.index_cast %scan3A_76 : i32 to index
      %get3A_196 = arith.constant 96 : index
      %get3A_197 = tpu.vector_load %arg9[%get3A_195, %get3A_196] {strides = array<i32>} : memref<32x256xf32, #tpu.memory_space<vmem>>, vector<16xf32>,
      %get3A_198 = arith.index_cast %scan3A_76 : i32 to index
      %get3A_199 = arith.constant 112 : index
      %get3A_200 = tpu.vector_load %arg9[%get3A_198, %get3A_199] {strides = array<i32>} : memref<32x256xf32, #tpu.memory_space<vmem>>, vector<16xf32>,
      %get3A_201 = arith.index_cast %scan3A_76 : i32 to index
      %get3A_202 = arith.constant 128 : index
      %get3A_203 = tpu.vector_load %arg9[%get3A_201, %get3A_202] {strides = array<i32>} : memref<32x256xf32, #tpu.memory_space<vmem>>, vector<16xf32>,
      %get3A_204 = arith.index_cast %scan3A_76 : i32 to index
      %get3A_205 = arith.constant 144 : index
      %get3A_206 = tpu.vector_load %arg9[%get3A_204, %get3A_205] {strides = array<i32>} : memref<32x256xf32, #tpu.memory_space<vmem>>, vector<16xf32>,
      %get3A_207 = arith.index_cast %scan3A_76 : i32 to index
      %get3A_208 = arith.constant 160 : index
      %get3A_209 = tpu.vector_load %arg9[%get3A_207, %get3A_208] {strides = array<i32>} : memref<32x256xf32, #tpu.memory_space<vmem>>, vector<16xf32>,
      %get3A_210 = arith.index_cast %scan3A_76 : i32 to index
      %get3A_211 = arith.constant 176 : index
      %get3A_212 = tpu.vector_load %arg9[%get3A_210, %get3A_211] {strides = array<i32>} : memref<32x256xf32, #tpu.memory_space<vmem>>, vector<16xf32>,
      %get3A_213 = arith.index_cast %scan3A_76 : i32 to index
      %get3A_214 = arith.constant 192 : index
      %get3A_215 = tpu.vector_load %arg9[%get3A_213, %get3A_214] {strides = array<i32>} : memref<32x256xf32, #tpu.memory_space<vmem>>, vector<16xf32>,
      %get3A_216 = arith.index_cast %scan3A_76 : i32 to index
      %get3A_217 = arith.constant 208 : index
      %get3A_218 = tpu.vector_load %arg9[%get3A_216, %get3A_217] {strides = array<i32>} : memref<32x256xf32, #tpu.memory_space<vmem>>, vector<16xf32>,
      %get3A_219 = arith.index_cast %scan3A_76 : i32 to index
      %get3A_220 = arith.constant 224 : index
      %get3A_221 = tpu.vector_load %arg9[%get3A_219, %get3A_220] {strides = array<i32>} : memref<32x256xf32, #tpu.memory_space<vmem>>, vector<16xf32>,
      %get3A_222 = arith.index_cast %scan3A_76 : i32 to index
      %get3A_223 = arith.constant 240 : index
      %get3A_224 = tpu.vector_load %arg9[%get3A_222, %get3A_223] {strides = array<i32>} : memref<32x256xf32, #tpu.memory_space<vmem>>, vector<16xf32>,
      %mul3A_225 = arith.constant 208 : i32
      %mul3A_226 = arith.muli %scan3A_76, %mul3A_225 : i32
      %add3A_227 = arith.constant 0 : i32
      %add3A_228 = arith.addi %mul3A_226, %add3A_227 : i32
      %broadcast_in_dim3A = vector.broadcast %add3A_228 : i32 to vector<16xi32>
      %parallel_loop3A = arith.constant 0 : i32
      %parallel_loop3A_229 = arith.constant 96 : i32
      %parallel_loop3A_230 = arith.constant 1 : i32
      scf.for %parallel_loop3A_816 = %parallel_loop3A to %parallel_loop3A_229 step %parallel_loop3A_230  : i32 {
        %parallel_loop3A_817 = arith.index_cast %parallel_loop3A_816 : i32 to index
        %parallel_loop3A_818 = arith.constant 0 : index
        %parallel_loop3A_819 = tpu.vector_load %arg10[%parallel_loop3A_817, %parallel_loop3A_818] {strides = array<i32>} : memref<96x128xf32, #tpu.memory_space<vmem>>, vector<16xf32>,
        %parallel_loop3A_820 = arith.mulf %parallel_loop3A_819, %get3A_179 : vector<16xf32>
        %parallel_loop3A_821 = arith.index_cast %parallel_loop3A_816 : i32 to index
        %parallel_loop3A_822 = arith.constant 16 : index
        %parallel_loop3A_823 = tpu.vector_load %arg10[%parallel_loop3A_821, %parallel_loop3A_822] {strides = array<i32>} : memref<96x128xf32, #tpu.memory_space<vmem>>, vector<16xf32>,
        %parallel_loop3A_824 = arith.mulf %parallel_loop3A_823, %get3A_182 : vector<16xf32>
        %parallel_loop3A_825 = arith.index_cast %parallel_loop3A_816 : i32 to index
        %parallel_loop3A_826 = arith.constant 32 : index
        %parallel_loop3A_827 = tpu.vector_load %arg10[%parallel_loop3A_825, %parallel_loop3A_826] {strides = array<i32>} : memref<96x128xf32, #tpu.memory_space<vmem>>, vector<16xf32>,
        %parallel_loop3A_828 = arith.mulf %parallel_loop3A_827, %get3A_185 : vector<16xf32>
        %parallel_loop3A_829 = arith.index_cast %parallel_loop3A_816 : i32 to index
        %parallel_loop3A_830 = arith.constant 48 : index
        %parallel_loop3A_831 = tpu.vector_load %arg10[%parallel_loop3A_829, %parallel_loop3A_830] {strides = array<i32>} : memref<96x128xf32, #tpu.memory_space<vmem>>, vector<16xf32>,
        %parallel_loop3A_832 = arith.mulf %parallel_loop3A_831, %get3A_188 : vector<16xf32>
        %parallel_loop3A_833 = arith.index_cast %parallel_loop3A_816 : i32 to index
        %parallel_loop3A_834 = arith.constant 64 : index
        %parallel_loop3A_835 = tpu.vector_load %arg10[%parallel_loop3A_833, %parallel_loop3A_834] {strides = array<i32>} : memref<96x128xf32, #tpu.memory_space<vmem>>, vector<16xf32>,
        %parallel_loop3A_836 = arith.mulf %parallel_loop3A_835, %get3A_191 : vector<16xf32>
        %parallel_loop3A_837 = arith.index_cast %parallel_loop3A_816 : i32 to index
        %parallel_loop3A_838 = arith.constant 80 : index
        %parallel_loop3A_839 = tpu.vector_load %arg10[%parallel_loop3A_837, %parallel_loop3A_838] {strides = array<i32>} : memref<96x128xf32, #tpu.memory_space<vmem>>, vector<16xf32>,
        %parallel_loop3A_840 = arith.mulf %parallel_loop3A_839, %get3A_194 : vector<16xf32>
        %parallel_loop3A_841 = arith.index_cast %parallel_loop3A_816 : i32 to index
        %parallel_loop3A_842 = arith.constant 96 : index
        %parallel_loop3A_843 = tpu.vector_load %arg10[%parallel_loop3A_841, %parallel_loop3A_842] {strides = array<i32>} : memref<96x128xf32, #tpu.memory_space<vmem>>, vector<16xf32>,
        %parallel_loop3A_844 = arith.mulf %parallel_loop3A_843, %get3A_197 : vector<16xf32>
        %parallel_loop3A_845 = arith.index_cast %parallel_loop3A_816 : i32 to index
        %parallel_loop3A_846 = arith.constant 112 : index
        %parallel_loop3A_847 = tpu.vector_load %arg10[%parallel_loop3A_845, %parallel_loop3A_846] {strides = array<i32>} : memref<96x128xf32, #tpu.memory_space<vmem>>, vector<16xf32>,
        %parallel_loop3A_848 = arith.mulf %parallel_loop3A_847, %get3A_200 : vector<16xf32>
        %parallel_loop3A_849 = arith.index_cast %parallel_loop3A_816 : i32 to index
        %parallel_loop3A_850 = arith.constant 0 : index
        %parallel_loop3A_851 = tpu.vector_load %arg11[%parallel_loop3A_849, %parallel_loop3A_850] {strides = array<i32>} : memref<96x128xf32, #tpu.memory_space<vmem>>, vector<16xf32>,
        %parallel_loop3A_852 = arith.mulf %parallel_loop3A_851, %get3A_203 : vector<16xf32>
        %parallel_loop3A_853 = arith.index_cast %parallel_loop3A_816 : i32 to index
        %parallel_loop3A_854 = arith.constant 16 : index
        %parallel_loop3A_855 = tpu.vector_load %arg11[%parallel_loop3A_853, %parallel_loop3A_854] {strides = array<i32>} : memref<96x128xf32, #tpu.memory_space<vmem>>, vector<16xf32>,
        %parallel_loop3A_856 = arith.mulf %parallel_loop3A_855, %get3A_206 : vector<16xf32>
        %parallel_loop3A_857 = arith.index_cast %parallel_loop3A_816 : i32 to index
        %parallel_loop3A_858 = arith.constant 32 : index
        %parallel_loop3A_859 = tpu.vector_load %arg11[%parallel_loop3A_857, %parallel_loop3A_858] {strides = array<i32>} : memref<96x128xf32, #tpu.memory_space<vmem>>, vector<16xf32>,
        %parallel_loop3A_860 = arith.mulf %parallel_loop3A_859, %get3A_209 : vector<16xf32>
        %parallel_loop3A_861 = arith.index_cast %parallel_loop3A_816 : i32 to index
        %parallel_loop3A_862 = arith.constant 48 : index
        %parallel_loop3A_863 = tpu.vector_load %arg11[%parallel_loop3A_861, %parallel_loop3A_862] {strides = array<i32>} : memref<96x128xf32, #tpu.memory_space<vmem>>, vector<16xf32>,
        %parallel_loop3A_864 = arith.mulf %parallel_loop3A_863, %get3A_212 : vector<16xf32>
        %parallel_loop3A_865 = arith.index_cast %parallel_loop3A_816 : i32 to index
        %parallel_loop3A_866 = arith.constant 64 : index
        %parallel_loop3A_867 = tpu.vector_load %arg11[%parallel_loop3A_865, %parallel_loop3A_866] {strides = array<i32>} : memref<96x128xf32, #tpu.memory_space<vmem>>, vector<16xf32>,
        %parallel_loop3A_868 = arith.mulf %parallel_loop3A_867, %get3A_215 : vector<16xf32>
        %parallel_loop3A_869 = arith.index_cast %parallel_loop3A_816 : i32 to index
        %parallel_loop3A_870 = arith.constant 80 : index
        %parallel_loop3A_871 = tpu.vector_load %arg11[%parallel_loop3A_869, %parallel_loop3A_870] {strides = array<i32>} : memref<96x128xf32, #tpu.memory_space<vmem>>, vector<16xf32>,
        %parallel_loop3A_872 = arith.mulf %parallel_loop3A_871, %get3A_218 : vector<16xf32>
        %parallel_loop3A_873 = arith.index_cast %parallel_loop3A_816 : i32 to index
        %parallel_loop3A_874 = arith.constant 96 : index
        %parallel_loop3A_875 = tpu.vector_load %arg11[%parallel_loop3A_873, %parallel_loop3A_874] {strides = array<i32>} : memref<96x128xf32, #tpu.memory_space<vmem>>, vector<16xf32>,
        %parallel_loop3A_876 = arith.mulf %parallel_loop3A_875, %get3A_221 : vector<16xf32>
        %parallel_loop3A_877 = arith.index_cast %parallel_loop3A_816 : i32 to index
        %parallel_loop3A_878 = arith.constant 112 : index
        %parallel_loop3A_879 = tpu.vector_load %arg11[%parallel_loop3A_877, %parallel_loop3A_878] {strides = array<i32>} : memref<96x128xf32, #tpu.memory_space<vmem>>, vector<16xf32>,
        %parallel_loop3A_880 = arith.mulf %parallel_loop3A_879, %get3A_224 : vector<16xf32>
        %parallel_loop3A_881 = arith.addf %parallel_loop3A_820, %parallel_loop3A_824 : vector<16xf32>
        %parallel_loop3A_882 = arith.addf %parallel_loop3A_828, %parallel_loop3A_832 : vector<16xf32>
        %parallel_loop3A_883 = arith.addf %parallel_loop3A_836, %parallel_loop3A_840 : vector<16xf32>
        %parallel_loop3A_884 = arith.addf %parallel_loop3A_844, %parallel_loop3A_848 : vector<16xf32>
        %parallel_loop3A_885 = arith.addf %parallel_loop3A_852, %parallel_loop3A_856 : vector<16xf32>
        %parallel_loop3A_886 = arith.addf %parallel_loop3A_860, %parallel_loop3A_864 : vector<16xf32>
        %parallel_loop3A_887 = arith.addf %parallel_loop3A_868, %parallel_loop3A_872 : vector<16xf32>
        %parallel_loop3A_888 = arith.addf %parallel_loop3A_876, %parallel_loop3A_880 : vector<16xf32>
        %parallel_loop3A_889 = arith.addf %parallel_loop3A_881, %parallel_loop3A_882 : vector<16xf32>
        %parallel_loop3A_890 = arith.addf %parallel_loop3A_883, %parallel_loop3A_884 : vector<16xf32>
        %parallel_loop3A_891 = arith.addf %parallel_loop3A_885, %parallel_loop3A_886 : vector<16xf32>
        %parallel_loop3A_892 = arith.addf %parallel_loop3A_887, %parallel_loop3A_888 : vector<16xf32>
        %parallel_loop3A_893 = arith.addf %parallel_loop3A_889, %parallel_loop3A_890 : vector<16xf32>
        %parallel_loop3A_894 = arith.addf %parallel_loop3A_891, %parallel_loop3A_892 : vector<16xf32>
        %parallel_loop3A_895 = arith.addf %parallel_loop3A_893, %parallel_loop3A_894 : vector<16xf32>
        %parallel_loop3A_896 = arith.constant true
        %parallel_loop3A_897 = vector.broadcast %parallel_loop3A_896 : i1 to vector<16xi1>
        %parallel_loop3A_898 = tpu.scan <sum>, %parallel_loop3A_895 masked %parallel_loop3A_897 : vector<16xf32>, vector<16xi1> -> vector<16xf32>
        %parallel_loop3A_899 = vector.broadcast %parallel_loop3A_816 : i32 to vector<16xi32>
        %parallel_loop3A_900 = arith.addi %broadcast_in_dim3A, %parallel_loop3A_899 : vector<16xi32>
        tpu.vector_store_idx %arg14[%parallel_loop3A_900], %parallel_loop3A_898 masked %eq3A_8 : memref<6656xf32, #tpu.memory_space<vmem>>[vector<16xi32>], vector<16xf32>, vector<16xi1>
      } {sc.loop_unroll_factor = 4 : i64, sc.parallel_access}
      %add3A_231 = arith.constant 1 : i32
      %add3A_232 = arith.addi %scan3A_76, %add3A_231 : i32
      %lt3A = arith.constant 32 : i32
      %lt3A_233 = arith.cmpi slt, %add3A_232, %lt3A : i32
      %convert_element_type3A = arith.extui %lt3A_233 : i1 to i32
      %cond3A = arith.constant 0 : i32
      %cond3A_234 = arith.cmpi ne, %convert_element_type3A, %cond3A : i32
      scf.if %cond3A_234 {
        %add3A_816 = arith.constant 1 : i32
        %add3A_817 = arith.addi %scan3A_76, %add3A_816 : i32
        %mul3A_818 = arith.constant 5 : i32
        %mul3A_819 = arith.muli %add3A_817, %mul3A_818 : i32
        %add3A_820 = arith.constant 0 : i32
        %add3A_821 = arith.addi %mul3A_819, %add3A_820 : i32
        %dma_start3A_822 = arith.constant 0 : i32
        %dma_start3A_823 = arith.constant 0 : i32
        %dma_start3A_824 = tpu.memref_slice %arg10[%dma_start3A_822, %dma_start3A_823] : memref<96x128xf32, #tpu.memory_space<vmem>> -> memref<40x128xf32, #tpu.memory_space<vmem>>
        %dma_start3A_825 = arith.constant 0 : i32
        %dma_start3A_826 = tpu.memref_slice %arg7[%add3A_821, %dma_start3A_825] : memref<160x40xi32, #tpu.memory_space<vmem>> -> memref<1x40xi32, #tpu.memory_space<vmem>>
        %dma_start3A_827 = tpu.memref_squeeze %dma_start3A_826 : memref<1x40xi32, #tpu.memory_space<vmem>> -> memref<40xi32, #tpu.memory_space<vmem>>
        %dma_start3A_828 = arith.constant 0 : i32
        %dma_start3A_829 = arith.constant 0 : i32
        %dma_start3A_830 = tpu.memref_slice %arg5[%dma_start3A_828, %dma_start3A_829] : memref<100400x128xf32, #tpu.memory_space<hbm>> -> memref<100400x128xf32, #tpu.memory_space<hbm>>
        tpu.enqueue_indirect_dma source(%dma_start3A_830 : memref<100400x128xf32, #tpu.memory_space<hbm>>) target(%dma_start3A_824 : memref<40x128xf32, #tpu.memory_space<vmem>>) offsets(%dma_start3A_827 : memref<40xi32, #tpu.memory_space<vmem>>) semaphore(%arg15 : memref<!tpu.dma_semaphore, #tpu.memory_space<semaphore_mem>>)
        %mul3A_831 = arith.constant 5 : i32
        %mul3A_832 = arith.muli %add3A_817, %mul3A_831 : i32
        %add3A_833 = arith.constant 0 : i32
        %add3A_834 = arith.addi %mul3A_832, %add3A_833 : i32
        %dma_start3A_835 = arith.constant 0 : i32
        %dma_start3A_836 = arith.constant 0 : i32
        %dma_start3A_837 = tpu.memref_slice %arg11[%dma_start3A_835, %dma_start3A_836] : memref<96x128xf32, #tpu.memory_space<vmem>> -> memref<40x128xf32, #tpu.memory_space<vmem>>
        %dma_start3A_838 = arith.constant 0 : i32
        %dma_start3A_839 = tpu.memref_slice %arg8[%add3A_834, %dma_start3A_838] : memref<160x40xi32, #tpu.memory_space<vmem>> -> memref<1x40xi32, #tpu.memory_space<vmem>>
        %dma_start3A_840 = tpu.memref_squeeze %dma_start3A_839 : memref<1x40xi32, #tpu.memory_space<vmem>> -> memref<40xi32, #tpu.memory_space<vmem>>
        %dma_start3A_841 = arith.constant 0 : i32
        %dma_start3A_842 = arith.constant 0 : i32
        %dma_start3A_843 = tpu.memref_slice %arg5[%dma_start3A_841, %dma_start3A_842] : memref<100400x128xf32, #tpu.memory_space<hbm>> -> memref<100400x128xf32, #tpu.memory_space<hbm>>
        tpu.enqueue_indirect_dma source(%dma_start3A_843 : memref<100400x128xf32, #tpu.memory_space<hbm>>) target(%dma_start3A_837 : memref<40x128xf32, #tpu.memory_space<vmem>>) offsets(%dma_start3A_840 : memref<40xi32, #tpu.memory_space<vmem>>) semaphore(%arg15 : memref<!tpu.dma_semaphore, #tpu.memory_space<semaphore_mem>>)
        %mul3A_844 = arith.constant 5 : i32
        %mul3A_845 = arith.muli %add3A_817, %mul3A_844 : i32
        %add3A_846 = arith.constant 1 : i32
        %add3A_847 = arith.addi %mul3A_845, %add3A_846 : i32
        %dma_start3A_848 = arith.constant 40 : i32
        %dma_start3A_849 = arith.constant 0 : i32
        %dma_start3A_850 = tpu.memref_slice %arg10[%dma_start3A_848, %dma_start3A_849] : memref<96x128xf32, #tpu.memory_space<vmem>> -> memref<40x128xf32, #tpu.memory_space<vmem>>
        %dma_start3A_851 = arith.constant 0 : i32
        %dma_start3A_852 = tpu.memref_slice %arg7[%add3A_847, %dma_start3A_851] : memref<160x40xi32, #tpu.memory_space<vmem>> -> memref<1x40xi32, #tpu.memory_space<vmem>>
        %dma_start3A_853 = tpu.memref_squeeze %dma_start3A_852 : memref<1x40xi32, #tpu.memory_space<vmem>> -> memref<40xi32, #tpu.memory_space<vmem>>
        %dma_start3A_854 = arith.constant 0 : i32
        %dma_start3A_855 = arith.constant 0 : i32
        %dma_start3A_856 = tpu.memref_slice %arg5[%dma_start3A_854, %dma_start3A_855] : memref<100400x128xf32, #tpu.memory_space<hbm>> -> memref<100400x128xf32, #tpu.memory_space<hbm>>
        tpu.enqueue_indirect_dma source(%dma_start3A_856 : memref<100400x128xf32, #tpu.memory_space<hbm>>) target(%dma_start3A_850 : memref<40x128xf32, #tpu.memory_space<vmem>>) offsets(%dma_start3A_853 : memref<40xi32, #tpu.memory_space<vmem>>) semaphore(%arg15 : memref<!tpu.dma_semaphore, #tpu.memory_space<semaphore_mem>>)
        %mul3A_857 = arith.constant 5 : i32
        %mul3A_858 = arith.muli %add3A_817, %mul3A_857 : i32
        %add3A_859 = arith.constant 1 : i32
        %add3A_860 = arith.addi %mul3A_858, %add3A_859 : i32
        %dma_start3A_861 = arith.constant 40 : i32
        %dma_start3A_862 = arith.constant 0 : i32
        %dma_start3A_863 = tpu.memref_slice %arg11[%dma_start3A_861, %dma_start3A_862] : memref<96x128xf32, #tpu.memory_space<vmem>> -> memref<40x128xf32, #tpu.memory_space<vmem>>
        %dma_start3A_864 = arith.constant 0 : i32
        %dma_start3A_865 = tpu.memref_slice %arg8[%add3A_860, %dma_start3A_864] : memref<160x40xi32, #tpu.memory_space<vmem>> -> memref<1x40xi32, #tpu.memory_space<vmem>>
        %dma_start3A_866 = tpu.memref_squeeze %dma_start3A_865 : memref<1x40xi32, #tpu.memory_space<vmem>> -> memref<40xi32, #tpu.memory_space<vmem>>
        %dma_start3A_867 = arith.constant 0 : i32
        %dma_start3A_868 = arith.constant 0 : i32
        %dma_start3A_869 = tpu.memref_slice %arg5[%dma_start3A_867, %dma_start3A_868] : memref<100400x128xf32, #tpu.memory_space<hbm>> -> memref<100400x128xf32, #tpu.memory_space<hbm>>
        tpu.enqueue_indirect_dma source(%dma_start3A_869 : memref<100400x128xf32, #tpu.memory_space<hbm>>) target(%dma_start3A_863 : memref<40x128xf32, #tpu.memory_space<vmem>>) offsets(%dma_start3A_866 : memref<40xi32, #tpu.memory_space<vmem>>) semaphore(%arg15 : memref<!tpu.dma_semaphore, #tpu.memory_space<semaphore_mem>>)
        %mul3A_870 = arith.constant 5 : i32
        %mul3A_871 = arith.muli %add3A_817, %mul3A_870 : i32
        %add3A_872 = arith.constant 2 : i32
        %add3A_873 = arith.addi %mul3A_871, %add3A_872 : i32
        %dma_start3A_874 = arith.constant 80 : i32
        %dma_start3A_875 = arith.constant 0 : i32
        %dma_start3A_876 = tpu.memref_slice %arg10[%dma_start3A_874, %dma_start3A_875] : memref<96x128xf32, #tpu.memory_space<vmem>> -> memref<16x128xf32, #tpu.memory_space<vmem>>
        %dma_start3A_877 = arith.constant 0 : i32
        %dma_start3A_878 = tpu.memref_slice %arg7[%add3A_873, %dma_start3A_877] : memref<160x40xi32, #tpu.memory_space<vmem>> -> memref<1x16xi32, #tpu.memory_space<vmem>>
        %dma_start3A_879 = tpu.memref_squeeze %dma_start3A_878 : memref<1x16xi32, #tpu.memory_space<vmem>> -> memref<16xi32, #tpu.memory_space<vmem>>
        %dma_start3A_880 = arith.constant 0 : i32
        %dma_start3A_881 = arith.constant 0 : i32
        %dma_start3A_882 = tpu.memref_slice %arg5[%dma_start3A_880, %dma_start3A_881] : memref<100400x128xf32, #tpu.memory_space<hbm>> -> memref<100400x128xf32, #tpu.memory_space<hbm>>
        tpu.enqueue_indirect_dma source(%dma_start3A_882 : memref<100400x128xf32, #tpu.memory_space<hbm>>) target(%dma_start3A_876 : memref<16x128xf32, #tpu.memory_space<vmem>>) offsets(%dma_start3A_879 : memref<16xi32, #tpu.memory_space<vmem>>) semaphore(%arg15 : memref<!tpu.dma_semaphore, #tpu.memory_space<semaphore_mem>>)
        %mul3A_883 = arith.constant 5 : i32
        %mul3A_884 = arith.muli %add3A_817, %mul3A_883 : i32
        %add3A_885 = arith.constant 2 : i32
        %add3A_886 = arith.addi %mul3A_884, %add3A_885 : i32
        %dma_start3A_887 = arith.constant 80 : i32
        %dma_start3A_888 = arith.constant 0 : i32
        %dma_start3A_889 = tpu.memref_slice %arg11[%dma_start3A_887, %dma_start3A_888] : memref<96x128xf32, #tpu.memory_space<vmem>> -> memref<16x128xf32, #tpu.memory_space<vmem>>
        %dma_start3A_890 = arith.constant 0 : i32
        %dma_start3A_891 = tpu.memref_slice %arg8[%add3A_886, %dma_start3A_890] : memref<160x40xi32, #tpu.memory_space<vmem>> -> memref<1x16xi32, #tpu.memory_space<vmem>>
        %dma_start3A_892 = tpu.memref_squeeze %dma_start3A_891 : memref<1x16xi32, #tpu.memory_space<vmem>> -> memref<16xi32, #tpu.memory_space<vmem>>
        %dma_start3A_893 = arith.constant 0 : i32
        %dma_start3A_894 = arith.constant 0 : i32
        %dma_start3A_895 = tpu.memref_slice %arg5[%dma_start3A_893, %dma_start3A_894] : memref<100400x128xf32, #tpu.memory_space<hbm>> -> memref<100400x128xf32, #tpu.memory_space<hbm>>
        tpu.enqueue_indirect_dma source(%dma_start3A_895 : memref<100400x128xf32, #tpu.memory_space<hbm>>) target(%dma_start3A_889 : memref<16x128xf32, #tpu.memory_space<vmem>>) offsets(%dma_start3A_892 : memref<16xi32, #tpu.memory_space<vmem>>) semaphore(%arg15 : memref<!tpu.dma_semaphore, #tpu.memory_space<semaphore_mem>>)
      } else {
      }
      %dma_wait3A_235 = arith.constant 0 : i32
      %dma_wait3A_236 = arith.constant 0 : i32
      %dma_wait3A_237 = tpu.memref_slice %arg12[%dma_wait3A_235, %dma_wait3A_236] : memref<104x128xf32, #tpu.memory_space<vmem>> -> memref<104x128xf32, #tpu.memory_space<vmem>>
      %dma_wait3A_238 = arith.constant 0 : i32
      %dma_wait3A_239 = arith.constant 0 : i32
      %dma_wait3A_240 = tpu.memref_slice %arg5[%dma_wait3A_238, %dma_wait3A_239] : memref<100400x128xf32, #tpu.memory_space<hbm>> -> memref<104x128xf32, #tpu.memory_space<hbm>>
      %dma_wait3A_241 = arith.constant 0 : i32
      %dma_wait3A_242 = arith.constant 0 : i32
      %dma_wait3A_243 = tpu.memref_slice %arg12[%dma_wait3A_241, %dma_wait3A_242] : memref<104x128xf32, #tpu.memory_space<vmem>> -> memref<104x128xf32, #tpu.memory_space<vmem>>
      %dma_wait3A_244 = arith.constant 0 : i32
      %dma_wait3A_245 = arith.constant 0 : i32
      %dma_wait3A_246 = tpu.memref_slice %arg5[%dma_wait3A_244, %dma_wait3A_245] : memref<100400x128xf32, #tpu.memory_space<hbm>> -> memref<104x128xf32, #tpu.memory_space<hbm>>
      tpu.wait_dma2 semaphore(%arg16 : memref<!tpu.dma_semaphore, #tpu.memory_space<semaphore_mem>>) src(%dma_wait3A_246 : memref<104x128xf32, #tpu.memory_space<hbm>>) dst(%dma_wait3A_243 : memref<104x128xf32, #tpu.memory_space<vmem>>)
      %dma_wait3A_247 = arith.constant 0 : i32
      %dma_wait3A_248 = arith.constant 0 : i32
      %dma_wait3A_249 = tpu.memref_slice %arg13[%dma_wait3A_247, %dma_wait3A_248] : memref<104x128xf32, #tpu.memory_space<vmem>> -> memref<104x128xf32, #tpu.memory_space<vmem>>
      %dma_wait3A_250 = arith.constant 0 : i32
      %dma_wait3A_251 = arith.constant 0 : i32
      %dma_wait3A_252 = tpu.memref_slice %arg5[%dma_wait3A_250, %dma_wait3A_251] : memref<100400x128xf32, #tpu.memory_space<hbm>> -> memref<104x128xf32, #tpu.memory_space<hbm>>
      %dma_wait3A_253 = arith.constant 0 : i32
      %dma_wait3A_254 = arith.constant 0 : i32
      %dma_wait3A_255 = tpu.memref_slice %arg13[%dma_wait3A_253, %dma_wait3A_254] : memref<104x128xf32, #tpu.memory_space<vmem>> -> memref<104x128xf32, #tpu.memory_space<vmem>>
      %dma_wait3A_256 = arith.constant 0 : i32
      %dma_wait3A_257 = arith.constant 0 : i32
      %dma_wait3A_258 = tpu.memref_slice %arg5[%dma_wait3A_256, %dma_wait3A_257] : memref<100400x128xf32, #tpu.memory_space<hbm>> -> memref<104x128xf32, #tpu.memory_space<hbm>>
      tpu.wait_dma2 semaphore(%arg16 : memref<!tpu.dma_semaphore, #tpu.memory_space<semaphore_mem>>) src(%dma_wait3A_258 : memref<104x128xf32, #tpu.memory_space<hbm>>) dst(%dma_wait3A_255 : memref<104x128xf32, #tpu.memory_space<vmem>>)
      %get3A_259 = arith.index_cast %scan3A_76 : i32 to index
      %get3A_260 = arith.constant 0 : index
      %get3A_261 = tpu.vector_load %arg9[%get3A_259, %get3A_260] {strides = array<i32>} : memref<32x256xf32, #tpu.memory_space<vmem>>, vector<16xf32>,
      %get3A_262 = arith.index_cast %scan3A_76 : i32 to index
      %get3A_263 = arith.constant 16 : index
      %get3A_264 = tpu.vector_load %arg9[%get3A_262, %get3A_263] {strides = array<i32>} : memref<32x256xf32, #tpu.memory_space<vmem>>, vector<16xf32>,
      %get3A_265 = arith.index_cast %scan3A_76 : i32 to index
      %get3A_266 = arith.constant 32 : index
      %get3A_267 = tpu.vector_load %arg9[%get3A_265, %get3A_266] {strides = array<i32>} : memref<32x256xf32, #tpu.memory_space<vmem>>, vector<16xf32>,
      %get3A_268 = arith.index_cast %scan3A_76 : i32 to index
      %get3A_269 = arith.constant 48 : index
      %get3A_270 = tpu.vector_load %arg9[%get3A_268, %get3A_269] {strides = array<i32>} : memref<32x256xf32, #tpu.memory_space<vmem>>, vector<16xf32>,
      %get3A_271 = arith.index_cast %scan3A_76 : i32 to index
      %get3A_272 = arith.constant 64 : index
      %get3A_273 = tpu.vector_load %arg9[%get3A_271, %get3A_272] {strides = array<i32>} : memref<32x256xf32, #tpu.memory_space<vmem>>, vector<16xf32>,
      %get3A_274 = arith.index_cast %scan3A_76 : i32 to index
      %get3A_275 = arith.constant 80 : index
      %get3A_276 = tpu.vector_load %arg9[%get3A_274, %get3A_275] {strides = array<i32>} : memref<32x256xf32, #tpu.memory_space<vmem>>, vector<16xf32>,
      %get3A_277 = arith.index_cast %scan3A_76 : i32 to index
      %get3A_278 = arith.constant 96 : index
      %get3A_279 = tpu.vector_load %arg9[%get3A_277, %get3A_278] {strides = array<i32>} : memref<32x256xf32, #tpu.memory_space<vmem>>, vector<16xf32>,
      %get3A_280 = arith.index_cast %scan3A_76 : i32 to index
      %get3A_281 = arith.constant 112 : index
      %get3A_282 = tpu.vector_load %arg9[%get3A_280, %get3A_281] {strides = array<i32>} : memref<32x256xf32, #tpu.memory_space<vmem>>, vector<16xf32>,
      %get3A_283 = arith.index_cast %scan3A_76 : i32 to index
      %get3A_284 = arith.constant 128 : index
      %get3A_285 = tpu.vector_load %arg9[%get3A_283, %get3A_284] {strides = array<i32>} : memref<32x256xf32, #tpu.memory_space<vmem>>, vector<16xf32>,
      %get3A_286 = arith.index_cast %scan3A_76 : i32 to index
      %get3A_287 = arith.constant 144 : index
      %get3A_288 = tpu.vector_load %arg9[%get3A_286, %get3A_287] {strides = array<i32>} : memref<32x256xf32, #tpu.memory_space<vmem>>, vector<16xf32>,
      %get3A_289 = arith.index_cast %scan3A_76 : i32 to index
      %get3A_290 = arith.constant 160 : index
      %get3A_291 = tpu.vector_load %arg9[%get3A_289, %get3A_290] {strides = array<i32>} : memref<32x256xf32, #tpu.memory_space<vmem>>, vector<16xf32>,
      %get3A_292 = arith.index_cast %scan3A_76 : i32 to index
      %get3A_293 = arith.constant 176 : index
      %get3A_294 = tpu.vector_load %arg9[%get3A_292, %get3A_293] {strides = array<i32>} : memref<32x256xf32, #tpu.memory_space<vmem>>, vector<16xf32>,
      %get3A_295 = arith.index_cast %scan3A_76 : i32 to index
      %get3A_296 = arith.constant 192 : index
      %get3A_297 = tpu.vector_load %arg9[%get3A_295, %get3A_296] {strides = array<i32>} : memref<32x256xf32, #tpu.memory_space<vmem>>, vector<16xf32>,
      %get3A_298 = arith.index_cast %scan3A_76 : i32 to index
      %get3A_299 = arith.constant 208 : index
      %get3A_300 = tpu.vector_load %arg9[%get3A_298, %get3A_299] {strides = array<i32>} : memref<32x256xf32, #tpu.memory_space<vmem>>, vector<16xf32>,
      %get3A_301 = arith.index_cast %scan3A_76 : i32 to index
      %get3A_302 = arith.constant 224 : index
      %get3A_303 = tpu.vector_load %arg9[%get3A_301, %get3A_302] {strides = array<i32>} : memref<32x256xf32, #tpu.memory_space<vmem>>, vector<16xf32>,
      %get3A_304 = arith.index_cast %scan3A_76 : i32 to index
      %get3A_305 = arith.constant 240 : index
      %get3A_306 = tpu.vector_load %arg9[%get3A_304, %get3A_305] {strides = array<i32>} : memref<32x256xf32, #tpu.memory_space<vmem>>, vector<16xf32>,
      %mul3A_307 = arith.constant 208 : i32
      %mul3A_308 = arith.muli %scan3A_76, %mul3A_307 : i32
      %add3A_309 = arith.constant 96 : i32
      %add3A_310 = arith.addi %mul3A_308, %add3A_309 : i32
      %broadcast_in_dim3A_311 = vector.broadcast %add3A_310 : i32 to vector<16xi32>
      %parallel_loop3A_312 = arith.constant 0 : i32
      %parallel_loop3A_313 = arith.constant 104 : i32
      %parallel_loop3A_314 = arith.constant 1 : i32
      scf.for %parallel_loop3A_816 = %parallel_loop3A_312 to %parallel_loop3A_313 step %parallel_loop3A_314  : i32 {
        %parallel_loop3A_817 = arith.index_cast %parallel_loop3A_816 : i32 to index
        %parallel_loop3A_818 = arith.constant 0 : index
        %parallel_loop3A_819 = tpu.vector_load %arg12[%parallel_loop3A_817, %parallel_loop3A_818] {strides = array<i32>} : memref<104x128xf32, #tpu.memory_space<vmem>>, vector<16xf32>,
        %parallel_loop3A_820 = arith.mulf %parallel_loop3A_819, %get3A_261 : vector<16xf32>
        %parallel_loop3A_821 = arith.index_cast %parallel_loop3A_816 : i32 to index
        %parallel_loop3A_822 = arith.constant 16 : index
        %parallel_loop3A_823 = tpu.vector_load %arg12[%parallel_loop3A_821, %parallel_loop3A_822] {strides = array<i32>} : memref<104x128xf32, #tpu.memory_space<vmem>>, vector<16xf32>,
        %parallel_loop3A_824 = arith.mulf %parallel_loop3A_823, %get3A_264 : vector<16xf32>
        %parallel_loop3A_825 = arith.index_cast %parallel_loop3A_816 : i32 to index
        %parallel_loop3A_826 = arith.constant 32 : index
        %parallel_loop3A_827 = tpu.vector_load %arg12[%parallel_loop3A_825, %parallel_loop3A_826] {strides = array<i32>} : memref<104x128xf32, #tpu.memory_space<vmem>>, vector<16xf32>,
        %parallel_loop3A_828 = arith.mulf %parallel_loop3A_827, %get3A_267 : vector<16xf32>
        %parallel_loop3A_829 = arith.index_cast %parallel_loop3A_816 : i32 to index
        %parallel_loop3A_830 = arith.constant 48 : index
        %parallel_loop3A_831 = tpu.vector_load %arg12[%parallel_loop3A_829, %parallel_loop3A_830] {strides = array<i32>} : memref<104x128xf32, #tpu.memory_space<vmem>>, vector<16xf32>,
        %parallel_loop3A_832 = arith.mulf %parallel_loop3A_831, %get3A_270 : vector<16xf32>
        %parallel_loop3A_833 = arith.index_cast %parallel_loop3A_816 : i32 to index
        %parallel_loop3A_834 = arith.constant 64 : index
        %parallel_loop3A_835 = tpu.vector_load %arg12[%parallel_loop3A_833, %parallel_loop3A_834] {strides = array<i32>} : memref<104x128xf32, #tpu.memory_space<vmem>>, vector<16xf32>,
        %parallel_loop3A_836 = arith.mulf %parallel_loop3A_835, %get3A_273 : vector<16xf32>
        %parallel_loop3A_837 = arith.index_cast %parallel_loop3A_816 : i32 to index
        %parallel_loop3A_838 = arith.constant 80 : index
        %parallel_loop3A_839 = tpu.vector_load %arg12[%parallel_loop3A_837, %parallel_loop3A_838] {strides = array<i32>} : memref<104x128xf32, #tpu.memory_space<vmem>>, vector<16xf32>,
        %parallel_loop3A_840 = arith.mulf %parallel_loop3A_839, %get3A_276 : vector<16xf32>
        %parallel_loop3A_841 = arith.index_cast %parallel_loop3A_816 : i32 to index
        %parallel_loop3A_842 = arith.constant 96 : index
        %parallel_loop3A_843 = tpu.vector_load %arg12[%parallel_loop3A_841, %parallel_loop3A_842] {strides = array<i32>} : memref<104x128xf32, #tpu.memory_space<vmem>>, vector<16xf32>,
        %parallel_loop3A_844 = arith.mulf %parallel_loop3A_843, %get3A_279 : vector<16xf32>
        %parallel_loop3A_845 = arith.index_cast %parallel_loop3A_816 : i32 to index
        %parallel_loop3A_846 = arith.constant 112 : index
        %parallel_loop3A_847 = tpu.vector_load %arg12[%parallel_loop3A_845, %parallel_loop3A_846] {strides = array<i32>} : memref<104x128xf32, #tpu.memory_space<vmem>>, vector<16xf32>,
        %parallel_loop3A_848 = arith.mulf %parallel_loop3A_847, %get3A_282 : vector<16xf32>
        %parallel_loop3A_849 = arith.index_cast %parallel_loop3A_816 : i32 to index
        %parallel_loop3A_850 = arith.constant 0 : index
        %parallel_loop3A_851 = tpu.vector_load %arg13[%parallel_loop3A_849, %parallel_loop3A_850] {strides = array<i32>} : memref<104x128xf32, #tpu.memory_space<vmem>>, vector<16xf32>,
        %parallel_loop3A_852 = arith.mulf %parallel_loop3A_851, %get3A_285 : vector<16xf32>
        %parallel_loop3A_853 = arith.index_cast %parallel_loop3A_816 : i32 to index
        %parallel_loop3A_854 = arith.constant 16 : index
        %parallel_loop3A_855 = tpu.vector_load %arg13[%parallel_loop3A_853, %parallel_loop3A_854] {strides = array<i32>} : memref<104x128xf32, #tpu.memory_space<vmem>>, vector<16xf32>,
        %parallel_loop3A_856 = arith.mulf %parallel_loop3A_855, %get3A_288 : vector<16xf32>
        %parallel_loop3A_857 = arith.index_cast %parallel_loop3A_816 : i32 to index
        %parallel_loop3A_858 = arith.constant 32 : index
        %parallel_loop3A_859 = tpu.vector_load %arg13[%parallel_loop3A_857, %parallel_loop3A_858] {strides = array<i32>} : memref<104x128xf32, #tpu.memory_space<vmem>>, vector<16xf32>,
        %parallel_loop3A_860 = arith.mulf %parallel_loop3A_859, %get3A_291 : vector<16xf32>
        %parallel_loop3A_861 = arith.index_cast %parallel_loop3A_816 : i32 to index
        %parallel_loop3A_862 = arith.constant 48 : index
        %parallel_loop3A_863 = tpu.vector_load %arg13[%parallel_loop3A_861, %parallel_loop3A_862] {strides = array<i32>} : memref<104x128xf32, #tpu.memory_space<vmem>>, vector<16xf32>,
        %parallel_loop3A_864 = arith.mulf %parallel_loop3A_863, %get3A_294 : vector<16xf32>
        %parallel_loop3A_865 = arith.index_cast %parallel_loop3A_816 : i32 to index
        %parallel_loop3A_866 = arith.constant 64 : index
        %parallel_loop3A_867 = tpu.vector_load %arg13[%parallel_loop3A_865, %parallel_loop3A_866] {strides = array<i32>} : memref<104x128xf32, #tpu.memory_space<vmem>>, vector<16xf32>,
        %parallel_loop3A_868 = arith.mulf %parallel_loop3A_867, %get3A_297 : vector<16xf32>
        %parallel_loop3A_869 = arith.index_cast %parallel_loop3A_816 : i32 to index
        %parallel_loop3A_870 = arith.constant 80 : index
        %parallel_loop3A_871 = tpu.vector_load %arg13[%parallel_loop3A_869, %parallel_loop3A_870] {strides = array<i32>} : memref<104x128xf32, #tpu.memory_space<vmem>>, vector<16xf32>,
        %parallel_loop3A_872 = arith.mulf %parallel_loop3A_871, %get3A_300 : vector<16xf32>
        %parallel_loop3A_873 = arith.index_cast %parallel_loop3A_816 : i32 to index
        %parallel_loop3A_874 = arith.constant 96 : index
        %parallel_loop3A_875 = tpu.vector_load %arg13[%parallel_loop3A_873, %parallel_loop3A_874] {strides = array<i32>} : memref<104x128xf32, #tpu.memory_space<vmem>>, vector<16xf32>,
        %parallel_loop3A_876 = arith.mulf %parallel_loop3A_875, %get3A_303 : vector<16xf32>
        %parallel_loop3A_877 = arith.index_cast %parallel_loop3A_816 : i32 to index
        %parallel_loop3A_878 = arith.constant 112 : index
        %parallel_loop3A_879 = tpu.vector_load %arg13[%parallel_loop3A_877, %parallel_loop3A_878] {strides = array<i32>} : memref<104x128xf32, #tpu.memory_space<vmem>>, vector<16xf32>,
        %parallel_loop3A_880 = arith.mulf %parallel_loop3A_879, %get3A_306 : vector<16xf32>
        %parallel_loop3A_881 = arith.addf %parallel_loop3A_820, %parallel_loop3A_824 : vector<16xf32>
        %parallel_loop3A_882 = arith.addf %parallel_loop3A_828, %parallel_loop3A_832 : vector<16xf32>
        %parallel_loop3A_883 = arith.addf %parallel_loop3A_836, %parallel_loop3A_840 : vector<16xf32>
        %parallel_loop3A_884 = arith.addf %parallel_loop3A_844, %parallel_loop3A_848 : vector<16xf32>
        %parallel_loop3A_885 = arith.addf %parallel_loop3A_852, %parallel_loop3A_856 : vector<16xf32>
        %parallel_loop3A_886 = arith.addf %parallel_loop3A_860, %parallel_loop3A_864 : vector<16xf32>
        %parallel_loop3A_887 = arith.addf %parallel_loop3A_868, %parallel_loop3A_872 : vector<16xf32>
        %parallel_loop3A_888 = arith.addf %parallel_loop3A_876, %parallel_loop3A_880 : vector<16xf32>
        %parallel_loop3A_889 = arith.addf %parallel_loop3A_881, %parallel_loop3A_882 : vector<16xf32>
        %parallel_loop3A_890 = arith.addf %parallel_loop3A_883, %parallel_loop3A_884 : vector<16xf32>
        %parallel_loop3A_891 = arith.addf %parallel_loop3A_885, %parallel_loop3A_886 : vector<16xf32>
        %parallel_loop3A_892 = arith.addf %parallel_loop3A_887, %parallel_loop3A_888 : vector<16xf32>
        %parallel_loop3A_893 = arith.addf %parallel_loop3A_889, %parallel_loop3A_890 : vector<16xf32>
        %parallel_loop3A_894 = arith.addf %parallel_loop3A_891, %parallel_loop3A_892 : vector<16xf32>
        %parallel_loop3A_895 = arith.addf %parallel_loop3A_893, %parallel_loop3A_894 : vector<16xf32>
        %parallel_loop3A_896 = arith.constant true
        %parallel_loop3A_897 = vector.broadcast %parallel_loop3A_896 : i1 to vector<16xi1>
        %parallel_loop3A_898 = tpu.scan <sum>, %parallel_loop3A_895 masked %parallel_loop3A_897 : vector<16xf32>, vector<16xi1> -> vector<16xf32>
        %parallel_loop3A_899 = vector.broadcast %parallel_loop3A_816 : i32 to vector<16xi32>
        %parallel_loop3A_900 = arith.addi %broadcast_in_dim3A_311, %parallel_loop3A_899 : vector<16xi32>
        tpu.vector_store_idx %arg14[%parallel_loop3A_900], %parallel_loop3A_898 masked %eq3A_8 : memref<6656xf32, #tpu.memory_space<vmem>>[vector<16xi32>], vector<16xf32>, vector<16xi1>
      } {sc.loop_unroll_factor = 4 : i64, sc.parallel_access}
      %mul3A_315 = arith.constant 208 : i32
      %mul3A_316 = arith.muli %scan3A_76, %mul3A_315 : i32
      %add3A_317 = arith.constant 0 : i32
      %add3A_318 = arith.addi %mul3A_316, %add3A_317 : i32
      %get3A_319 = arith.index_cast %add3A_318 : i32 to index
      %get3A_320 = tpu.vector_load %arg14[%get3A_319] {strides = array<i32>} : memref<6656xf32, #tpu.memory_space<vmem>>, vector<16xf32>,
      %mul3A_321 = arith.constant 5 : i32
      %mul3A_322 = arith.muli %scan3A_76, %mul3A_321 : i32
      %add3A_323 = arith.constant 0 : i32
      %add3A_324 = arith.addi %mul3A_322, %add3A_323 : i32
      %broadcast_in_dim3A_325 = vector.broadcast %add3A_324 : i32 to vector<16xi32>
      %add3A_326 = arith.constant 0 : i32
      %add3A_327 = vector.broadcast %add3A_326 : i32 to vector<16xi32>
      %add3A_328 = arith.addi %iota3A_9, %add3A_327 : vector<16xi32>
      %gather3A = tpu.vector_load_idx %arg8[%broadcast_in_dim3A_325, %add3A_328] : memref<160x40xi32, #tpu.memory_space<vmem>>[vector<16xi32>, vector<16xi32>], vector<16xi32>,
      %eq3A_329 = arith.constant 0 : i32
      %eq3A_330 = vector.broadcast %eq3A_329 : i32 to vector<16xi32>
      %eq3A_331 = arith.cmpi eq, %gather3A, %eq3A_330 : vector<16xi32>
      %jit3A = arith.constant -9.999900e+04 : f32
      %broadcast_in_dim3A_332 = vector.broadcast %jit3A : f32 to vector<16xf32>
      %select_n3A = arith.select %eq3A_331, %broadcast_in_dim3A_332, %get3A_320 : vector<16xi1>, vector<16xf32>
      %mul3A_333 = arith.constant 208 : i32
      %mul3A_334 = arith.muli %scan3A_76, %mul3A_333 : i32
      %add3A_335 = arith.constant 16 : i32
      %add3A_336 = arith.addi %mul3A_334, %add3A_335 : i32
      %get3A_337 = arith.index_cast %add3A_336 : i32 to index
      %get3A_338 = tpu.vector_load %arg14[%get3A_337] {strides = array<i32>} : memref<6656xf32, #tpu.memory_space<vmem>>, vector<16xf32>,
      %mul3A_339 = arith.constant 5 : i32
      %mul3A_340 = arith.muli %scan3A_76, %mul3A_339 : i32
      %add3A_341 = arith.constant 0 : i32
      %add3A_342 = arith.addi %mul3A_340, %add3A_341 : i32
      %broadcast_in_dim3A_343 = vector.broadcast %add3A_342 : i32 to vector<16xi32>
      %add3A_344 = arith.constant 16 : i32
      %add3A_345 = vector.broadcast %add3A_344 : i32 to vector<16xi32>
      %add3A_346 = arith.addi %iota3A_9, %add3A_345 : vector<16xi32>
      %gather3A_347 = tpu.vector_load_idx %arg8[%broadcast_in_dim3A_343, %add3A_346] : memref<160x40xi32, #tpu.memory_space<vmem>>[vector<16xi32>, vector<16xi32>], vector<16xi32>,
      %eq3A_348 = arith.constant 0 : i32
      %eq3A_349 = vector.broadcast %eq3A_348 : i32 to vector<16xi32>
      %eq3A_350 = arith.cmpi eq, %gather3A_347, %eq3A_349 : vector<16xi32>
      %jit3A_351 = arith.constant -9.999900e+04 : f32
      %broadcast_in_dim3A_352 = vector.broadcast %jit3A_351 : f32 to vector<16xf32>
      %select_n3A_353 = arith.select %eq3A_350, %broadcast_in_dim3A_352, %get3A_338 : vector<16xi1>, vector<16xf32>
      %mul3A_354 = arith.constant 208 : i32
      %mul3A_355 = arith.muli %scan3A_76, %mul3A_354 : i32
      %add3A_356 = arith.constant 32 : i32
      %add3A_357 = arith.addi %mul3A_355, %add3A_356 : i32
      %get3A_358 = arith.index_cast %add3A_357 : i32 to index
      %get3A_359 = tpu.vector_load %arg14[%get3A_358] {strides = array<i32>} : memref<6656xf32, #tpu.memory_space<vmem>>, vector<16xf32>,
      %ge3A = arith.constant 8 : i32
      %ge3A_360 = vector.broadcast %ge3A : i32 to vector<16xi32>
      %ge3A_361 = arith.cmpi sge, %iota3A_9, %ge3A_360 : vector<16xi32>
      %convert_element_type3A_362 = arith.extui %ge3A_361 : vector<16xi1> to vector<16xi32>
      %mul3A_363 = arith.constant 5 : i32
      %mul3A_364 = arith.muli %scan3A_76, %mul3A_363 : i32
      %add3A_365 = arith.constant 0 : i32
      %add3A_366 = arith.addi %mul3A_364, %add3A_365 : i32
      %add3A_367 = vector.broadcast %add3A_366 : i32 to vector<16xi32>
      %add3A_368 = arith.addi %add3A_367, %convert_element_type3A_362 : vector<16xi32>
      %add3A_369 = arith.constant 32 : i32
      %add3A_370 = vector.broadcast %add3A_369 : i32 to vector<16xi32>
      %add3A_371 = arith.addi %iota3A_9, %add3A_370 : vector<16xi32>
      %mul3A_372 = arith.constant 40 : i32
      %mul3A_373 = vector.broadcast %mul3A_372 : i32 to vector<16xi32>
      %mul3A_374 = arith.muli %mul3A_373, %convert_element_type3A_362 : vector<16xi32>
      %sub3A = arith.subi %add3A_371, %mul3A_374 : vector<16xi32>
      %gather3A_375 = tpu.vector_load_idx %arg8[%add3A_368, %sub3A] : memref<160x40xi32, #tpu.memory_space<vmem>>[vector<16xi32>, vector<16xi32>], vector<16xi32>,
      %eq3A_376 = arith.constant 0 : i32
      %eq3A_377 = vector.broadcast %eq3A_376 : i32 to vector<16xi32>
      %eq3A_378 = arith.cmpi eq, %gather3A_375, %eq3A_377 : vector<16xi32>
      %jit3A_379 = arith.constant -9.999900e+04 : f32
      %broadcast_in_dim3A_380 = vector.broadcast %jit3A_379 : f32 to vector<16xf32>
      %select_n3A_381 = arith.select %eq3A_378, %broadcast_in_dim3A_380, %get3A_359 : vector<16xi1>, vector<16xf32>
      %mul3A_382 = arith.constant 208 : i32
      %mul3A_383 = arith.muli %scan3A_76, %mul3A_382 : i32
      %add3A_384 = arith.constant 48 : i32
      %add3A_385 = arith.addi %mul3A_383, %add3A_384 : i32
      %get3A_386 = arith.index_cast %add3A_385 : i32 to index
      %get3A_387 = tpu.vector_load %arg14[%get3A_386] {strides = array<i32>} : memref<6656xf32, #tpu.memory_space<vmem>>, vector<16xf32>,
      %mul3A_388 = arith.constant 5 : i32
      %mul3A_389 = arith.muli %scan3A_76, %mul3A_388 : i32
      %add3A_390 = arith.constant 1 : i32
      %add3A_391 = arith.addi %mul3A_389, %add3A_390 : i32
      %broadcast_in_dim3A_392 = vector.broadcast %add3A_391 : i32 to vector<16xi32>
      %add3A_393 = arith.constant 8 : i32
      %add3A_394 = vector.broadcast %add3A_393 : i32 to vector<16xi32>
      %add3A_395 = arith.addi %iota3A_9, %add3A_394 : vector<16xi32>
      %gather3A_396 = tpu.vector_load_idx %arg8[%broadcast_in_dim3A_392, %add3A_395] : memref<160x40xi32, #tpu.memory_space<vmem>>[vector<16xi32>, vector<16xi32>], vector<16xi32>,
      %eq3A_397 = arith.constant 0 : i32
      %eq3A_398 = vector.broadcast %eq3A_397 : i32 to vector<16xi32>
      %eq3A_399 = arith.cmpi eq, %gather3A_396, %eq3A_398 : vector<16xi32>
      %jit3A_400 = arith.constant -9.999900e+04 : f32
      %broadcast_in_dim3A_401 = vector.broadcast %jit3A_400 : f32 to vector<16xf32>
      %select_n3A_402 = arith.select %eq3A_399, %broadcast_in_dim3A_401, %get3A_387 : vector<16xi1>, vector<16xf32>
      %mul3A_403 = arith.constant 208 : i32
      %mul3A_404 = arith.muli %scan3A_76, %mul3A_403 : i32
      %add3A_405 = arith.constant 64 : i32
      %add3A_406 = arith.addi %mul3A_404, %add3A_405 : i32
      %get3A_407 = arith.index_cast %add3A_406 : i32 to index
      %get3A_408 = tpu.vector_load %arg14[%get3A_407] {strides = array<i32>} : memref<6656xf32, #tpu.memory_space<vmem>>, vector<16xf32>,
      %mul3A_409 = arith.constant 5 : i32
      %mul3A_410 = arith.muli %scan3A_76, %mul3A_409 : i32
      %add3A_411 = arith.constant 1 : i32
      %add3A_412 = arith.addi %mul3A_410, %add3A_411 : i32
      %broadcast_in_dim3A_413 = vector.broadcast %add3A_412 : i32 to vector<16xi32>
      %add3A_414 = arith.constant 24 : i32
      %add3A_415 = vector.broadcast %add3A_414 : i32 to vector<16xi32>
      %add3A_416 = arith.addi %iota3A_9, %add3A_415 : vector<16xi32>
      %gather3A_417 = tpu.vector_load_idx %arg8[%broadcast_in_dim3A_413, %add3A_416] : memref<160x40xi32, #tpu.memory_space<vmem>>[vector<16xi32>, vector<16xi32>], vector<16xi32>,
      %eq3A_418 = arith.constant 0 : i32
      %eq3A_419 = vector.broadcast %eq3A_418 : i32 to vector<16xi32>
      %eq3A_420 = arith.cmpi eq, %gather3A_417, %eq3A_419 : vector<16xi32>
      %jit3A_421 = arith.constant -9.999900e+04 : f32
      %broadcast_in_dim3A_422 = vector.broadcast %jit3A_421 : f32 to vector<16xf32>
      %select_n3A_423 = arith.select %eq3A_420, %broadcast_in_dim3A_422, %get3A_408 : vector<16xi1>, vector<16xf32>
      %mul3A_424 = arith.constant 208 : i32
      %mul3A_425 = arith.muli %scan3A_76, %mul3A_424 : i32
      %add3A_426 = arith.constant 80 : i32
      %add3A_427 = arith.addi %mul3A_425, %add3A_426 : i32
      %get3A_428 = arith.index_cast %add3A_427 : i32 to index
      %get3A_429 = tpu.vector_load %arg14[%get3A_428] {strides = array<i32>} : memref<6656xf32, #tpu.memory_space<vmem>>, vector<16xf32>,
      %mul3A_430 = arith.constant 5 : i32
      %mul3A_431 = arith.muli %scan3A_76, %mul3A_430 : i32
      %add3A_432 = arith.constant 2 : i32
      %add3A_433 = arith.addi %mul3A_431, %add3A_432 : i32
      %broadcast_in_dim3A_434 = vector.broadcast %add3A_433 : i32 to vector<16xi32>
      %add3A_435 = arith.constant 0 : i32
      %add3A_436 = vector.broadcast %add3A_435 : i32 to vector<16xi32>
      %add3A_437 = arith.addi %iota3A_9, %add3A_436 : vector<16xi32>
      %gather3A_438 = tpu.vector_load_idx %arg8[%broadcast_in_dim3A_434, %add3A_437] : memref<160x40xi32, #tpu.memory_space<vmem>>[vector<16xi32>, vector<16xi32>], vector<16xi32>,
      %eq3A_439 = arith.constant 0 : i32
      %eq3A_440 = vector.broadcast %eq3A_439 : i32 to vector<16xi32>
      %eq3A_441 = arith.cmpi eq, %gather3A_438, %eq3A_440 : vector<16xi32>
      %jit3A_442 = arith.constant -9.999900e+04 : f32
      %broadcast_in_dim3A_443 = vector.broadcast %jit3A_442 : f32 to vector<16xf32>
      %select_n3A_444 = arith.select %eq3A_441, %broadcast_in_dim3A_443, %get3A_429 : vector<16xi1>, vector<16xf32>
      %mul3A_445 = arith.constant 208 : i32
      %mul3A_446 = arith.muli %scan3A_76, %mul3A_445 : i32
      %add3A_447 = arith.constant 96 : i32
      %add3A_448 = arith.addi %mul3A_446, %add3A_447 : i32
      %get3A_449 = arith.index_cast %add3A_448 : i32 to index
      %get3A_450 = tpu.vector_load %arg14[%get3A_449] {strides = array<i32>} : memref<6656xf32, #tpu.memory_space<vmem>>, vector<16xf32>,
      %mul3A_451 = arith.constant 5 : i32
      %mul3A_452 = arith.muli %scan3A_76, %mul3A_451 : i32
      %add3A_453 = arith.constant 2 : i32
      %add3A_454 = arith.addi %mul3A_452, %add3A_453 : i32
      %broadcast_in_dim3A_455 = vector.broadcast %add3A_454 : i32 to vector<16xi32>
      %add3A_456 = arith.constant 16 : i32
      %add3A_457 = vector.broadcast %add3A_456 : i32 to vector<16xi32>
      %add3A_458 = arith.addi %iota3A_9, %add3A_457 : vector<16xi32>
      %gather3A_459 = tpu.vector_load_idx %arg8[%broadcast_in_dim3A_455, %add3A_458] : memref<160x40xi32, #tpu.memory_space<vmem>>[vector<16xi32>, vector<16xi32>], vector<16xi32>,
      %eq3A_460 = arith.constant 0 : i32
      %eq3A_461 = vector.broadcast %eq3A_460 : i32 to vector<16xi32>
      %eq3A_462 = arith.cmpi eq, %gather3A_459, %eq3A_461 : vector<16xi32>
      %jit3A_463 = arith.constant -9.999900e+04 : f32
      %broadcast_in_dim3A_464 = vector.broadcast %jit3A_463 : f32 to vector<16xf32>
      %select_n3A_465 = arith.select %eq3A_462, %broadcast_in_dim3A_464, %get3A_450 : vector<16xi1>, vector<16xf32>
      %mul3A_466 = arith.constant 208 : i32
      %mul3A_467 = arith.muli %scan3A_76, %mul3A_466 : i32
      %add3A_468 = arith.constant 112 : i32
      %add3A_469 = arith.addi %mul3A_467, %add3A_468 : i32
      %get3A_470 = arith.index_cast %add3A_469 : i32 to index
      %get3A_471 = tpu.vector_load %arg14[%get3A_470] {strides = array<i32>} : memref<6656xf32, #tpu.memory_space<vmem>>, vector<16xf32>,
      %ge3A_472 = arith.constant 8 : i32
      %ge3A_473 = vector.broadcast %ge3A_472 : i32 to vector<16xi32>
      %ge3A_474 = arith.cmpi sge, %iota3A_9, %ge3A_473 : vector<16xi32>
      %convert_element_type3A_475 = arith.extui %ge3A_474 : vector<16xi1> to vector<16xi32>
      %mul3A_476 = arith.constant 5 : i32
      %mul3A_477 = arith.muli %scan3A_76, %mul3A_476 : i32
      %add3A_478 = arith.constant 2 : i32
      %add3A_479 = arith.addi %mul3A_477, %add3A_478 : i32
      %add3A_480 = vector.broadcast %add3A_479 : i32 to vector<16xi32>
      %add3A_481 = arith.addi %add3A_480, %convert_element_type3A_475 : vector<16xi32>
      %add3A_482 = arith.constant 32 : i32
      %add3A_483 = vector.broadcast %add3A_482 : i32 to vector<16xi32>
      %add3A_484 = arith.addi %iota3A_9, %add3A_483 : vector<16xi32>
      %mul3A_485 = arith.constant 40 : i32
      %mul3A_486 = vector.broadcast %mul3A_485 : i32 to vector<16xi32>
      %mul3A_487 = arith.muli %mul3A_486, %convert_element_type3A_475 : vector<16xi32>
      %sub3A_488 = arith.subi %add3A_484, %mul3A_487 : vector<16xi32>
      %gather3A_489 = tpu.vector_load_idx %arg8[%add3A_481, %sub3A_488] : memref<160x40xi32, #tpu.memory_space<vmem>>[vector<16xi32>, vector<16xi32>], vector<16xi32>,
      %eq3A_490 = arith.constant 0 : i32
      %eq3A_491 = vector.broadcast %eq3A_490 : i32 to vector<16xi32>
      %eq3A_492 = arith.cmpi eq, %gather3A_489, %eq3A_491 : vector<16xi32>
      %jit3A_493 = arith.constant -9.999900e+04 : f32
      %broadcast_in_dim3A_494 = vector.broadcast %jit3A_493 : f32 to vector<16xf32>
      %select_n3A_495 = arith.select %eq3A_492, %broadcast_in_dim3A_494, %get3A_471 : vector<16xi1>, vector<16xf32>
      %mul3A_496 = arith.constant 208 : i32
      %mul3A_497 = arith.muli %scan3A_76, %mul3A_496 : i32
      %add3A_498 = arith.constant 128 : i32
      %add3A_499 = arith.addi %mul3A_497, %add3A_498 : i32
      %get3A_500 = arith.index_cast %add3A_499 : i32 to index
      %get3A_501 = tpu.vector_load %arg14[%get3A_500] {strides = array<i32>} : memref<6656xf32, #tpu.memory_space<vmem>>, vector<16xf32>,
      %mul3A_502 = arith.constant 5 : i32
      %mul3A_503 = arith.muli %scan3A_76, %mul3A_502 : i32
      %add3A_504 = arith.constant 3 : i32
      %add3A_505 = arith.addi %mul3A_503, %add3A_504 : i32
      %broadcast_in_dim3A_506 = vector.broadcast %add3A_505 : i32 to vector<16xi32>
      %add3A_507 = arith.constant 8 : i32
      %add3A_508 = vector.broadcast %add3A_507 : i32 to vector<16xi32>
      %add3A_509 = arith.addi %iota3A_9, %add3A_508 : vector<16xi32>
      %gather3A_510 = tpu.vector_load_idx %arg8[%broadcast_in_dim3A_506, %add3A_509] : memref<160x40xi32, #tpu.memory_space<vmem>>[vector<16xi32>, vector<16xi32>], vector<16xi32>,
      %eq3A_511 = arith.constant 0 : i32
      %eq3A_512 = vector.broadcast %eq3A_511 : i32 to vector<16xi32>
      %eq3A_513 = arith.cmpi eq, %gather3A_510, %eq3A_512 : vector<16xi32>
      %jit3A_514 = arith.constant -9.999900e+04 : f32
      %broadcast_in_dim3A_515 = vector.broadcast %jit3A_514 : f32 to vector<16xf32>
      %select_n3A_516 = arith.select %eq3A_513, %broadcast_in_dim3A_515, %get3A_501 : vector<16xi1>, vector<16xf32>
      %mul3A_517 = arith.constant 208 : i32
      %mul3A_518 = arith.muli %scan3A_76, %mul3A_517 : i32
      %add3A_519 = arith.constant 144 : i32
      %add3A_520 = arith.addi %mul3A_518, %add3A_519 : i32
      %get3A_521 = arith.index_cast %add3A_520 : i32 to index
      %get3A_522 = tpu.vector_load %arg14[%get3A_521] {strides = array<i32>} : memref<6656xf32, #tpu.memory_space<vmem>>, vector<16xf32>,
      %mul3A_523 = arith.constant 5 : i32
      %mul3A_524 = arith.muli %scan3A_76, %mul3A_523 : i32
      %add3A_525 = arith.constant 3 : i32
      %add3A_526 = arith.addi %mul3A_524, %add3A_525 : i32
      %broadcast_in_dim3A_527 = vector.broadcast %add3A_526 : i32 to vector<16xi32>
      %add3A_528 = arith.constant 24 : i32
      %add3A_529 = vector.broadcast %add3A_528 : i32 to vector<16xi32>
      %add3A_530 = arith.addi %iota3A_9, %add3A_529 : vector<16xi32>
      %gather3A_531 = tpu.vector_load_idx %arg8[%broadcast_in_dim3A_527, %add3A_530] : memref<160x40xi32, #tpu.memory_space<vmem>>[vector<16xi32>, vector<16xi32>], vector<16xi32>,
      %eq3A_532 = arith.constant 0 : i32
      %eq3A_533 = vector.broadcast %eq3A_532 : i32 to vector<16xi32>
      %eq3A_534 = arith.cmpi eq, %gather3A_531, %eq3A_533 : vector<16xi32>
      %jit3A_535 = arith.constant -9.999900e+04 : f32
      %broadcast_in_dim3A_536 = vector.broadcast %jit3A_535 : f32 to vector<16xf32>
      %select_n3A_537 = arith.select %eq3A_534, %broadcast_in_dim3A_536, %get3A_522 : vector<16xi1>, vector<16xf32>
      %mul3A_538 = arith.constant 208 : i32
      %mul3A_539 = arith.muli %scan3A_76, %mul3A_538 : i32
      %add3A_540 = arith.constant 160 : i32
      %add3A_541 = arith.addi %mul3A_539, %add3A_540 : i32
      %get3A_542 = arith.index_cast %add3A_541 : i32 to index
      %get3A_543 = tpu.vector_load %arg14[%get3A_542] {strides = array<i32>} : memref<6656xf32, #tpu.memory_space<vmem>>, vector<16xf32>,
      %mul3A_544 = arith.constant 5 : i32
      %mul3A_545 = arith.muli %scan3A_76, %mul3A_544 : i32
      %add3A_546 = arith.constant 4 : i32
      %add3A_547 = arith.addi %mul3A_545, %add3A_546 : i32
      %broadcast_in_dim3A_548 = vector.broadcast %add3A_547 : i32 to vector<16xi32>
      %add3A_549 = arith.constant 0 : i32
      %add3A_550 = vector.broadcast %add3A_549 : i32 to vector<16xi32>
      %add3A_551 = arith.addi %iota3A_9, %add3A_550 : vector<16xi32>
      %gather3A_552 = tpu.vector_load_idx %arg8[%broadcast_in_dim3A_548, %add3A_551] : memref<160x40xi32, #tpu.memory_space<vmem>>[vector<16xi32>, vector<16xi32>], vector<16xi32>,
      %eq3A_553 = arith.constant 0 : i32
      %eq3A_554 = vector.broadcast %eq3A_553 : i32 to vector<16xi32>
      %eq3A_555 = arith.cmpi eq, %gather3A_552, %eq3A_554 : vector<16xi32>
      %jit3A_556 = arith.constant -9.999900e+04 : f32
      %broadcast_in_dim3A_557 = vector.broadcast %jit3A_556 : f32 to vector<16xf32>
      %select_n3A_558 = arith.select %eq3A_555, %broadcast_in_dim3A_557, %get3A_543 : vector<16xi1>, vector<16xf32>
      %mul3A_559 = arith.constant 208 : i32
      %mul3A_560 = arith.muli %scan3A_76, %mul3A_559 : i32
      %add3A_561 = arith.constant 176 : i32
      %add3A_562 = arith.addi %mul3A_560, %add3A_561 : i32
      %get3A_563 = arith.index_cast %add3A_562 : i32 to index
      %get3A_564 = tpu.vector_load %arg14[%get3A_563] {strides = array<i32>} : memref<6656xf32, #tpu.memory_space<vmem>>, vector<16xf32>,
      %mul3A_565 = arith.constant 5 : i32
      %mul3A_566 = arith.muli %scan3A_76, %mul3A_565 : i32
      %add3A_567 = arith.constant 4 : i32
      %add3A_568 = arith.addi %mul3A_566, %add3A_567 : i32
      %broadcast_in_dim3A_569 = vector.broadcast %add3A_568 : i32 to vector<16xi32>
      %add3A_570 = arith.constant 16 : i32
      %add3A_571 = vector.broadcast %add3A_570 : i32 to vector<16xi32>
      %add3A_572 = arith.addi %iota3A_9, %add3A_571 : vector<16xi32>
      %gather3A_573 = tpu.vector_load_idx %arg8[%broadcast_in_dim3A_569, %add3A_572] : memref<160x40xi32, #tpu.memory_space<vmem>>[vector<16xi32>, vector<16xi32>], vector<16xi32>,
      %eq3A_574 = arith.constant 0 : i32
      %eq3A_575 = vector.broadcast %eq3A_574 : i32 to vector<16xi32>
      %eq3A_576 = arith.cmpi eq, %gather3A_573, %eq3A_575 : vector<16xi32>
      %jit3A_577 = arith.constant -9.999900e+04 : f32
      %broadcast_in_dim3A_578 = vector.broadcast %jit3A_577 : f32 to vector<16xf32>
      %select_n3A_579 = arith.select %eq3A_576, %broadcast_in_dim3A_578, %get3A_564 : vector<16xi1>, vector<16xf32>
      %mul3A_580 = arith.constant 208 : i32
      %mul3A_581 = arith.muli %scan3A_76, %mul3A_580 : i32
      %add3A_582 = arith.constant 192 : i32
      %add3A_583 = arith.addi %mul3A_581, %add3A_582 : i32
      %get3A_584 = arith.index_cast %add3A_583 : i32 to index
      %get3A_585 = tpu.vector_load %arg14[%get3A_584] {strides = array<i32>} : memref<6656xf32, #tpu.memory_space<vmem>>, vector<16xf32>,
      %add3A_586 = arith.constant 192 : i32
      %add3A_587 = vector.broadcast %add3A_586 : i32 to vector<16xi32>
      %add3A_588 = arith.addi %iota3A_9, %add3A_587 : vector<16xi32>
      %min3A = arith.constant 199 : i32
      %min3A_589 = vector.broadcast %min3A : i32 to vector<16xi32>
      %min3A_590 = arith.minsi %add3A_588, %min3A_589 : vector<16xi32>
      %mul3A_591 = arith.constant 5 : i32
      %mul3A_592 = arith.muli %scan3A_76, %mul3A_591 : i32
      %add3A_593 = arith.constant 4 : i32
      %add3A_594 = arith.addi %mul3A_592, %add3A_593 : i32
      %broadcast_in_dim3A_595 = vector.broadcast %add3A_594 : i32 to vector<16xi32>
      %sub3A_596 = arith.constant 160 : i32
      %sub3A_597 = vector.broadcast %sub3A_596 : i32 to vector<16xi32>
      %sub3A_598 = arith.subi %min3A_590, %sub3A_597 : vector<16xi32>
      %gather3A_599 = tpu.vector_load_idx %arg8[%broadcast_in_dim3A_595, %sub3A_598] : memref<160x40xi32, #tpu.memory_space<vmem>>[vector<16xi32>, vector<16xi32>], vector<16xi32>,
      %eq3A_600 = arith.constant 0 : i32
      %eq3A_601 = vector.broadcast %eq3A_600 : i32 to vector<16xi32>
      %eq3A_602 = arith.cmpi eq, %gather3A_599, %eq3A_601 : vector<16xi32>
      %jit3A_603 = arith.constant -9.999900e+04 : f32
      %broadcast_in_dim3A_604 = vector.broadcast %jit3A_603 : f32 to vector<16xf32>
      %select_n3A_605 = arith.select %eq3A_602, %broadcast_in_dim3A_604, %get3A_585 : vector<16xi1>, vector<16xf32>
      %ge3A_606 = arith.constant 8 : i32
      %ge3A_607 = vector.broadcast %ge3A_606 : i32 to vector<16xi32>
      %ge3A_608 = arith.cmpi sge, %iota3A_9, %ge3A_607 : vector<16xi32>
      %jit3A_609 = arith.constant 0xFF800000 : f32
      %broadcast_in_dim3A_610 = vector.broadcast %jit3A_609 : f32 to vector<16xf32>
      %select_n3A_611 = arith.select %ge3A_608, %broadcast_in_dim3A_610, %select_n3A_605 : vector<16xi1>, vector<16xf32>
      %max3A = arith.maximumf %select_n3A, %select_n3A_353 : vector<16xf32>
      %max3A_612 = arith.maximumf %select_n3A_381, %select_n3A_402 : vector<16xf32>
      %max3A_613 = arith.maximumf %select_n3A_423, %select_n3A_444 : vector<16xf32>
      %max3A_614 = arith.maximumf %select_n3A_465, %select_n3A_495 : vector<16xf32>
      %max3A_615 = arith.maximumf %select_n3A_516, %select_n3A_537 : vector<16xf32>
      %max3A_616 = arith.maximumf %select_n3A_558, %select_n3A_579 : vector<16xf32>
      %max3A_617 = arith.maximumf %max3A, %max3A_612 : vector<16xf32>
      %max3A_618 = arith.maximumf %max3A_613, %max3A_614 : vector<16xf32>
      %max3A_619 = arith.maximumf %max3A_615, %max3A_616 : vector<16xf32>
      %max3A_620 = arith.maximumf %max3A_617, %max3A_618 : vector<16xf32>
      %max3A_621 = arith.maximumf %max3A_619, %select_n3A_611 : vector<16xf32>
      %max3A_622 = arith.maximumf %max3A_620, %max3A_621 : vector<16xf32>
      %broadcast_in_dim3A_623 = arith.constant true
      %broadcast_in_dim3A_624 = vector.broadcast %broadcast_in_dim3A_623 : i1 to vector<16xi1>
      %masked_cummax3A = tpu.scan <max>, %max3A_622 masked %broadcast_in_dim3A_624 : vector<16xf32>, vector<16xi1> -> vector<16xf32>
      %rev3A = arith.constant 15 : i32
      %rev3A_625 = vector.broadcast %rev3A : i32 to vector<16xi32>
      %rev3A_626 = tpu.iota {dimensions = array<i32: 0>} : vector<16xi32>
      %rev3A_627 = arith.subi %rev3A_625, %rev3A_626 : vector<16xi32>
      %rev3A_628 = tpu.dynamic_gather %masked_cummax3A[%rev3A_627] in [0] : vector<16xf32>, vector<16xi32> -> vector<16xf32>
      %broadcast_in_dim3A_629 = arith.constant true
      %broadcast_in_dim3A_630 = vector.broadcast %broadcast_in_dim3A_629 : i1 to vector<16xi1>
      %masked_cummax3A_631 = tpu.scan <max>, %rev3A_628 masked %broadcast_in_dim3A_630 : vector<16xf32>, vector<16xi1> -> vector<16xf32>
      %sub3A_632 = arith.subf %select_n3A, %masked_cummax3A_631 : vector<16xf32>
      %exp3A = math.exp %sub3A_632 : vector<16xf32>
      %sub3A_633 = arith.subf %select_n3A_353, %masked_cummax3A_631 : vector<16xf32>
      %exp3A_634 = math.exp %sub3A_633 : vector<16xf32>
      %sub3A_635 = arith.subf %select_n3A_381, %masked_cummax3A_631 : vector<16xf32>
      %exp3A_636 = math.exp %sub3A_635 : vector<16xf32>
      %sub3A_637 = arith.subf %select_n3A_402, %masked_cummax3A_631 : vector<16xf32>
      %exp3A_638 = math.exp %sub3A_637 : vector<16xf32>
      %sub3A_639 = arith.subf %select_n3A_423, %masked_cummax3A_631 : vector<16xf32>
      %exp3A_640 = math.exp %sub3A_639 : vector<16xf32>
      %sub3A_641 = arith.subf %select_n3A_444, %masked_cummax3A_631 : vector<16xf32>
      %exp3A_642 = math.exp %sub3A_641 : vector<16xf32>
      %sub3A_643 = arith.subf %select_n3A_465, %masked_cummax3A_631 : vector<16xf32>
      %exp3A_644 = math.exp %sub3A_643 : vector<16xf32>
      %sub3A_645 = arith.subf %select_n3A_495, %masked_cummax3A_631 : vector<16xf32>
      %exp3A_646 = math.exp %sub3A_645 : vector<16xf32>
      %sub3A_647 = arith.subf %select_n3A_516, %masked_cummax3A_631 : vector<16xf32>
      %exp3A_648 = math.exp %sub3A_647 : vector<16xf32>
      %sub3A_649 = arith.subf %select_n3A_537, %masked_cummax3A_631 : vector<16xf32>
      %exp3A_650 = math.exp %sub3A_649 : vector<16xf32>
      %sub3A_651 = arith.subf %select_n3A_558, %masked_cummax3A_631 : vector<16xf32>
      %exp3A_652 = math.exp %sub3A_651 : vector<16xf32>
      %sub3A_653 = arith.subf %select_n3A_579, %masked_cummax3A_631 : vector<16xf32>
      %exp3A_654 = math.exp %sub3A_653 : vector<16xf32>
      %sub3A_655 = arith.subf %select_n3A_611, %masked_cummax3A_631 : vector<16xf32>
      %exp3A_656 = math.exp %sub3A_655 : vector<16xf32>
      %add3A_657 = arith.addf %exp3A, %exp3A_634 : vector<16xf32>
      %add3A_658 = arith.addf %exp3A_636, %exp3A_638 : vector<16xf32>
      %add3A_659 = arith.addf %exp3A_640, %exp3A_642 : vector<16xf32>
      %add3A_660 = arith.addf %exp3A_644, %exp3A_646 : vector<16xf32>
      %add3A_661 = arith.addf %exp3A_648, %exp3A_650 : vector<16xf32>
      %add3A_662 = arith.addf %exp3A_652, %exp3A_654 : vector<16xf32>
      %add3A_663 = arith.addf %add3A_657, %add3A_658 : vector<16xf32>
      %add3A_664 = arith.addf %add3A_659, %add3A_660 : vector<16xf32>
      %add3A_665 = arith.addf %add3A_661, %add3A_662 : vector<16xf32>
      %add3A_666 = arith.addf %add3A_663, %add3A_664 : vector<16xf32>
      %add3A_667 = arith.addf %add3A_665, %exp3A_656 : vector<16xf32>
      %add3A_668 = arith.addf %add3A_666, %add3A_667 : vector<16xf32>
      %broadcast_in_dim3A_669 = arith.constant true
      %broadcast_in_dim3A_670 = vector.broadcast %broadcast_in_dim3A_669 : i1 to vector<16xi1>
      %masked_cumsum3A = tpu.scan <sum>, %add3A_668 masked %broadcast_in_dim3A_670 : vector<16xf32>, vector<16xi1> -> vector<16xf32>
      %broadcast_in_dim3A_671 = arith.constant true
      %broadcast_in_dim3A_672 = vector.broadcast %broadcast_in_dim3A_671 : i1 to vector<16xi1>
      %masked_cummax3A_673 = tpu.scan <max>, %masked_cumsum3A masked %broadcast_in_dim3A_672 : vector<16xf32>, vector<16xi1> -> vector<16xf32>
      %rev3A_674 = arith.constant 15 : i32
      %rev3A_675 = vector.broadcast %rev3A_674 : i32 to vector<16xi32>
      %rev3A_676 = tpu.iota {dimensions = array<i32: 0>} : vector<16xi32>
      %rev3A_677 = arith.subi %rev3A_675, %rev3A_676 : vector<16xi32>
      %rev3A_678 = tpu.dynamic_gather %masked_cummax3A_673[%rev3A_677] in [0] : vector<16xf32>, vector<16xi32> -> vector<16xf32>
      %broadcast_in_dim3A_679 = arith.constant true
      %broadcast_in_dim3A_680 = vector.broadcast %broadcast_in_dim3A_679 : i1 to vector<16xi1>
      %masked_cummax3A_681 = tpu.scan <max>, %rev3A_678 masked %broadcast_in_dim3A_680 : vector<16xf32>, vector<16xi1> -> vector<16xf32>
      %bitcast3A = vector.bitcast %masked_cummax3A_681 : vector<16xf32> to vector<16xi32>
      %shift_right_arithmetic3A = arith.constant 23 : i32
      %shift_right_arithmetic3A_682 = vector.broadcast %shift_right_arithmetic3A : i32 to vector<16xi32>
      %shift_right_arithmetic3A_683 = arith.shrsi %bitcast3A, %shift_right_arithmetic3A_682 : vector<16xi32>
      %and3A = arith.constant 255 : i32
      %and3A_684 = vector.broadcast %and3A : i32 to vector<16xi32>
      %and3A_685 = arith.andi %shift_right_arithmetic3A_683, %and3A_684 : vector<16xi32>
      %sub3A_686 = arith.constant 127 : i32
      %sub3A_687 = vector.broadcast %sub3A_686 : i32 to vector<16xi32>
      %sub3A_688 = arith.subi %and3A_685, %sub3A_687 : vector<16xi32>
      %and3A_689 = arith.constant 8388607 : i32
      %and3A_690 = vector.broadcast %and3A_689 : i32 to vector<16xi32>
      %and3A_691 = arith.andi %bitcast3A, %and3A_690 : vector<16xi32>
      %or3A = arith.constant 1065353216 : i32
      %or3A_692 = vector.broadcast %or3A : i32 to vector<16xi32>
      %or3A_693 = arith.ori %and3A_691, %or3A_692 : vector<16xi32>
      %bitcast3A_694 = vector.bitcast %or3A_693 : vector<16xi32> to vector<16xf32>
      %sub3A_695 = arith.constant 1.000000e+00 : f32
      %sub3A_696 = vector.broadcast %sub3A_695 : f32 to vector<16xf32>
      %sub3A_697 = arith.subf %bitcast3A_694, %sub3A_696 : vector<16xf32>
      %add3A_698 = arith.constant 1.000000e+00 : f32
      %add3A_699 = vector.broadcast %add3A_698 : f32 to vector<16xf32>
      %add3A_700 = arith.addf %bitcast3A_694, %add3A_699 : vector<16xf32>
      %div3A = arith.divf %sub3A_697, %add3A_700 : vector<16xf32>
      %mul3A_701 = arith.mulf %div3A, %div3A : vector<16xf32>
      %mul3A_702 = arith.constant 2.000000e+00 : f32
      %mul3A_703 = vector.broadcast %mul3A_702 : f32 to vector<16xf32>
      %mul3A_704 = arith.mulf %mul3A_703, %div3A : vector<16xf32>
      %div3A_705 = arith.constant 7.000000e+00 : f32
      %div3A_706 = vector.broadcast %div3A_705 : f32 to vector<16xf32>
      %div3A_707 = arith.divf %mul3A_701, %div3A_706 : vector<16xf32>
      %add3A_708 = arith.constant 2.000000e-01 : f32
      %add3A_709 = vector.broadcast %add3A_708 : f32 to vector<16xf32>
      %add3A_710 = arith.addf %add3A_709, %div3A_707 : vector<16xf32>
      %mul3A_711 = arith.mulf %mul3A_701, %add3A_710 : vector<16xf32>
      %add3A_712 = arith.constant 0.333333343 : f32
      %add3A_713 = vector.broadcast %add3A_712 : f32 to vector<16xf32>
      %add3A_714 = arith.addf %add3A_713, %mul3A_711 : vector<16xf32>
      %mul3A_715 = arith.mulf %mul3A_701, %add3A_714 : vector<16xf32>
      %add3A_716 = arith.constant 1.000000e+00 : f32
      %add3A_717 = vector.broadcast %add3A_716 : f32 to vector<16xf32>
      %add3A_718 = arith.addf %add3A_717, %mul3A_715 : vector<16xf32>
      %mul3A_719 = arith.mulf %mul3A_704, %add3A_718 : vector<16xf32>
      %convert_element_type3A_720 = arith.sitofp %sub3A_688 : vector<16xi32> to vector<16xf32>
      %mul3A_721 = arith.constant 0.693147182 : f32
      %mul3A_722 = vector.broadcast %mul3A_721 : f32 to vector<16xf32>
      %mul3A_723 = arith.mulf %convert_element_type3A_720, %mul3A_722 : vector<16xf32>
      %add3A_724 = arith.addf %mul3A_723, %mul3A_719 : vector<16xf32>
      %add3A_725 = arith.addf %masked_cummax3A_631, %add3A_724 : vector<16xf32>
      %sub3A_726 = arith.subf %select_n3A, %add3A_725 : vector<16xf32>
      %mul3A_727 = arith.constant 208 : i32
      %mul3A_728 = arith.muli %scan3A_76, %mul3A_727 : i32
      %add3A_729 = arith.constant 0 : i32
      %add3A_730 = arith.addi %mul3A_728, %add3A_729 : i32
      %swap3A = arith.index_cast %add3A_730 : i32 to index
      %swap3A_731 = tpu.vector_load %arg14[%swap3A] {strides = array<i32>} : memref<6656xf32, #tpu.memory_space<vmem>>, vector<16xf32>,
      tpu.vector_store %arg14[%swap3A], %sub3A_726 {strides = array<i32>} : memref<6656xf32, #tpu.memory_space<vmem>>, vector<16xf32>,
      %sub3A_732 = arith.subf %select_n3A_353, %add3A_725 : vector<16xf32>
      %mul3A_733 = arith.constant 208 : i32
      %mul3A_734 = arith.muli %scan3A_76, %mul3A_733 : i32
      %add3A_735 = arith.constant 16 : i32
      %add3A_736 = arith.addi %mul3A_734, %add3A_735 : i32
      %swap3A_737 = arith.index_cast %add3A_736 : i32 to index
      %swap3A_738 = tpu.vector_load %arg14[%swap3A_737] {strides = array<i32>} : memref<6656xf32, #tpu.memory_space<vmem>>, vector<16xf32>,
      tpu.vector_store %arg14[%swap3A_737], %sub3A_732 {strides = array<i32>} : memref<6656xf32, #tpu.memory_space<vmem>>, vector<16xf32>,
      %sub3A_739 = arith.subf %select_n3A_381, %add3A_725 : vector<16xf32>
      %mul3A_740 = arith.constant 208 : i32
      %mul3A_741 = arith.muli %scan3A_76, %mul3A_740 : i32
      %add3A_742 = arith.constant 32 : i32
      %add3A_743 = arith.addi %mul3A_741, %add3A_742 : i32
      %swap3A_744 = arith.index_cast %add3A_743 : i32 to index
      %swap3A_745 = tpu.vector_load %arg14[%swap3A_744] {strides = array<i32>} : memref<6656xf32, #tpu.memory_space<vmem>>, vector<16xf32>,
      tpu.vector_store %arg14[%swap3A_744], %sub3A_739 {strides = array<i32>} : memref<6656xf32, #tpu.memory_space<vmem>>, vector<16xf32>,
      %sub3A_746 = arith.subf %select_n3A_402, %add3A_725 : vector<16xf32>
      %mul3A_747 = arith.constant 208 : i32
      %mul3A_748 = arith.muli %scan3A_76, %mul3A_747 : i32
      %add3A_749 = arith.constant 48 : i32
      %add3A_750 = arith.addi %mul3A_748, %add3A_749 : i32
      %swap3A_751 = arith.index_cast %add3A_750 : i32 to index
      %swap3A_752 = tpu.vector_load %arg14[%swap3A_751] {strides = array<i32>} : memref<6656xf32, #tpu.memory_space<vmem>>, vector<16xf32>,
      tpu.vector_store %arg14[%swap3A_751], %sub3A_746 {strides = array<i32>} : memref<6656xf32, #tpu.memory_space<vmem>>, vector<16xf32>,
      %sub3A_753 = arith.subf %select_n3A_423, %add3A_725 : vector<16xf32>
      %mul3A_754 = arith.constant 208 : i32
      %mul3A_755 = arith.muli %scan3A_76, %mul3A_754 : i32
      %add3A_756 = arith.constant 64 : i32
      %add3A_757 = arith.addi %mul3A_755, %add3A_756 : i32
      %swap3A_758 = arith.index_cast %add3A_757 : i32 to index
      %swap3A_759 = tpu.vector_load %arg14[%swap3A_758] {strides = array<i32>} : memref<6656xf32, #tpu.memory_space<vmem>>, vector<16xf32>,
      tpu.vector_store %arg14[%swap3A_758], %sub3A_753 {strides = array<i32>} : memref<6656xf32, #tpu.memory_space<vmem>>, vector<16xf32>,
      %sub3A_760 = arith.subf %select_n3A_444, %add3A_725 : vector<16xf32>
      %mul3A_761 = arith.constant 208 : i32
      %mul3A_762 = arith.muli %scan3A_76, %mul3A_761 : i32
      %add3A_763 = arith.constant 80 : i32
      %add3A_764 = arith.addi %mul3A_762, %add3A_763 : i32
      %swap3A_765 = arith.index_cast %add3A_764 : i32 to index
      %swap3A_766 = tpu.vector_load %arg14[%swap3A_765] {strides = array<i32>} : memref<6656xf32, #tpu.memory_space<vmem>>, vector<16xf32>,
      tpu.vector_store %arg14[%swap3A_765], %sub3A_760 {strides = array<i32>} : memref<6656xf32, #tpu.memory_space<vmem>>, vector<16xf32>,
      %sub3A_767 = arith.subf %select_n3A_465, %add3A_725 : vector<16xf32>
      %mul3A_768 = arith.constant 208 : i32
      %mul3A_769 = arith.muli %scan3A_76, %mul3A_768 : i32
      %add3A_770 = arith.constant 96 : i32
      %add3A_771 = arith.addi %mul3A_769, %add3A_770 : i32
      %swap3A_772 = arith.index_cast %add3A_771 : i32 to index
      %swap3A_773 = tpu.vector_load %arg14[%swap3A_772] {strides = array<i32>} : memref<6656xf32, #tpu.memory_space<vmem>>, vector<16xf32>,
      tpu.vector_store %arg14[%swap3A_772], %sub3A_767 {strides = array<i32>} : memref<6656xf32, #tpu.memory_space<vmem>>, vector<16xf32>,
      %sub3A_774 = arith.subf %select_n3A_495, %add3A_725 : vector<16xf32>
      %mul3A_775 = arith.constant 208 : i32
      %mul3A_776 = arith.muli %scan3A_76, %mul3A_775 : i32
      %add3A_777 = arith.constant 112 : i32
      %add3A_778 = arith.addi %mul3A_776, %add3A_777 : i32
      %swap3A_779 = arith.index_cast %add3A_778 : i32 to index
      %swap3A_780 = tpu.vector_load %arg14[%swap3A_779] {strides = array<i32>} : memref<6656xf32, #tpu.memory_space<vmem>>, vector<16xf32>,
      tpu.vector_store %arg14[%swap3A_779], %sub3A_774 {strides = array<i32>} : memref<6656xf32, #tpu.memory_space<vmem>>, vector<16xf32>,
      %sub3A_781 = arith.subf %select_n3A_516, %add3A_725 : vector<16xf32>
      %mul3A_782 = arith.constant 208 : i32
      %mul3A_783 = arith.muli %scan3A_76, %mul3A_782 : i32
      %add3A_784 = arith.constant 128 : i32
      %add3A_785 = arith.addi %mul3A_783, %add3A_784 : i32
      %swap3A_786 = arith.index_cast %add3A_785 : i32 to index
      %swap3A_787 = tpu.vector_load %arg14[%swap3A_786] {strides = array<i32>} : memref<6656xf32, #tpu.memory_space<vmem>>, vector<16xf32>,
      tpu.vector_store %arg14[%swap3A_786], %sub3A_781 {strides = array<i32>} : memref<6656xf32, #tpu.memory_space<vmem>>, vector<16xf32>,
      %sub3A_788 = arith.subf %select_n3A_537, %add3A_725 : vector<16xf32>
      %mul3A_789 = arith.constant 208 : i32
      %mul3A_790 = arith.muli %scan3A_76, %mul3A_789 : i32
      %add3A_791 = arith.constant 144 : i32
      %add3A_792 = arith.addi %mul3A_790, %add3A_791 : i32
      %swap3A_793 = arith.index_cast %add3A_792 : i32 to index
      %swap3A_794 = tpu.vector_load %arg14[%swap3A_793] {strides = array<i32>} : memref<6656xf32, #tpu.memory_space<vmem>>, vector<16xf32>,
      tpu.vector_store %arg14[%swap3A_793], %sub3A_788 {strides = array<i32>} : memref<6656xf32, #tpu.memory_space<vmem>>, vector<16xf32>,
      %sub3A_795 = arith.subf %select_n3A_558, %add3A_725 : vector<16xf32>
      %mul3A_796 = arith.constant 208 : i32
      %mul3A_797 = arith.muli %scan3A_76, %mul3A_796 : i32
      %add3A_798 = arith.constant 160 : i32
      %add3A_799 = arith.addi %mul3A_797, %add3A_798 : i32
      %swap3A_800 = arith.index_cast %add3A_799 : i32 to index
      %swap3A_801 = tpu.vector_load %arg14[%swap3A_800] {strides = array<i32>} : memref<6656xf32, #tpu.memory_space<vmem>>, vector<16xf32>,
      tpu.vector_store %arg14[%swap3A_800], %sub3A_795 {strides = array<i32>} : memref<6656xf32, #tpu.memory_space<vmem>>, vector<16xf32>,
      %sub3A_802 = arith.subf %select_n3A_579, %add3A_725 : vector<16xf32>
      %mul3A_803 = arith.constant 208 : i32
      %mul3A_804 = arith.muli %scan3A_76, %mul3A_803 : i32
      %add3A_805 = arith.constant 176 : i32
      %add3A_806 = arith.addi %mul3A_804, %add3A_805 : i32
      %swap3A_807 = arith.index_cast %add3A_806 : i32 to index
      %swap3A_808 = tpu.vector_load %arg14[%swap3A_807] {strides = array<i32>} : memref<6656xf32, #tpu.memory_space<vmem>>, vector<16xf32>,
      tpu.vector_store %arg14[%swap3A_807], %sub3A_802 {strides = array<i32>} : memref<6656xf32, #tpu.memory_space<vmem>>, vector<16xf32>,
      %sub3A_809 = arith.subf %select_n3A_611, %add3A_725 : vector<16xf32>
      %mul3A_810 = arith.constant 208 : i32
      %mul3A_811 = arith.muli %scan3A_76, %mul3A_810 : i32
      %add3A_812 = arith.constant 192 : i32
      %add3A_813 = arith.addi %mul3A_811, %add3A_812 : i32
      %swap3A_814 = arith.index_cast %add3A_813 : i32 to index
      %swap3A_815 = tpu.vector_load %arg14[%swap3A_814] {strides = array<i32>} : memref<6656xf32, #tpu.memory_space<vmem>>, vector<16xf32>,
      tpu.vector_store %arg14[%swap3A_814], %sub3A_809 {strides = array<i32>} : memref<6656xf32, #tpu.memory_space<vmem>>, vector<16xf32>,
    }
    %scan3A_73 = arith.constant 32 : i32
    %mul3A_74 = arith.constant 208 : i32
    %mul3A_75 = arith.muli %mul3A_2, %mul3A_74 : i32
    "tpu.region"() ({
      %run_scoped3A = tpu.sem_alloc : memref<!tpu.dma_semaphore, #tpu.memory_space<semaphore_mem>>
      %dma_start3A_76 = tpu.memref_slice %arg6[%mul3A_75] : memref<212992xf32, #tpu.memory_space<hbm>> -> memref<6656xf32, #tpu.memory_space<hbm>>
      %dma_start3A_77 = tpu.memref_slice %arg6[%mul3A_75] : memref<212992xf32, #tpu.memory_space<hbm>> -> memref<6656xf32, #tpu.memory_space<hbm>>
      tpu.enqueue_dma source(%arg14 : memref<6656xf32, #tpu.memory_space<vmem>>) target(%dma_start3A_77 : memref<6656xf32, #tpu.memory_space<hbm>>) target_semaphore(%run_scoped3A : memref<!tpu.dma_semaphore, #tpu.memory_space<semaphore_mem>>)
      %dma_wait3A = tpu.memref_slice %arg6[%mul3A_75] : memref<212992xf32, #tpu.memory_space<hbm>> -> memref<6656xf32, #tpu.memory_space<hbm>>
      %dma_wait3A_78 = tpu.memref_slice %arg6[%mul3A_75] : memref<212992xf32, #tpu.memory_space<hbm>> -> memref<6656xf32, #tpu.memory_space<hbm>>
      tpu.wait_dma2 semaphore(%run_scoped3A : memref<!tpu.dma_semaphore, #tpu.memory_space<semaphore_mem>>) src(%arg14 : memref<6656xf32, #tpu.memory_space<vmem>>) dst(%dma_wait3A_78 : memref<6656xf32, #tpu.memory_space<hbm>>)
      tpu.yield
    }) : () -> ()
    return
  }
}

#map = affine_map<(d0, d1) -> (0)>
#map1 = affine_map<(d0, d1) -> (0, 0)>
module attributes {stable_mosaic.version = 14 : i64} {
  func.func @_gather3_body(%arg0: i32, %arg1: i32, %arg2: memref<1024xi32, #tpu.memory_space<hbm>>, %arg3: memref<1024xi32, #tpu.memory_space<hbm>>, %arg4: memref<1024xi32, #tpu.memory_space<hbm>>, %arg5: memref<100400x128xf32, #tpu.memory_space<hbm>>, %arg6: memref<1024x128xf32, #tpu.memory_space<hbm>>, %arg7: memref<1024x128xf32, #tpu.memory_space<hbm>>, %arg8: memref<1024x128xf32, #tpu.memory_space<hbm>>, %arg9: memref<32xi32, #tpu.memory_space<vmem>>, %arg10: memref<32xi32, #tpu.memory_space<vmem>>, %arg11: memref<32xi32, #tpu.memory_space<vmem>>, %arg12: memref<32x128xf32, #tpu.memory_space<vmem>>, %arg13: memref<32x128xf32, #tpu.memory_space<vmem>>, %arg14: memref<32x128xf32, #tpu.memory_space<vmem>>, %arg15: memref<!tpu.dma_semaphore, #tpu.memory_space<semaphore_mem>>) attributes {dimension_semantics = [#tpu.dimension_semantics<core_parallel>, #tpu.dimension_semantics<subcore_parallel>], iteration_bounds = array<i64: 2, 16>, scalar_prefetch = 0 : i64, scratch_operands = 7 : i64, tpu.core_type = #tpu.core_type<sc_vector_subcore>, window_params = [{transform_indices = #map}, {transform_indices = #map}, {transform_indices = #map}, {transform_indices = #map1}, {transform_indices = #map1}, {transform_indices = #map1}, {transform_indices = #map1}]} {
    %mul3A = arith.constant 2 : i32
    %mul3A_0 = arith.muli %arg1, %mul3A : i32
    %add3A = arith.addi %mul3A_0, %arg0 : i32
    %mul3A_1 = arith.constant 32 : i32
    %mul3A_2 = arith.muli %add3A, %mul3A_1 : i32
    "tpu.region"() ({
      %run_scoped3A = tpu.sem_alloc : memref<!tpu.dma_semaphore, #tpu.memory_space<semaphore_mem>>
      %dma_start3A_19 = tpu.memref_slice %arg2[%mul3A_2] : memref<1024xi32, #tpu.memory_space<hbm>> -> memref<32xi32, #tpu.memory_space<hbm>>
      %dma_start3A_20 = tpu.memref_slice %arg2[%mul3A_2] : memref<1024xi32, #tpu.memory_space<hbm>> -> memref<32xi32, #tpu.memory_space<hbm>>
      tpu.enqueue_dma source(%dma_start3A_20 : memref<32xi32, #tpu.memory_space<hbm>>) target(%arg9 : memref<32xi32, #tpu.memory_space<vmem>>) target_semaphore(%run_scoped3A : memref<!tpu.dma_semaphore, #tpu.memory_space<semaphore_mem>>)
      %dma_wait3A_21 = tpu.memref_slice %arg2[%mul3A_2] : memref<1024xi32, #tpu.memory_space<hbm>> -> memref<32xi32, #tpu.memory_space<hbm>>
      %dma_wait3A_22 = tpu.memref_slice %arg2[%mul3A_2] : memref<1024xi32, #tpu.memory_space<hbm>> -> memref<32xi32, #tpu.memory_space<hbm>>
      tpu.wait_dma2 semaphore(%run_scoped3A : memref<!tpu.dma_semaphore, #tpu.memory_space<semaphore_mem>>) src(%dma_wait3A_22 : memref<32xi32, #tpu.memory_space<hbm>>) dst(%arg9 : memref<32xi32, #tpu.memory_space<vmem>>)
      tpu.yield
    }) : () -> ()
    "tpu.region"() ({
      %run_scoped3A = tpu.sem_alloc : memref<!tpu.dma_semaphore, #tpu.memory_space<semaphore_mem>>
      %dma_start3A_19 = tpu.memref_slice %arg3[%mul3A_2] : memref<1024xi32, #tpu.memory_space<hbm>> -> memref<32xi32, #tpu.memory_space<hbm>>
      %dma_start3A_20 = tpu.memref_slice %arg3[%mul3A_2] : memref<1024xi32, #tpu.memory_space<hbm>> -> memref<32xi32, #tpu.memory_space<hbm>>
      tpu.enqueue_dma source(%dma_start3A_20 : memref<32xi32, #tpu.memory_space<hbm>>) target(%arg10 : memref<32xi32, #tpu.memory_space<vmem>>) target_semaphore(%run_scoped3A : memref<!tpu.dma_semaphore, #tpu.memory_space<semaphore_mem>>)
      %dma_wait3A_21 = tpu.memref_slice %arg3[%mul3A_2] : memref<1024xi32, #tpu.memory_space<hbm>> -> memref<32xi32, #tpu.memory_space<hbm>>
      %dma_wait3A_22 = tpu.memref_slice %arg3[%mul3A_2] : memref<1024xi32, #tpu.memory_space<hbm>> -> memref<32xi32, #tpu.memory_space<hbm>>
      tpu.wait_dma2 semaphore(%run_scoped3A : memref<!tpu.dma_semaphore, #tpu.memory_space<semaphore_mem>>) src(%dma_wait3A_22 : memref<32xi32, #tpu.memory_space<hbm>>) dst(%arg10 : memref<32xi32, #tpu.memory_space<vmem>>)
      tpu.yield
    }) : () -> ()
    "tpu.region"() ({
      %run_scoped3A = tpu.sem_alloc : memref<!tpu.dma_semaphore, #tpu.memory_space<semaphore_mem>>
      %dma_start3A_19 = tpu.memref_slice %arg4[%mul3A_2] : memref<1024xi32, #tpu.memory_space<hbm>> -> memref<32xi32, #tpu.memory_space<hbm>>
      %dma_start3A_20 = tpu.memref_slice %arg4[%mul3A_2] : memref<1024xi32, #tpu.memory_space<hbm>> -> memref<32xi32, #tpu.memory_space<hbm>>
      tpu.enqueue_dma source(%dma_start3A_20 : memref<32xi32, #tpu.memory_space<hbm>>) target(%arg11 : memref<32xi32, #tpu.memory_space<vmem>>) target_semaphore(%run_scoped3A : memref<!tpu.dma_semaphore, #tpu.memory_space<semaphore_mem>>)
      %dma_wait3A_21 = tpu.memref_slice %arg4[%mul3A_2] : memref<1024xi32, #tpu.memory_space<hbm>> -> memref<32xi32, #tpu.memory_space<hbm>>
      %dma_wait3A_22 = tpu.memref_slice %arg4[%mul3A_2] : memref<1024xi32, #tpu.memory_space<hbm>> -> memref<32xi32, #tpu.memory_space<hbm>>
      tpu.wait_dma2 semaphore(%run_scoped3A : memref<!tpu.dma_semaphore, #tpu.memory_space<semaphore_mem>>) src(%dma_wait3A_22 : memref<32xi32, #tpu.memory_space<hbm>>) dst(%arg11 : memref<32xi32, #tpu.memory_space<vmem>>)
      tpu.yield
    }) : () -> ()
    %dma_start3A = arith.constant 0 : i32
    %dma_start3A_3 = arith.constant 0 : i32
    %dma_start3A_4 = tpu.memref_slice %arg5[%dma_start3A, %dma_start3A_3] : memref<100400x128xf32, #tpu.memory_space<hbm>> -> memref<100400x128xf32, #tpu.memory_space<hbm>>
    tpu.enqueue_indirect_dma source(%dma_start3A_4 : memref<100400x128xf32, #tpu.memory_space<hbm>>) target(%arg12 : memref<32x128xf32, #tpu.memory_space<vmem>>) offsets(%arg9 : memref<32xi32, #tpu.memory_space<vmem>>) semaphore(%arg15 : memref<!tpu.dma_semaphore, #tpu.memory_space<semaphore_mem>>)
    %dma_start3A_5 = arith.constant 0 : i32
    %dma_start3A_6 = arith.constant 0 : i32
    %dma_start3A_7 = tpu.memref_slice %arg5[%dma_start3A_5, %dma_start3A_6] : memref<100400x128xf32, #tpu.memory_space<hbm>> -> memref<100400x128xf32, #tpu.memory_space<hbm>>
    tpu.enqueue_indirect_dma source(%dma_start3A_7 : memref<100400x128xf32, #tpu.memory_space<hbm>>) target(%arg13 : memref<32x128xf32, #tpu.memory_space<vmem>>) offsets(%arg10 : memref<32xi32, #tpu.memory_space<vmem>>) semaphore(%arg15 : memref<!tpu.dma_semaphore, #tpu.memory_space<semaphore_mem>>)
    %dma_start3A_8 = arith.constant 0 : i32
    %dma_start3A_9 = arith.constant 0 : i32
    %dma_start3A_10 = tpu.memref_slice %arg5[%dma_start3A_8, %dma_start3A_9] : memref<100400x128xf32, #tpu.memory_space<hbm>> -> memref<100400x128xf32, #tpu.memory_space<hbm>>
    tpu.enqueue_indirect_dma source(%dma_start3A_10 : memref<100400x128xf32, #tpu.memory_space<hbm>>) target(%arg14 : memref<32x128xf32, #tpu.memory_space<vmem>>) offsets(%arg11 : memref<32xi32, #tpu.memory_space<vmem>>) semaphore(%arg15 : memref<!tpu.dma_semaphore, #tpu.memory_space<semaphore_mem>>)
    %dma_wait3A = arith.constant 0 : i32
    %dma_wait3A_11 = arith.constant 0 : i32
    %dma_wait3A_12 = tpu.memref_slice %arg5[%dma_wait3A, %dma_wait3A_11] : memref<100400x128xf32, #tpu.memory_space<hbm>> -> memref<100400x128xf32, #tpu.memory_space<hbm>>
    tpu.wait_indirect_dma semaphore(%arg15 : memref<!tpu.dma_semaphore, #tpu.memory_space<semaphore_mem>>) src(%dma_wait3A_12 : memref<100400x128xf32, #tpu.memory_space<hbm>>) dst(%arg12 : memref<32x128xf32, #tpu.memory_space<vmem>>)
    %dma_wait3A_13 = arith.constant 0 : i32
    %dma_wait3A_14 = arith.constant 0 : i32
    %dma_wait3A_15 = tpu.memref_slice %arg5[%dma_wait3A_13, %dma_wait3A_14] : memref<100400x128xf32, #tpu.memory_space<hbm>> -> memref<100400x128xf32, #tpu.memory_space<hbm>>
    tpu.wait_indirect_dma semaphore(%arg15 : memref<!tpu.dma_semaphore, #tpu.memory_space<semaphore_mem>>) src(%dma_wait3A_15 : memref<100400x128xf32, #tpu.memory_space<hbm>>) dst(%arg13 : memref<32x128xf32, #tpu.memory_space<vmem>>)
    %dma_wait3A_16 = arith.constant 0 : i32
    %dma_wait3A_17 = arith.constant 0 : i32
    %dma_wait3A_18 = tpu.memref_slice %arg5[%dma_wait3A_16, %dma_wait3A_17] : memref<100400x128xf32, #tpu.memory_space<hbm>> -> memref<100400x128xf32, #tpu.memory_space<hbm>>
    tpu.wait_indirect_dma semaphore(%arg15 : memref<!tpu.dma_semaphore, #tpu.memory_space<semaphore_mem>>) src(%dma_wait3A_18 : memref<100400x128xf32, #tpu.memory_space<hbm>>) dst(%arg14 : memref<32x128xf32, #tpu.memory_space<vmem>>)
    "tpu.region"() ({
      %run_scoped3A = tpu.sem_alloc : memref<!tpu.dma_semaphore, #tpu.memory_space<semaphore_mem>>
      %dma_start3A_19 = arith.constant 0 : i32
      %dma_start3A_20 = tpu.memref_slice %arg6[%mul3A_2, %dma_start3A_19] : memref<1024x128xf32, #tpu.memory_space<hbm>> -> memref<32x128xf32, #tpu.memory_space<hbm>>
      %dma_start3A_21 = arith.constant 0 : i32
      %dma_start3A_22 = tpu.memref_slice %arg6[%mul3A_2, %dma_start3A_21] : memref<1024x128xf32, #tpu.memory_space<hbm>> -> memref<32x128xf32, #tpu.memory_space<hbm>>
      tpu.enqueue_dma source(%arg12 : memref<32x128xf32, #tpu.memory_space<vmem>>) target(%dma_start3A_22 : memref<32x128xf32, #tpu.memory_space<hbm>>) target_semaphore(%run_scoped3A : memref<!tpu.dma_semaphore, #tpu.memory_space<semaphore_mem>>)
      %dma_wait3A_23 = arith.constant 0 : i32
      %dma_wait3A_24 = tpu.memref_slice %arg6[%mul3A_2, %dma_wait3A_23] : memref<1024x128xf32, #tpu.memory_space<hbm>> -> memref<32x128xf32, #tpu.memory_space<hbm>>
      %dma_wait3A_25 = arith.constant 0 : i32
      %dma_wait3A_26 = tpu.memref_slice %arg6[%mul3A_2, %dma_wait3A_25] : memref<1024x128xf32, #tpu.memory_space<hbm>> -> memref<32x128xf32, #tpu.memory_space<hbm>>
      tpu.wait_dma2 semaphore(%run_scoped3A : memref<!tpu.dma_semaphore, #tpu.memory_space<semaphore_mem>>) src(%arg12 : memref<32x128xf32, #tpu.memory_space<vmem>>) dst(%dma_wait3A_26 : memref<32x128xf32, #tpu.memory_space<hbm>>)
      tpu.yield
    }) : () -> ()
    "tpu.region"() ({
      %run_scoped3A = tpu.sem_alloc : memref<!tpu.dma_semaphore, #tpu.memory_space<semaphore_mem>>
      %dma_start3A_19 = arith.constant 0 : i32
      %dma_start3A_20 = tpu.memref_slice %arg7[%mul3A_2, %dma_start3A_19] : memref<1024x128xf32, #tpu.memory_space<hbm>> -> memref<32x128xf32, #tpu.memory_space<hbm>>
      %dma_start3A_21 = arith.constant 0 : i32
      %dma_start3A_22 = tpu.memref_slice %arg7[%mul3A_2, %dma_start3A_21] : memref<1024x128xf32, #tpu.memory_space<hbm>> -> memref<32x128xf32, #tpu.memory_space<hbm>>
      tpu.enqueue_dma source(%arg13 : memref<32x128xf32, #tpu.memory_space<vmem>>) target(%dma_start3A_22 : memref<32x128xf32, #tpu.memory_space<hbm>>) target_semaphore(%run_scoped3A : memref<!tpu.dma_semaphore, #tpu.memory_space<semaphore_mem>>)
      %dma_wait3A_23 = arith.constant 0 : i32
      %dma_wait3A_24 = tpu.memref_slice %arg7[%mul3A_2, %dma_wait3A_23] : memref<1024x128xf32, #tpu.memory_space<hbm>> -> memref<32x128xf32, #tpu.memory_space<hbm>>
      %dma_wait3A_25 = arith.constant 0 : i32
      %dma_wait3A_26 = tpu.memref_slice %arg7[%mul3A_2, %dma_wait3A_25] : memref<1024x128xf32, #tpu.memory_space<hbm>> -> memref<32x128xf32, #tpu.memory_space<hbm>>
      tpu.wait_dma2 semaphore(%run_scoped3A : memref<!tpu.dma_semaphore, #tpu.memory_space<semaphore_mem>>) src(%arg13 : memref<32x128xf32, #tpu.memory_space<vmem>>) dst(%dma_wait3A_26 : memref<32x128xf32, #tpu.memory_space<hbm>>)
      tpu.yield
    }) : () -> ()
    "tpu.region"() ({
      %run_scoped3A = tpu.sem_alloc : memref<!tpu.dma_semaphore, #tpu.memory_space<semaphore_mem>>
      %dma_start3A_19 = arith.constant 0 : i32
      %dma_start3A_20 = tpu.memref_slice %arg8[%mul3A_2, %dma_start3A_19] : memref<1024x128xf32, #tpu.memory_space<hbm>> -> memref<32x128xf32, #tpu.memory_space<hbm>>
      %dma_start3A_21 = arith.constant 0 : i32
      %dma_start3A_22 = tpu.memref_slice %arg8[%mul3A_2, %dma_start3A_21] : memref<1024x128xf32, #tpu.memory_space<hbm>> -> memref<32x128xf32, #tpu.memory_space<hbm>>
      tpu.enqueue_dma source(%arg14 : memref<32x128xf32, #tpu.memory_space<vmem>>) target(%dma_start3A_22 : memref<32x128xf32, #tpu.memory_space<hbm>>) target_semaphore(%run_scoped3A : memref<!tpu.dma_semaphore, #tpu.memory_space<semaphore_mem>>)
      %dma_wait3A_23 = arith.constant 0 : i32
      %dma_wait3A_24 = tpu.memref_slice %arg8[%mul3A_2, %dma_wait3A_23] : memref<1024x128xf32, #tpu.memory_space<hbm>> -> memref<32x128xf32, #tpu.memory_space<hbm>>
      %dma_wait3A_25 = arith.constant 0 : i32
      %dma_wait3A_26 = tpu.memref_slice %arg8[%mul3A_2, %dma_wait3A_25] : memref<1024x128xf32, #tpu.memory_space<hbm>> -> memref<32x128xf32, #tpu.memory_space<hbm>>
      tpu.wait_dma2 semaphore(%run_scoped3A : memref<!tpu.dma_semaphore, #tpu.memory_space<semaphore_mem>>) src(%arg14 : memref<32x128xf32, #tpu.memory_space<vmem>>) dst(%dma_wait3A_26 : memref<32x128xf32, #tpu.memory_space<hbm>>)
      tpu.yield
    }) : () -> ()
    return
  }
}

module attributes {stable_mosaic.version = 14 : i64} {
  func.func @_dense_body(%arg0: memref<1024x128xf32, #tpu.memory_space<vmem>>, %arg1: memref<1024x128xf32, #tpu.memory_space<vmem>>, %arg2: memref<1024x128xf32, #tpu.memory_space<vmem>>, %arg3: memref<1024x256xf32, #tpu.memory_space<vmem>>, %arg4: memref<1x1024xf32, #tpu.memory_space<vmem>>, %arg5: memref<1x1024xf32, #tpu.memory_space<vmem>>, %arg6: memref<512x512xf32, #tpu.memory_space<vmem>>, %arg7: memref<1x512xf32, #tpu.memory_space<vmem>>, %arg8: memref<256x512xf32, #tpu.memory_space<vmem>>, %arg9: memref<1x256xf32, #tpu.memory_space<vmem>>, %arg10: memref<1024x256xf32, #tpu.memory_space<vmem>>) attributes {dimension_semantics = [], scalar_prefetch = 0 : i64, scratch_operands = 0 : i64, tpu.core_type = #tpu.core_type<tc>} {
    %get3A = arith.constant 0 : index
    %get3A_0 = arith.constant 0 : index
    %get3A_1 = vector.load %arg0[%get3A, %get3A_0] : memref<1024x128xf32, #tpu.memory_space<vmem>>, vector<1024x128xf32>
    %get3A_2 = arith.constant 0 : index
    %get3A_3 = arith.constant 0 : index
    %get3A_4 = vector.load %arg1[%get3A_2, %get3A_3] : memref<1024x128xf32, #tpu.memory_space<vmem>>, vector<1024x128xf32>
    %get3A_5 = arith.constant 0 : index
    %get3A_6 = arith.constant 0 : index
    %get3A_7 = vector.load %arg2[%get3A_5, %get3A_6] : memref<1024x128xf32, #tpu.memory_space<vmem>>, vector<1024x128xf32>
    %get3A_8 = arith.constant 0 : index
    %get3A_9 = arith.constant 0 : index
    %get3A_10 = vector.load %arg3[%get3A_8, %get3A_9] : memref<1024x256xf32, #tpu.memory_space<vmem>>, vector<1024x256xf32>
    %slice3A = vector.extract_strided_slice %get3A_10 {offsets = [0, 0], sizes = [1024, 128], strides = [1, 1]} : vector<1024x256xf32> to vector<1024x128xf32>
    %dot_general3A = arith.constant dense<0.000000e+00> : vector<1024x1024xf32>
    %dot_general3A_11 = tpu.matmul %get3A_1, %slice3A, %dot_general3A {dimension_numbers = #tpu.dot_dimension_numbers<[1], [1], [0], [0], [0, 0, 1, 0], [], []>, transpose_lhs_hint = false} : vector<1024x128xf32>, vector<1024x128xf32>, vector<1024x1024xf32> -> vector<1024x1024xf32>
    %slice3A_12 = vector.extract_strided_slice %get3A_10 {offsets = [0, 128], sizes = [1024, 128], strides = [1, 1]} : vector<1024x256xf32> to vector<1024x128xf32>
    %dot_general3A_13 = arith.constant dense<0.000000e+00> : vector<1024x1024xf32>
    %dot_general3A_14 = tpu.matmul %get3A_4, %slice3A_12, %dot_general3A_13 {dimension_numbers = #tpu.dot_dimension_numbers<[1], [1], [0], [0], [0, 0, 1, 0], [], []>, transpose_lhs_hint = false} : vector<1024x128xf32>, vector<1024x128xf32>, vector<1024x1024xf32> -> vector<1024x1024xf32>
    %add3A = arith.addf %dot_general3A_11, %dot_general3A_14 : vector<1024x1024xf32>
    %get3A_15 = arith.constant 0 : index
    %get3A_16 = arith.constant 0 : index
    %get3A_17 = vector.load %arg4[%get3A_15, %get3A_16] : memref<1x1024xf32, #tpu.memory_space<vmem>>, vector<1x1024xf32>
    %add3A_18 = vector.broadcast %get3A_17 : vector<1x1024xf32> to vector<1024x1024xf32>
    %add3A_19 = arith.addf %add3A, %add3A_18 : vector<1024x1024xf32>
    %get3A_20 = arith.constant 0 : index
    %get3A_21 = arith.constant 0 : index
    %get3A_22 = vector.load %arg5[%get3A_20, %get3A_21] : memref<1x1024xf32, #tpu.memory_space<vmem>>, vector<1x1024xf32>
    %add3A_23 = vector.broadcast %get3A_22 : vector<1x1024xf32> to vector<1024x1024xf32>
    %add3A_24 = arith.addf %add3A_19, %add3A_23 : vector<1024x1024xf32>
    %slice3A_25 = vector.extract_strided_slice %add3A_24 {offsets = [0, 0], sizes = [1024, 256], strides = [1, 1]} : vector<1024x1024xf32> to vector<1024x256xf32>
    %logistic3A = arith.negf %slice3A_25 : vector<1024x256xf32>
    %logistic3A_26 = math.exp %logistic3A : vector<1024x256xf32>
    %logistic3A_27 = arith.constant 1.000000e+00 : f32
    %logistic3A_28 = vector.broadcast %logistic3A_27 : f32 to vector<1024x256xf32>
    %logistic3A_29 = arith.addf %logistic3A_28, %logistic3A_26 : vector<1024x256xf32>
    %logistic3A_30 = arith.divf %logistic3A_28, %logistic3A_29 : vector<1024x256xf32>
    %slice3A_31 = vector.extract_strided_slice %add3A_24 {offsets = [0, 512], sizes = [1024, 256], strides = [1, 1]} : vector<1024x1024xf32> to vector<1024x256xf32>
    %tanh3A = math.tanh %slice3A_31 : vector<1024x256xf32>
    %slice3A_32 = vector.extract_strided_slice %add3A_24 {offsets = [0, 768], sizes = [1024, 256], strides = [1, 1]} : vector<1024x1024xf32> to vector<1024x256xf32>
    %logistic3A_33 = arith.negf %slice3A_32 : vector<1024x256xf32>
    %logistic3A_34 = math.exp %logistic3A_33 : vector<1024x256xf32>
    %logistic3A_35 = arith.constant 1.000000e+00 : f32
    %logistic3A_36 = vector.broadcast %logistic3A_35 : f32 to vector<1024x256xf32>
    %logistic3A_37 = arith.addf %logistic3A_36, %logistic3A_34 : vector<1024x256xf32>
    %logistic3A_38 = arith.divf %logistic3A_36, %logistic3A_37 : vector<1024x256xf32>
    %mul3A = arith.mulf %logistic3A_30, %tanh3A : vector<1024x256xf32>
    %tanh3A_39 = math.tanh %mul3A : vector<1024x256xf32>
    %mul3A_40 = arith.mulf %logistic3A_38, %tanh3A_39 : vector<1024x256xf32>
    %get3A_41 = arith.constant 0 : index
    %get3A_42 = arith.constant 0 : index
    %get3A_43 = vector.load %arg6[%get3A_41, %get3A_42] : memref<512x512xf32, #tpu.memory_space<vmem>>, vector<512x512xf32>
    %slice3A_44 = vector.extract_strided_slice %get3A_43 {offsets = [0, 0], sizes = [512, 256], strides = [1, 1]} : vector<512x512xf32> to vector<512x256xf32>
    %dot_general3A_45 = arith.constant dense<0.000000e+00> : vector<1024x512xf32>
    %dot_general3A_46 = tpu.matmul %mul3A_40, %slice3A_44, %dot_general3A_45 {dimension_numbers = #tpu.dot_dimension_numbers<[1], [1], [0], [0], [0, 0, 1, 0], [], []>, transpose_lhs_hint = false} : vector<1024x256xf32>, vector<512x256xf32>, vector<1024x512xf32> -> vector<1024x512xf32>
    %slice3A_47 = vector.extract_strided_slice %get3A_43 {offsets = [0, 256], sizes = [512, 128], strides = [1, 1]} : vector<512x512xf32> to vector<512x128xf32>
    %dot_general3A_48 = arith.constant dense<0.000000e+00> : vector<1024x512xf32>
    %dot_general3A_49 = tpu.matmul %get3A_7, %slice3A_47, %dot_general3A_48 {dimension_numbers = #tpu.dot_dimension_numbers<[1], [1], [0], [0], [0, 0, 1, 0], [], []>, transpose_lhs_hint = false} : vector<1024x128xf32>, vector<512x128xf32>, vector<1024x512xf32> -> vector<1024x512xf32>
    %add3A_50 = arith.addf %dot_general3A_46, %dot_general3A_49 : vector<1024x512xf32>
    %slice3A_51 = vector.extract_strided_slice %get3A_43 {offsets = [0, 384], sizes = [512, 128], strides = [1, 1]} : vector<512x512xf32> to vector<512x128xf32>
    %dot_general3A_52 = arith.constant dense<0.000000e+00> : vector<1024x512xf32>
    %dot_general3A_53 = tpu.matmul %get3A_4, %slice3A_51, %dot_general3A_52 {dimension_numbers = #tpu.dot_dimension_numbers<[1], [1], [0], [0], [0, 0, 1, 0], [], []>, transpose_lhs_hint = false} : vector<1024x128xf32>, vector<512x128xf32>, vector<1024x512xf32> -> vector<1024x512xf32>
    %add3A_54 = arith.addf %add3A_50, %dot_general3A_53 : vector<1024x512xf32>
    %get3A_55 = arith.constant 0 : index
    %get3A_56 = arith.constant 0 : index
    %get3A_57 = vector.load %arg7[%get3A_55, %get3A_56] : memref<1x512xf32, #tpu.memory_space<vmem>>, vector<1x512xf32>
    %add3A_58 = vector.broadcast %get3A_57 : vector<1x512xf32> to vector<1024x512xf32>
    %add3A_59 = arith.addf %add3A_54, %add3A_58 : vector<1024x512xf32>
    %max3A = arith.constant 0.000000e+00 : f32
    %max3A_60 = vector.broadcast %max3A : f32 to vector<1024x512xf32>
    %max3A_61 = arith.maximumf %add3A_59, %max3A_60 : vector<1024x512xf32>
    %get3A_62 = arith.constant 0 : index
    %get3A_63 = arith.constant 0 : index
    %get3A_64 = vector.load %arg8[%get3A_62, %get3A_63] : memref<256x512xf32, #tpu.memory_space<vmem>>, vector<256x512xf32>
    %dot_general3A_65 = arith.constant dense<0.000000e+00> : vector<1024x256xf32>
    %dot_general3A_66 = tpu.matmul %max3A_61, %get3A_64, %dot_general3A_65 {dimension_numbers = #tpu.dot_dimension_numbers<[1], [1], [0], [0], [0, 0, 1, 0], [], []>, transpose_lhs_hint = false} : vector<1024x512xf32>, vector<256x512xf32>, vector<1024x256xf32> -> vector<1024x256xf32>
    %get3A_67 = arith.constant 0 : index
    %get3A_68 = arith.constant 0 : index
    %get3A_69 = vector.load %arg9[%get3A_67, %get3A_68] : memref<1x256xf32, #tpu.memory_space<vmem>>, vector<1x256xf32>
    %add3A_70 = vector.broadcast %get3A_69 : vector<1x256xf32> to vector<1024x256xf32>
    %add3A_71 = arith.addf %dot_general3A_66, %add3A_70 : vector<1024x256xf32>
    %max3A_72 = arith.constant 0.000000e+00 : f32
    %max3A_73 = vector.broadcast %max3A_72 : f32 to vector<1024x256xf32>
    %max3A_74 = arith.maximumf %add3A_71, %max3A_73 : vector<1024x256xf32>
    %swap3A = arith.constant 0 : index
    %swap3A_75 = arith.constant 0 : index
    %swap3A_76 = vector.load %arg10[%swap3A, %swap3A_75] : memref<1024x256xf32, #tpu.memory_space<vmem>>, vector<1024x256xf32>
    tpu.vector_store %arg10[%swap3A, %swap3A_75], %max3A_74 {strides = array<i32>} : memref<1024x256xf32, #tpu.memory_space<vmem>>, vector<1024x256xf32>,
    return
  }
}

</mosaic_0001>

<sc_bundles>
// kernel: kernel.5.cloned.1.call-start
scs
__scs_entry_jumppad:
0x0: {  	(pc) =	sbr.rel $0x88, $3  }
0x1: {  	(tag) =	ssettag $0x0;
	lr =	simm.s32 $0x1  }
0x2: {  	[smem:$0x3F95] =	sst lr;
	_ =	strace $0xD0000000  }
0x3: {  	_ = 	snop  }
0x4: {  	_ = 	snop  }
0x5: {  	_ = 	snop  }
0x6: {  	_ = 	snop  }
0x7: {  	_ = 	snop  }
__scs_overlays_trampoline_lowered:
0x8: {  	[smem:$0x3FA4] =	sst s0  }
0x9: {  	[smem:$0x3FA5] =	sst s1  }
0xa: {  	[smem:$0x3FA6] =	sst s2  }
0xb: {  	[smem:$0x3FA7] =	sst s3  }
0xc: {  	[smem:$0x3FA8] =	sst s4  }
0xd: {  	[smem:$0x3FA9] =	sst s5  }
0xe: {  	[smem:$0x3FAA] =	sst s6  }
0xf: {  	[smem:$0x3FAB] =	sst s7  }
0x10: {  	[smem:$0x3FAC] =	sst s8  }
0x11: {  	[smem:$0x3FAD] =	sst s9;
	s0 =	simm.s32 @!p0 $0x0  }
0x12: {  	s1 =	sld [smem:$0x3F93];
	s0 =	simm.s32 @p0 $0x1  }
0x13: {  	[smem:$0x3FAE] =	sst s0;
	s0 =	simm.s32 @!p1 $0x0  }
0x14: {  	s2 =	sld [smem:$0x3F92];
	s0 =	simm.s32 @p1 $0x1  }
0x15: {  	[smem:$0x3FAF] =	sst s0;
	s0 =	simm.s32 @!p2 $0x0  }
0x16: {  	s3 =	sld [smem:$0x3FDB];
	s0 =	simm.s32 @p2 $0x1  }
0x17: {  	s4 =	simm.s32 $0x1BF5;
	[smem:$0x3FB1] =	sst s0  }
0x18: {  	s0 =	sld [smem:$0x3F94];
	_ =	swait.ge [sflag:s4], $0x0  }
0x19: {  	s7 =	sld [smem:$0x3F95]  }
0x1a: {  	s8 =	sadd.s32 $0xFFFFE003, lr  }
0x1b: {  	s9 =	sadd.s32 $0xFFFFFEF7, lr;
	s5 =	simm.s32 $0xFFFFFFFF;
	p2 =	slt.u32 s8, $0xFFFFF086  }
0x1c: {  	p1 =	slt.u32 s9, $0xF7A;
	s5 =	simm.s32 @!p2 $0x0  }
0x1d: {  	s5 =	simm.s32 @p1 $0x1;
	p0 =	seq.s32 s7, s2  }
0x1e: {  	s7 =	smul.u32 @!p0 $0xF7A, s2;
	p2 =	seq.s32 @!p0 s5, $0x0  }
0x1f: {  	s9 =	smul.u32 $0xF7A, s1;
	s8 =	simm.s32 @!p0 $0x1BF5;
	p2 =	por !p2, p0  }
0x20: {  	[sflag:s8] =	ssyncset.s32 @!p0 $0xFFFFF086;
	s6 =	sadd.s32 @!p0 s3, s7;
	s7 =	simm.s32 @!p0 $0x108  }
0x21: {  	s3 =	sadd.s32 s3, s9;
	s6 =	sadd.s32 @!p0 $0x88, s6;
	s7 =	simm.s32 @p2 $0x1082  }
0x22: {  	[simem:s7], [sflag:s8] =	dma.local @!p0 [hbm:s6], $0xF7A  }
0x23: {  	s9 =	sor.u32 $0xD0000000, s2;
	s6 =	simm.s32 $0x108;
	_ =	swait.ge @!p0 [sflag:s8], $0x0  }
0x24: {  	s3 =	sadd.s32 $0x88, s3;
	s6 =	simm.s32 @!p1 $0x1082;
	[sflag:s4] =	ssyncset.s32 $0xFFFFF086  }
0x25: {  	[simem:s6], [sflag:s4] =	dma.local [hbm:s3], $0xF7A  }
0x26: {  	[smem:$0x3F95] =	sst s1;
	(tag) =	ssettag s2;
	_ =	strace s9  }
0x27: {  	s1 =	sld [smem:$0x3FA5]  }
0x28: {  	s2 =	sld [smem:$0x3FA6]  }
0x29: {  	s4 =	sld [smem:$0x3FA8]  }
0x2a: {  	p0 =	seq.s32 s5, $0x0;
	s5 =	sld [smem:$0x3FA9]  }
0x2b: {  	s6 =	sld [smem:$0x3FAA]  }
0x2c: {  	s7 =	sld [smem:$0x3FAB]  }
0x2d: {  	s3 =	simm.s32 $0x108;
	s8 =	sld [smem:$0x3FAC]  }
0x2e: {  	s3 =	simm.s32 @!p0 $0x1082;
	s9 =	sld [smem:$0x3FAD]  }
0x2f: {  	lr =	sadd.s32 s0, s3;
	s0 =	sld [smem:$0x3FA4]  }
0x30: {  	s3 =	sld [smem:$0x3FA7]  }
0x31: {  	[smem:$0x3FB0] =	sst s10  }
0x32: {  	s10 =	sld [smem:$0x3FAE];
	_ =	sdelay $0x3  }
0x33: {  	p0 =	seq.s32 s10, $0x1;
	s10 =	sld [smem:$0x3FB0];
	_ =	sdelay $0x3  }
0x34: {  	[smem:$0x3FB0] =	sst s10  }
0x35: {  	s10 =	sld [smem:$0x3FAF];
	_ =	sdelay $0x3  }
0x36: {  	p1 =	seq.s32 s10, $0x1;
	s10 =	sld [smem:$0x3FB0];
	_ =	sdelay $0x3  }
0x37: {  	[smem:$0x3FB0] =	sst s10  }
0x38: {  	s10 =	sld [smem:$0x3FB1]  }
0x39: {  	_ = 	snop;
	(pc) =	sbr.ind lr, $3  }
0x3a: {  	_ = 	snop  }
0x3b: {  	_ = 	snop  }
0x3c: {  	p2 =	seq.s32 s10, $0x1;
	s10 =	sld [smem:$0x3FB0]  }
0x3d: {  	_ =	shalt  }
0x3e: {  	_ =	shalt  }
0x3f: {  	_ =	shalt  }
0x40: {  	_ =	shalt  }
0x41: {  	_ =	shalt  }
0x42: {  	_ =	shalt  }
0x43: {  	_ =	shalt  }
0x44: {  	_ =	shalt  }
0x45: {  	_ =	shalt  }
0x46: {  	_ =	shalt  }
0x47: {  	_ =	shalt  }
0x48: {  	_ =	shalt  }
0x49: {  	_ =	shalt  }
0x4a: {  	_ =	shalt  }
0x4b: {  	_ =	shalt  }
0x4c: {  	_ =	shalt  }
0x4d: {  	_ =	shalt  }
0x4e: {  	_ =	shalt  }
0x4f: {  	_ =	shalt  }
0x50: {  	_ =	shalt  }
0x51: {  	_ =	shalt  }
0x52: {  	_ =	shalt  }
0x53: {  	_ =	shalt  }
0x54: {  	_ =	shalt  }
0x55: {  	_ =	shalt  }
0x56: {  	_ =	shalt  }
0x57: {  	_ =	shalt  }
0x58: {  	_ =	shalt  }
0x59: {  	_ =	shalt  }
0x5a: {  	_ =	shalt  }
0x5b: {  	_ =	shalt  }
0x5c: {  	_ =	shalt  }
0x5d: {  	_ =	shalt  }
0x5e: {  	_ =	shalt  }
0x5f: {  	_ =	shalt  }
0x60: {  	_ =	shalt  }
0x61: {  	_ =	shalt  }
0x62: {  	_ =	shalt  }
0x63: {  	_ =	shalt  }
0x64: {  	_ =	shalt  }
0x65: {  	_ =	shalt  }
0x66: {  	_ =	shalt  }
0x67: {  	_ =	shalt  }
0x68: {  	_ =	shalt  }
0x69: {  	_ =	shalt  }
0x6a: {  	_ =	shalt  }
0x6b: {  	_ =	shalt  }
0x6c: {  	_ =	shalt  }
0x6d: {  	_ =	shalt  }
0x6e: {  	_ =	shalt  }
0x6f: {  	_ =	shalt  }
0x70: {  	_ =	shalt  }
0x71: {  	_ =	shalt  }
0x72: {  	_ =	shalt  }
0x73: {  	_ =	shalt  }
0x74: {  	_ =	shalt  }
0x75: {  	_ =	shalt  }
0x76: {  	_ =	shalt  }
0x77: {  	_ =	shalt  }
0x78: {  	_ =	shalt  }
0x79: {  	_ =	shalt  }
0x7a: {  	_ =	shalt  }
0x7b: {  	_ =	shalt  }
0x7c: {  	_ =	shalt  }
0x7d: {  	_ =	shalt  }
0x7e: {  	_ =	shalt  }
0x7f: {  	_ =	shalt  }
0x80: {  	_ =	shalt  }
0x81: {  	_ =	shalt  }
0x82: {  	_ =	shalt  }
0x83: {  	_ =	shalt  }
0x84: {  	_ =	shalt  }
0x85: {  	_ =	shalt  }
0x86: {  	_ =	shalt  }
0x87: {  	_ =	shalt  }
.Lfunc_end0:
.L_simem_size_0:
called_computation_lowered:
.L_overlay_start_0:
0x88: {  	s2 =	sld [smem:$0x3FD9]  }
0x89: {  	s3 =	sld [smem:$0x3FFE];
	_ =	sdelay $0x1  }
0x8a: {  	s1 =	srdreg.scid  }
0x8b: {  	s0 =	sand.u32 $0x1, s1  }
0x8c: {  	s15 =	sshll.u32 s0, $0xA;
	s2 =	sadd.s32 s3, s2  }
0x8d: {  	s2 =	sadd.s32 s2, s15  }
0x8e: {  	[smem:$0x3FBC] =	sst s2  }
0x8f: {  	_ = 	snop  }
0x90: {  	s2 =	sld [smem:$0x3FC9]  }
0x91: {  	s16 =	sld [smem:$0x3FD0]  }
0x92: {  	s4 =	sld [smem:$0x3FC8]  }
0x93: {  	s5 =	sld [smem:$0x3FC6]  }
0x94: {  	s7 =	simm.s32 $0xA;
	s8 =	simm.s32 $0x10;
	s6 =	sld [smem:$0x3FC5]  }
0x95: {  	[smem:s8], [sflag:s7] =	dma.local [hbm:s16], $0x1  }
0x96: {  	_ =	swait.eq [sflag:s7], $0x1  }
0x97: {  	s17 =	sld [smem:$0x10];
	[sflag:s7] =	ssyncset.done $0x0  }
0x98: {  	s18 =	sld [smem:$0x11];
	[sflag:s7] =	ssyncadd.s32 $0xFFFFFFFF  }
0x99: {  	s19 =	sld [smem:$0x12];
	(tm) =	ssettm $0x1  }
0x9a: {  	s9 =	sld [smem:$0x3FFB];
	_ =	sdelay $0x3  }
0x9b: {  	_ =	strace s9  }
0x9c: {  	s9 =	sld [smem:$0x3FFC];
	_ =	sdelay $0x3  }
0x9d: {  	_ =	strace s9  }
0x9e: {  	s9 =	sld [smem:$0x3FFD];
	_ =	sdelay $0x3  }
0x9f: {  	_ =	strace s9  }
0xa0: {  	_ =	strace $0x8FFFFFFF  }
0xa1: {  	s20 =	sld [smem:$0x3FDB];
	_ =	sdelay $0x1  }
0xa2: {  	s10 =	simm.s32 $_scs_section_size  }
0xa3: {  	s11 =	simm.s32 $_size__tile_overlayer_lowered;
	s12 =	simm.s32 $_tile_overlayer_lowered  }
0xa4: {  	s23 =	simm.s32 $0x1BFF;
	s22 =	sshll.u32 s12, $0x1;
	s9 =	sadd.s32 s10, s20  }
0xa5: {  	s13 =	simm.s32 $0x0;
	s21 =	sshll.u32 s11, $0x1;
	s11 =	sadd.s32 s22, s9  }
0xa6: {  	[timem:s13], [sflag:s23] =	dma.local [hbm:s11], s21  }
0xa7: {  	_ =	swait.ge [sflag:s23], s21  }
0xa8: {  	s10 =	ssub.s32 $0x0, s21;
	[sflag:s23] =	ssyncset.done $0x0  }
0xa9: {  	[sflag:s23] =	ssyncadd.s32 s10;
	_ =	sdelay $0x1  }
0xaa: {  	s24 =	simm.s32 $0x1B8B  }
0xab: {  	_ =	swait.ge [sflag:s24], $0x1  }
0xac: {  	[sflag:s24] =	ssyncset.done $0x0  }
0xad: {  	s25 =	simm.s32 $0x1B8E;
	[sflag:s24] =	ssyncadd.s32 $0xFFFFFFFF  }
0xae: {  	s26 =	simm.s32 $execute0_lowered;
	[smem:$0x3FD2] =	sst s25  }
0xaf: {  	s10 =	sshll.u32 s26, $0x1;
	_ =	strace $0x80000046;
	[dreg:$0x1] =	wrdreg $0xFFFFFFFF  }
0xb0: {  	s28 =	simm.s32 $_size_execute0_lowered;
	s9 =	sadd.s32 s9, s10;
	[dreg:$0x0] =	wrdreg $0x0  }
0xb1: {  	s10 =	sshll.u32 s28, $0x1;
	[dreg:$0x2] =	wrdreg s9  }
0xb2: {  	[dreg:$0x3] =	wrdreg s10  }
0xb3: {  	[dreg:$0x4] =	wrdreg $0xC0  }
0xb4: {  	_ =	task [dreg:s13], $0x5FFFF  }
0xb5: {  	[dreg:$0x1] =	wrdreg $0xFFFFFFFF  }
0xb6: {  	[dreg:$0x0] =	wrdreg $0x60  }
0xb7: {  	[dreg:$0x2] =	wrdreg s2  }
0xb8: {  	[dreg:$0x3] =	wrdreg s4  }
0xb9: {  	[dreg:$0x4] =	wrdreg s5  }
0xba: {  	[dreg:$0x5] =	wrdreg s6  }
0xbb: {  	[dreg:$0x6] =	wrdreg s18  }
0xbc: {  	[dreg:$0x7] =	wrdreg s19  }
0xbd: {  	[dreg:$0x8] =	wrdreg s17  }
0xbe: {  	[dreg:$0x9] =	wrdreg $0x9  }
0xbf: {  	_ =	task.clear_ibuf [dreg:s13], $0xAFFFF;
	_ =	strace $0x90000046  }
0xc0: {  	s29 =	simm.s32 $0x9;
	_ =	strace $0x80000048  }
0xc1: {  	_ =	swait.ge [sflag:s29], $0x1  }
0xc2: {  	[sflag:s29] =	ssyncadd.s32 $0xFFFFFFFF  }
0xc3: {  	_ =	strace $0x90000048  }
0xc4: {  	_ =	sfence  }
0xc5: {  	s30 =	sld [smem:$0x0];
	_ =	sdelay $0x2  }
0xc6: {  	s31 =	sshll.u32 s1, $0xD;
	s1 =	sshrl.u32 s1, $0x2  }
0xc7: {  	s3 =	sand.u32 $0x4000, s31;
	s1 =	sadd.s32 s1, s30  }
0xc8: {  	s0 =	sor.u32 s3, s0;
	s1 =	sshll.u32 s1, $0x11  }
0xc9: {  	s0 =	sor.u32 s1, s0  }
0xca: {  	s0 =	sadd.s32 $0x8F2B, s0  }
0xcb: {  	[sflag:s0] =	ssyncadd.remote.s32 $0x1  }
0xcc: {  	_ =	sfence.sel $0xFFFF  }
0xcd: {  	[dreg:$0x0] =	wrdreg $0xFFFFFFFF;
	(pc) =	sbr.abs _section_cstart, $3  }
0xce: {  	[dreg:$0x1] =	wrdreg $0xFFFFFFFF  }
0xcf: {  	_ =	task.clear_ibuf [dreg:s13], $0x2FFFF;
	_ =	strace $0x9FFFFFFF  }
0xd0: {  	(tm) =	ssettm $0x7FFFFFFF  }
0xd1: {  	_ =	shalt  }
tec
execute0_lowered:
.L_overlay_start_1:
0x0: {  	(tag) =	ssettag $0x1  }
0x1: {  	s4 =	rddreg [dreg:$0x0]  }
0x2: {  	s6 =	rddreg [dreg:$0x1]  }
0x3: {  	s8 =	rddreg [dreg:$0x2]  }
0x4: {  	s1 =	rddreg [dreg:$0x3]  }
0x5: {  	s15 =	rddreg [dreg:$0x4];
	s2 =	srdreg.scid  }
0x6: {  	s16 =	rddreg [dreg:$0x5];
	s0 =	stileid.u32;
	s17 =	sand.u32 $0x1, s2  }
0x7: {  	s18 =	rddreg [dreg:$0x6];
	s5 =	sshll.u32 s0, $0x6;
	s7 =	sshll.u32 s17, $0x5  }
0x8: {  	s3 =	simm.s32 $0x0;
	s2 =	rddreg [dreg:$0x7];
	s19 =	sor.u32 s7, s5  }
0x9: {  	[smem:$0x7FF] =	sst s3;
	s9 =	sshrl.u32 s19, $0x3  }
0xa: {  	_ =	strace $0x80000047;
	s5 =	sadd.s32 s4, s9;
	s4 =	simm.s32 $0x2  }
0xb: {  	[tilespmem:s3], [sflag:$0x2] =	stream.linear.gather [hbm4b:s5+s3], $0x20, $0x38;
	[tilespmem:$0x3180] =	vst v63  }
0xc: {  	_ =	swait.ge [sflag:s4], $0x20  }
0xd: {  	[sflag:s4] =	ssyncset.done $0x0  }
0xe: {  	s7 =	simm.s32 $0x80;
	s6 =	sadd.s32 s6, s9;
	[sflag:s4] =	ssyncadd.s32 $0xFFFFFFE0  }
0xf: {  	[tilespmem:s7], [sflag:$0x2] =	stream.linear.gather [hbm4b:s6+s3], $0x20, $0x38;
	[tilespmem:$0x3180] =	vst v63  }
0x10: {  	_ =	swait.ge [sflag:s4], $0x20  }
0x11: {  	[sflag:s4] =	ssyncset.done $0x0  }
0x12: {  	s8 =	sadd.s32 s8, s9;
	s9 =	simm.s32 $0x100;
	[sflag:s4] =	ssyncadd.s32 $0xFFFFFFE0  }
0x13: {  	[tilespmem:s9], [sflag:$0x2] =	stream.linear.gather [hbm4b:s8+s3], $0x20, $0x38;
	[tilespmem:$0x3180] =	vst v63  }
0x14: {  	_ =	swait.ge [sflag:s4], $0x20  }
0x15: {  	[sflag:s4] =	ssyncset.done $0x0  }
0x16: {  	s10 =	simm.s32 $0x20;
	s11 =	simm.s32 $0x180;
	[sflag:s4] =	ssyncadd.s32 $0xFFFFFFE0  }
0x17: {  	[tilespmem:s11], [sflag:$0x1] =	stream.indirect.gather [hbm4b:s1+s10], $0x80, s3, s10, $0xb8;
	[tilespmem:$0x3180] =	vst v63  }
0x18: {  	s12 =	simm.s32 $0x1180  }
0x19: {  	[tilespmem:s12], [sflag:$0x1] =	stream.indirect.gather [hbm4b:s1+s10], $0x80, s7, s10, $0xb8;
	[tilespmem:$0x3180] =	vst v63  }
0x1a: {  	s13 =	simm.s32 $0x2180;
	s14 =	simm.s32 $0x1  }
0x1b: {  	[tilespmem:s13], [sflag:$0x1] =	stream.indirect.gather [hbm4b:s1+s10], $0x80, s9, s10, $0xb8;
	[tilespmem:$0x3180] =	vst v63  }
0x1c: {  	_ =	swait.ge [sflag:s14], $0x1000  }
0x1d: {  	[sflag:s14] =	ssyncset.done $0x0  }
0x1e: {  	[sflag:s14] =	ssyncadd.s32 $0xFFFFF000  }
0x1f: {  	_ =	swait.ge [sflag:s14], $0x1000  }
0x20: {  	[sflag:s14] =	ssyncset.done $0x0  }
0x21: {  	[sflag:s14] =	ssyncadd.s32 $0xFFFFF000  }
0x22: {  	_ =	swait.ge [sflag:s14], $0x1000  }
0x23: {  	s19 =	sshll.u32 s19, $0x4;
	[sflag:s14] =	ssyncset.done $0x0  }
0x24: {  	s17 =	ssub.s32 $0x2, s17;
	s15 =	sadd.s32 s15, s19;
	[sflag:s14] =	ssyncadd.s32 $0xFFFFF000  }
0x25: {  	[hbm4b:s15+s3] =	stream.linear.scatter [tilespmem:s11], [sflag:$0x2], $0x1000, $0x38;
	[tilespmem:$0x3180] =	vst v63  }
0x26: {  	s20 =	sshrl.u32 s17, $0x1;
	_ =	swait.ge [sflag:s4], $0x1000  }
0x27: {  	s20 =	ssub.s32 s17, s20;
	[sflag:s4] =	ssyncset.done $0x0  }
0x28: {  	s16 =	sadd.s32 s16, s19;
	s31 =	smax.u32 s20, $0x1;
	[sflag:s4] =	ssyncadd.s32 $0xFFFFF000  }
0x29: {  	[hbm4b:s16+s3] =	stream.linear.scatter [tilespmem:s12], [sflag:$0x2], $0x1000, $0x38;
	[tilespmem:$0x3180] =	vst v63  }
0x2a: {  	p0 =	sne.s32 s31, $0x1;
	_ =	swait.ge [sflag:s4], $0x1000  }
.Ltmp0:
0x2b: {  	[sflag:s4] =	ssyncset.done $0x0;
	(pc) =	sbr.rel @!p0 .LBB2_2-.Ltmp0, $4  }
0x2c: {  	s17 =	sadd.s32 s18, s19;
	[sflag:s4] =	ssyncadd.s32 $0xFFFFF000  }
0x2d: {  	[hbm4b:s17+s3] =	stream.linear.scatter [tilespmem:s13], [sflag:$0x2], $0x1000, $0x38;
	[tilespmem:$0x3180] =	vst v63  }
0x2e: {  	_ =	swait.ge [sflag:s4], $0x1000  }
0x2f: {  	s18 =	sadd.s32 $0xFFFFFFFF, s31;
	[sflag:s4] =	ssyncset.done $0x0  }
.LBB2_1:
0x30: {  	p0 =	sne.s32 s18, $0x1;
	s18 =	sadd.s32 $0xFFFFFFFF, s18;
	[sflag:s4] =	ssyncadd.s32 $0xFFFFF000  }
0x31: {  	[tilespmem:s3], [sflag:$0x2] =	stream.linear.gather [hbm4b:s5+s3], $0x20, $0x38;
	[tilespmem:$0x3180] =	vst v63  }
0x32: {  	_ =	swait.ge [sflag:s4], $0x20  }
0x33: {  	[sflag:s4] =	ssyncset.done $0x0  }
0x34: {  	[sflag:s4] =	ssyncadd.s32 $0xFFFFFFE0  }
0x35: {  	[tilespmem:s7], [sflag:$0x2] =	stream.linear.gather [hbm4b:s6+s3], $0x20, $0x38;
	[tilespmem:$0x3180] =	vst v63  }
0x36: {  	_ =	swait.ge [sflag:s4], $0x20  }
0x37: {  	[sflag:s4] =	ssyncset.done $0x0  }
0x38: {  	[sflag:s4] =	ssyncadd.s32 $0xFFFFFFE0  }
0x39: {  	[tilespmem:s9], [sflag:$0x2] =	stream.linear.gather [hbm4b:s8+s3], $0x20, $0x38;
	[tilespmem:$0x3180] =	vst v63  }
0x3a: {  	_ =	swait.ge [sflag:s4], $0x20  }
0x3b: {  	[sflag:s4] =	ssyncset.done $0x0  }
0x3c: {  	[sflag:s4] =	ssyncadd.s32 $0xFFFFFFE0  }
0x3d: {  	[tilespmem:s11], [sflag:$0x1] =	stream.indirect.gather [hbm4b:s1+s10], $0x80, s3, s10, $0xb8;
	[tilespmem:$0x3180] =	vst v63  }
0x3e: {  	_ = 	snop  }
0x3f: {  	[tilespmem:s12], [sflag:$0x1] =	stream.indirect.gather [hbm4b:s1+s10], $0x80, s7, s10, $0xb8;
	[tilespmem:$0x3180] =	vst v63  }
0x40: {  	_ = 	snop  }
0x41: {  	[tilespmem:s13], [sflag:$0x1] =	stream.indirect.gather [hbm4b:s1+s10], $0x80, s9, s10, $0xb8;
	[tilespmem:$0x3180] =	vst v63  }
0x42: {  	_ =	swait.ge [sflag:s14], $0x1000  }
0x43: {  	[sflag:s14] =	ssyncset.done $0x0  }
0x44: {  	[sflag:s14] =	ssyncadd.s32 $0xFFFFF000  }
0x45: {  	_ =	swait.ge [sflag:s14], $0x1000  }
0x46: {  	[sflag:s14] =	ssyncset.done $0x0  }
0x47: {  	[sflag:s14] =	ssyncadd.s32 $0xFFFFF000  }
0x48: {  	_ =	swait.ge [sflag:s14], $0x1000  }
0x49: {  	[sflag:s14] =	ssyncset.done $0x0  }
0x4a: {  	[sflag:s14] =	ssyncadd.s32 $0xFFFFF000  }
0x4b: {  	[hbm4b:s15+s3] =	stream.linear.scatter [tilespmem:s11], [sflag:$0x2], $0x1000, $0x38;
	[tilespmem:$0x3180] =	vst v63  }
0x4c: {  	_ =	swait.ge [sflag:s4], $0x1000  }
0x4d: {  	[sflag:s4] =	ssyncset.done $0x0  }
0x4e: {  	[sflag:s4] =	ssyncadd.s32 $0xFFFFF000  }
0x4f: {  	[hbm4b:s16+s3] =	stream.linear.scatter [tilespmem:s12], [sflag:$0x2], $0x1000, $0x38;
	[tilespmem:$0x3180] =	vst v63  }
0x50: {  	_ =	swait.ge [sflag:s4], $0x1000  }
.Ltmp1:
0x51: {  	[sflag:s4] =	ssyncset.done $0x0;
	(pc) =	sbr.rel @p0 .LBB2_1-.Ltmp1, $4  }
0x52: {  	[sflag:s4] =	ssyncadd.s32 $0xFFFFF000  }
0x53: {  	[hbm4b:s17+s3] =	stream.linear.scatter [tilespmem:s13], [sflag:$0x2], $0x1000, $0x38;
	[tilespmem:$0x3180] =	vst v63  }
0x54: {  	_ =	swait.ge [sflag:s4], $0x1000  }
0x55: {  	[sflag:s4] =	ssyncset.done $0x0  }
.LBB2_2:
0x56: {  	[sflag:s4] =	ssyncadd.s32 $0xFFFFF000  }
0x57: {  	_ =	sfence.sel $0x180000  }
0x58: {  	[bflag:$0x0] =	sbarrier.arrive $0xFFFF  }
0x59: {  	p0 =	sne.s32 s0, $0x0;
	_ =	strace $0x90000047  }
0x5a: {  	s0 =	sadd.s32 @!p0 $0x100000, s2;
	[bflag:$0x2] =	sbarrier.arrive $0xFFFF  }
0x5b: {  	[sflag:s0] =	ssyncadd.tile.s32 @!p0 $0x1;
	_ =	shalt  }
.Lfunc_end2:
_tile_overlayer_lowered:
.L_overlay_start_2:
0x5c: {  	(tag) =	ssettag $0x2  }
0x5d: {  	s0 =	rddreg [dreg:$0x0];
	s2 =	stileid.u32  }
0x5e: {  	s1 =	rddreg [dreg:$0x1];
	p0 =	sne.s32 s2, $0x0  }
0x5f: {  	s3 =	rddreg [dreg:$0x2];
	[bflag:$0x3] =	sbarrier.arrive $0xFFFF;
	s2 =	simm.s32 @!p0 $0x1C02  }
0x60: {  	[timem:s3], [sflag:s2] =	dma.local @!p0 [hbm:s0], s1  }
0x61: {  	s0 =	simm.s32 @!p0 $0x2  }
0x62: {  	_ =	swait.ge @!p0 [sflag:s0], s1  }
0x63: {  	s1 =	ssub.s32 @!p0 $0x0, s1;
	[sflag:s0] =	ssyncset.done @!p0 $0x0  }
0x64: {  	[sflag:s0] =	ssyncadd.s32 @!p0 s1  }
0x65: {  	[bflag:$0x3] =	sbarrier.arrive $0xFFFF  }
0x66: {  	_ =	shalt  }

// kernel: kernel.8.cloned.1.call-start
scs
__scs_entry_jumppad:
0x0: {  	(pc) =	sbr.rel $0x88, $3  }
0x1: {  	(tag) =	ssettag $0x0;
	lr =	simm.s32 $0x1  }
0x2: {  	[smem:$0x3F95] =	sst lr;
	_ =	strace $0xD0000000  }
0x3: {  	_ = 	snop  }
0x4: {  	_ = 	snop  }
0x5: {  	_ = 	snop  }
0x6: {  	_ = 	snop  }
0x7: {  	_ = 	snop  }
__scs_overlays_trampoline_lowered:
0x8: {  	[smem:$0x3FA4] =	sst s0  }
0x9: {  	[smem:$0x3FA5] =	sst s1  }
0xa: {  	[smem:$0x3FA6] =	sst s2  }
0xb: {  	[smem:$0x3FA7] =	sst s3  }
0xc: {  	[smem:$0x3FA8] =	sst s4  }
0xd: {  	[smem:$0x3FA9] =	sst s5  }
0xe: {  	[smem:$0x3FAA] =	sst s6  }
0xf: {  	[smem:$0x3FAB] =	sst s7  }
0x10: {  	[smem:$0x3FAC] =	sst s8  }
0x11: {  	[smem:$0x3FAD] =	sst s9;
	s0 =	simm.s32 @!p0 $0x0  }
0x12: {  	s1 =	sld [smem:$0x3F93];
	s0 =	simm.s32 @p0 $0x1  }
0x13: {  	[smem:$0x3FAE] =	sst s0;
	s0 =	simm.s32 @!p1 $0x0  }
0x14: {  	s2 =	sld [smem:$0x3F92];
	s0 =	simm.s32 @p1 $0x1  }
0x15: {  	[smem:$0x3FAF] =	sst s0;
	s0 =	simm.s32 @!p2 $0x0  }
0x16: {  	s3 =	sld [smem:$0x3FDB];
	s0 =	simm.s32 @p2 $0x1  }
0x17: {  	s4 =	simm.s32 $0x1BF5;
	[smem:$0x3FB1] =	sst s0  }
0x18: {  	s0 =	sld [smem:$0x3F94];
	_ =	swait.ge [sflag:s4], $0x0  }
0x19: {  	s7 =	sld [smem:$0x3F95]  }
0x1a: {  	s8 =	sadd.s32 $0xFFFFE003, lr  }
0x1b: {  	s9 =	sadd.s32 $0xFFFFFEF7, lr;
	s5 =	simm.s32 $0xFFFFFFFF;
	p2 =	slt.u32 s8, $0xFFFFF086  }
0x1c: {  	p1 =	slt.u32 s9, $0xF7A;
	s5 =	simm.s32 @!p2 $0x0  }
0x1d: {  	s5 =	simm.s32 @p1 $0x1;
	p0 =	seq.s32 s7, s2  }
0x1e: {  	s7 =	smul.u32 @!p0 $0xF7A, s2;
	p2 =	seq.s32 @!p0 s5, $0x0  }
0x1f: {  	s9 =	smul.u32 $0xF7A, s1;
	s8 =	simm.s32 @!p0 $0x1BF5;
	p2 =	por !p2, p0  }
0x20: {  	[sflag:s8] =	ssyncset.s32 @!p0 $0xFFFFF086;
	s6 =	sadd.s32 @!p0 s3, s7;
	s7 =	simm.s32 @!p0 $0x108  }
0x21: {  	s3 =	sadd.s32 s3, s9;
	s6 =	sadd.s32 @!p0 $0x88, s6;
	s7 =	simm.s32 @p2 $0x1082  }
0x22: {  	[simem:s7], [sflag:s8] =	dma.local @!p0 [hbm:s6], $0xF7A  }
0x23: {  	s9 =	sor.u32 $0xD0000000, s2;
	s6 =	simm.s32 $0x108;
	_ =	swait.ge @!p0 [sflag:s8], $0x0  }
0x24: {  	s3 =	sadd.s32 $0x88, s3;
	s6 =	simm.s32 @!p1 $0x1082;
	[sflag:s4] =	ssyncset.s32 $0xFFFFF086  }
0x25: {  	[simem:s6], [sflag:s4] =	dma.local [hbm:s3], $0xF7A  }
0x26: {  	[smem:$0x3F95] =	sst s1;
	(tag) =	ssettag s2;
	_ =	strace s9  }
0x27: {  	s1 =	sld [smem:$0x3FA5]  }
0x28: {  	s2 =	sld [smem:$0x3FA6]  }
0x29: {  	s4 =	sld [smem:$0x3FA8]  }
0x2a: {  	p0 =	seq.s32 s5, $0x0;
	s5 =	sld [smem:$0x3FA9]  }
0x2b: {  	s6 =	sld [smem:$0x3FAA]  }
0x2c: {  	s7 =	sld [smem:$0x3FAB]  }
0x2d: {  	s3 =	simm.s32 $0x108;
	s8 =	sld [smem:$0x3FAC]  }
0x2e: {  	s3 =	simm.s32 @!p0 $0x1082;
	s9 =	sld [smem:$0x3FAD]  }
0x2f: {  	lr =	sadd.s32 s0, s3;
	s0 =	sld [smem:$0x3FA4]  }
0x30: {  	s3 =	sld [smem:$0x3FA7]  }
0x31: {  	[smem:$0x3FB0] =	sst s10  }
0x32: {  	s10 =	sld [smem:$0x3FAE];
	_ =	sdelay $0x3  }
0x33: {  	p0 =	seq.s32 s10, $0x1;
	s10 =	sld [smem:$0x3FB0];
	_ =	sdelay $0x3  }
0x34: {  	[smem:$0x3FB0] =	sst s10  }
0x35: {  	s10 =	sld [smem:$0x3FAF];
	_ =	sdelay $0x3  }
0x36: {  	p1 =	seq.s32 s10, $0x1;
	s10 =	sld [smem:$0x3FB0];
	_ =	sdelay $0x3  }
0x37: {  	[smem:$0x3FB0] =	sst s10  }
0x38: {  	s10 =	sld [smem:$0x3FB1]  }
0x39: {  	_ = 	snop;
	(pc) =	sbr.ind lr, $3  }
0x3a: {  	_ = 	snop  }
0x3b: {  	_ = 	snop  }
0x3c: {  	p2 =	seq.s32 s10, $0x1;
	s10 =	sld [smem:$0x3FB0]  }
0x3d: {  	_ =	shalt  }
0x3e: {  	_ =	shalt  }
0x3f: {  	_ =	shalt  }
0x40: {  	_ =	shalt  }
0x41: {  	_ =	shalt  }
0x42: {  	_ =	shalt  }
0x43: {  	_ =	shalt  }
0x44: {  	_ =	shalt  }
0x45: {  	_ =	shalt  }
0x46: {  	_ =	shalt  }
0x47: {  	_ =	shalt  }
0x48: {  	_ =	shalt  }
0x49: {  	_ =	shalt  }
0x4a: {  	_ =	shalt  }
0x4b: {  	_ =	shalt  }
0x4c: {  	_ =	shalt  }
0x4d: {  	_ =	shalt  }
0x4e: {  	_ =	shalt  }
0x4f: {  	_ =	shalt  }
0x50: {  	_ =	shalt  }
0x51: {  	_ =	shalt  }
0x52: {  	_ =	shalt  }
0x53: {  	_ =	shalt  }
0x54: {  	_ =	shalt  }
0x55: {  	_ =	shalt  }
0x56: {  	_ =	shalt  }
0x57: {  	_ =	shalt  }
0x58: {  	_ =	shalt  }
0x59: {  	_ =	shalt  }
0x5a: {  	_ =	shalt  }
0x5b: {  	_ =	shalt  }
0x5c: {  	_ =	shalt  }
0x5d: {  	_ =	shalt  }
0x5e: {  	_ =	shalt  }
0x5f: {  	_ =	shalt  }
0x60: {  	_ =	shalt  }
0x61: {  	_ =	shalt  }
0x62: {  	_ =	shalt  }
0x63: {  	_ =	shalt  }
0x64: {  	_ =	shalt  }
0x65: {  	_ =	shalt  }
0x66: {  	_ =	shalt  }
0x67: {  	_ =	shalt  }
0x68: {  	_ =	shalt  }
0x69: {  	_ =	shalt  }
0x6a: {  	_ =	shalt  }
0x6b: {  	_ =	shalt  }
0x6c: {  	_ =	shalt  }
0x6d: {  	_ =	shalt  }
0x6e: {  	_ =	shalt  }
0x6f: {  	_ =	shalt  }
0x70: {  	_ =	shalt  }
0x71: {  	_ =	shalt  }
0x72: {  	_ =	shalt  }
0x73: {  	_ =	shalt  }
0x74: {  	_ =	shalt  }
0x75: {  	_ =	shalt  }
0x76: {  	_ =	shalt  }
0x77: {  	_ =	shalt  }
0x78: {  	_ =	shalt  }
0x79: {  	_ =	shalt  }
0x7a: {  	_ =	shalt  }
0x7b: {  	_ =	shalt  }
0x7c: {  	_ =	shalt  }
0x7d: {  	_ =	shalt  }
0x7e: {  	_ =	shalt  }
0x7f: {  	_ =	shalt  }
0x80: {  	_ =	shalt  }
0x81: {  	_ =	shalt  }
0x82: {  	_ =	shalt  }
0x83: {  	_ =	shalt  }
0x84: {  	_ =	shalt  }
0x85: {  	_ =	shalt  }
0x86: {  	_ =	shalt  }
0x87: {  	_ =	shalt  }
.Lfunc_end0:
.L_simem_size_0:
called_computation.1_lowered:
.L_overlay_start_0:
0x88: {  	s2 =	sld [smem:$0x3FD9]  }
0x89: {  	s3 =	sld [smem:$0x3FFE];
	_ =	sdelay $0x1  }
0x8a: {  	s1 =	srdreg.scid  }
0x8b: {  	s0 =	sand.u32 $0x1, s1  }
0x8c: {  	s17 =	sshll.u32 s0, $0xA;
	s2 =	sadd.s32 s3, s2  }
0x8d: {  	s2 =	sadd.s32 s2, s17  }
0x8e: {  	[smem:$0x3FBC] =	sst s2  }
0x8f: {  	_ = 	snop  }
0x90: {  	s2 =	sld [smem:$0x3FC5];
	(tm) =	ssettm $0x1  }
0x91: {  	s18 =	sld [smem:$0x3FFB];
	_ =	sdelay $0x3  }
0x92: {  	_ =	strace s18  }
0x93: {  	s3 =	sld [smem:$0x3FFC];
	_ =	sdelay $0x3  }
0x94: {  	_ =	strace s3  }
0x95: {  	s3 =	sld [smem:$0x3FFD];
	_ =	sdelay $0x3  }
0x96: {  	_ =	strace s3  }
0x97: {  	_ =	strace $0x8FFFFFFF  }
0x98: {  	s19 =	sld [smem:$0x3FDB];
	_ =	sdelay $0x1  }
0x99: {  	s4 =	simm.s32 $_scs_section_size  }
0x9a: {  	s5 =	simm.s32 $_size__tile_overlayer_lowered;
	s6 =	simm.s32 $_tile_overlayer_lowered  }
0x9b: {  	s22 =	simm.s32 $0x1BFF;
	s21 =	sshll.u32 s6, $0x1;
	s3 =	sadd.s32 s4, s19  }
0x9c: {  	s7 =	simm.s32 $0x0;
	s20 =	sshll.u32 s5, $0x1;
	s5 =	sadd.s32 s21, s3  }
0x9d: {  	[timem:s7], [sflag:s22] =	dma.local [hbm:s5], s20  }
0x9e: {  	_ =	swait.ge [sflag:s22], s20  }
0x9f: {  	s4 =	ssub.s32 $0x0, s20;
	[sflag:s22] =	ssyncset.done $0x0  }
0xa0: {  	[sflag:s22] =	ssyncadd.s32 s4;
	_ =	sdelay $0x1  }
0xa1: {  	s23 =	simm.s32 $0x1B8B  }
0xa2: {  	_ =	swait.ge [sflag:s23], $0x1  }
0xa3: {  	[sflag:s23] =	ssyncset.done $0x0  }
0xa4: {  	s25 =	simm.s32 $0x1B8E;
	s24 =	sld [smem:$0x3FFE];
	[sflag:s23] =	ssyncadd.s32 $0xFFFFFFFF  }
0xa5: {  	s26 =	simm.s32 $execute0_lowered;
	[smem:$0x3FD2] =	sst s25  }
0xa6: {  	s5 =	sshll.u32 s26, $0x1;
	_ =	strace $0x80000049;
	[dreg:$0x1] =	wrdreg $0xFFFFFFFF  }
0xa7: {  	s28 =	simm.s32 $_size_execute0_lowered;
	s3 =	sadd.s32 s3, s5;
	[dreg:$0x0] =	wrdreg $0x0  }
0xa8: {  	s5 =	sshll.u32 s28, $0x1;
	[dreg:$0x2] =	wrdreg s3  }
0xa9: {  	[dreg:$0x3] =	wrdreg s5  }
0xaa: {  	[dreg:$0x4] =	wrdreg $0xC0  }
0xab: {  	_ =	task [dreg:s7], $0x5FFFF  }
0xac: {  	[dreg:$0x1] =	wrdreg $0xFFFFFFFF  }
0xad: {  	[dreg:$0x0] =	wrdreg $0x60  }
0xae: {  	[dreg:$0x2] =	wrdreg s24  }
0xaf: {  	[dreg:$0x3] =	wrdreg s2  }
0xb0: {  	[dreg:$0x4] =	wrdreg $0x9  }
0xb1: {  	_ =	task.clear_ibuf [dreg:s7], $0x5FFFF;
	_ =	strace $0x90000049  }
0xb2: {  	s29 =	simm.s32 $0x9;
	_ =	strace $0x8000004B  }
0xb3: {  	_ =	swait.ge [sflag:s29], $0x1  }
0xb4: {  	[sflag:s29] =	ssyncadd.s32 $0xFFFFFFFF  }
0xb5: {  	_ =	strace $0x9000004B  }
0xb6: {  	_ =	sfence  }
0xb7: {  	s30 =	sld [smem:$0x0];
	_ =	sdelay $0x2  }
0xb8: {  	s31 =	sshll.u32 s1, $0xD;
	s1 =	sshrl.u32 s1, $0x2  }
0xb9: {  	s3 =	sand.u32 $0x4000, s31;
	s1 =	sadd.s32 s1, s30  }
0xba: {  	s0 =	sor.u32 s3, s0;
	s1 =	sshll.u32 s1, $0x11  }
0xbb: {  	s0 =	sor.u32 s1, s0  }
0xbc: {  	s0 =	sadd.s32 $0x8F2B, s0  }
0xbd: {  	[sflag:s0] =	ssyncadd.remote.s32 $0x1  }
0xbe: {  	_ =	sfence.sel $0xFFFF  }
0xbf: {  	[dreg:$0x0] =	wrdreg $0xFFFFFFFF;
	(pc) =	sbr.abs _section_cstart, $3  }
0xc0: {  	[dreg:$0x1] =	wrdreg $0xFFFFFFFF  }
0xc1: {  	_ =	task.clear_ibuf [dreg:s7], $0x2FFFF;
	_ =	strace $0x9FFFFFFF  }
0xc2: {  	(tm) =	ssettm $0x7FFFFFFF  }
0xc3: {  	_ =	shalt  }
tec
execute0_lowered:
.L_overlay_start_1:
0x0: {  	(tag) =	ssettag $0x1  }
0x1: {  	s0 =	rddreg [dreg:$0x0]  }
0x2: {  	s2 =	rddreg [dreg:$0x1]  }
0x3: {  	s1 =	srdreg.scid;
	s4 =	stileid.u32  }
0x4: {  	s3 =	simm.s32 $0x0;
	s9 =	simm.s32 $0x3;
	s10 =	simm.s32 $0x5000  }
0x5: {  	s12 =	simm.s32 $0x28;
	s28 =	simm.s32 $0x12C00;
	[smem:$0x7FF] =	sst s3  }
0x6: {  	v0 =	vimm.f32 $7.000000000e+00;
	s29 =	simm.s32 $0x16000;
	s30 =	simm.s32 $0x14000;
	_ =	strace $0x8000004A  }
0x7: {  	s31 =	simm.s32 $0x17400;
	s1 =	sand.u32 $0x1, s1;
	s4 =	sshll.u32 s4, $0x1;
	(erf) = vrcp.f32 v0  }
0x8: {  	s11 =	simm.s32 $0x2;
	s13 =	simm.s32 $0x0;
	s4 =	sor.u32 s1, s4  }
0x9: {  	vm0 =	vcmask $0x3F3C;
	v2 =	vimm.s32 $0x76543210;
	s1 =	ssub.s32 $0x2, s1;
	s5 =	smul.u32 $0xA00, s4;
	s6 =	sshll.u32 s4, $0xA  }
0xa: {  	v3 =	vimm.s32 $0x23222120;
	v4 =	vimm.s32 $0x27262524;
	v5 =	vunpack.c.l.s4.s8 v2;
	s4 =	smul.u32 $0x340, s4;
	s7 =	sshrl.u32 s1, $0x1;
	s6 =	sadd.s32 s6, s0  }
0xb: {  	vm1 =	vcmask $0x1F10;
	v3 =	vunpack.c.0.s8.s32 v3;
	v6 =	vunpack.c.0.s8.s32 v4;
	s1 =	ssub.s32 s1, s7;
	s5 =	sadd.s32 s5, s0;
	s25 =	sadd.s32 $0x2A800, s6  }
0xc: {  	vm2 =	vcmask $0xF00;
	v0 =	vlaneseq.u32;
	v4 =	vunpack.c.0.s8.s32 v5;
	s0 =	sadd.s32 s4, s0;
	s26 =	smax.u32 s1, $0x1;
	[dreg:$0x5] =	wrdreg s25  }
0xd: {  	v5 =	vsel vm1, v6, v3;
	v7 =	vnsel vm2, $0x27, v3;
	v1 =	vshrl.u32 v0, $0x3;
	s1 =	simm.s32 $0x18800;
	s23 =	sadd.s32 $0x2800, s5;
	[dreg:$0x7] =	wrdreg s26  }
0xe: {  	v2 =	vor.u32 $0x10, v0;
	v8 =	vmul.u32 $0xFFFFFFFF, v0;
	v1 =	vmul.u32 $0x80, v1;
	s24 =	sadd.s32 $0x16800, s5;
	s0 =	sadd.s32 $0x32800, s0;
	[dreg:$0x3] =	wrdreg s23  }
0xf: {  	v3 =	vcombine.low v5, v4;
	v4 =	vadd.s32 $0x8, v0;
	v5 =	vsel vm1, v6, v7;
	s25 =	simm.s32 $0x12000;
	s26 =	simm.s32 $0x15400;
	[dreg:$0x4] =	wrdreg s24  }
0x10: {  	v7 =	vadd.s32 $0x18, v0;
	vm1 =	vmmov $0xff;
	v8 =	vadd.s32 $0xF, v8;
	[dreg:$0x6] =	wrdreg s0;
	s24 =	simm.s32 $0x18;
	s0 =	simm.s32 $0x1;
	v6 =	vpop (erf)  }
.LBB2_1:
0x11: {  	s4 =	rddreg [dreg:$0x3]  }
0x12: {  	[tilespmem:s3], [sflag:$0x3] =	stream.linear.gather [hbm4b:s4+s3], $0x5000, $0x38;
	[tilespmem:$0x1A200] =	vst v63  }
0x13: {  	_ =	swait.ge [sflag:s9], $0x5000  }
0x14: {  	[sflag:s9] =	ssyncset.done $0x0  }
0x15: {  	s7 =	rddreg [dreg:$0x4];
	[sflag:s9] =	ssyncadd.s32 $0xFFFFB000  }
0x16: {  	[tilespmem:s10], [sflag:$0x3] =	stream.linear.gather [hbm4b:s7+s3], $0x5000, $0x38;
	[tilespmem:$0x1A200] =	vst v63  }
0x17: {  	_ =	swait.ge [sflag:s9], $0x5000  }
0x18: {  	[sflag:s9] =	ssyncset.done $0x0  }
0x19: {  	s5 =	simm.s32 $0xA000;
	s8 =	rddreg [dreg:$0x5];
	[sflag:s9] =	ssyncadd.s32 $0xFFFFB000  }
0x1a: {  	[tilespmem:s5], [sflag:$0x3] =	stream.linear.gather [hbm4b:s8+s3], $0x2000, $0x38;
	[tilespmem:$0x1A200] =	vst v63  }
0x1b: {  	_ =	swait.ge [sflag:s9], $0x2000  }
0x1c: {  	[sflag:s9] =	ssyncset.done $0x0  }
0x1d: {  	s14 =	simm.s32 $0xC000;
	[sflag:s9] =	ssyncadd.s32 $0xFFFFE000  }
0x1e: {  	[tilespmem:s14], [sflag:$0x1] =	stream.indirect.gather [hbm4b:s2+s12], $0x80, s3, s12, $0xb8;
	[tilespmem:$0x1A200] =	vst v63  }
0x1f: {  	s15 =	simm.s32 $0xF000  }
0x20: {  	[tilespmem:s15], [sflag:$0x1] =	stream.indirect.gather [hbm4b:s2+s12], $0x80, s10, s12, $0xb8;
	[tilespmem:$0x1A200] =	vst v63  }
0x21: {  	s16 =	simm.s32 $0x80;
	s17 =	simm.s32 $0xD400  }
0x22: {  	[tilespmem:s17], [sflag:$0x1] =	stream.indirect.gather [hbm4b:s2+s12], $0x80, s16, s12, $0xb8;
	[tilespmem:$0x1A200] =	vst v63  }
0x23: {  	s18 =	simm.s32 $0x5080;
	s19 =	simm.s32 $0x10400  }
0x24: {  	[tilespmem:s19], [sflag:$0x1] =	stream.indirect.gather [hbm4b:s2+s12], $0x80, s18, s12, $0xb8;
	[tilespmem:$0x1A200] =	vst v63  }
0x25: {  	s20 =	simm.s32 $0x10;
	s21 =	simm.s32 $0x100;
	s6 =	simm.s32 $0xE800  }
0x26: {  	[tilespmem:s6], [sflag:$0x1] =	stream.indirect.gather [hbm4b:s2+s20], $0x80, s21, s20, $0xb8;
	[tilespmem:$0x1A200] =	vst v63  }
0x27: {  	s22 =	simm.s32 $0x5100;
	s23 =	simm.s32 $0x11800;
	s21 =	simm.s32 $0x0  }
0x28: {  	[tilespmem:s23], [sflag:$0x1] =	stream.indirect.gather [hbm4b:s2+s20], $0x80, s22, s20, $0xb8;
	[tilespmem:$0x1A200] =	vst v63  }
.LBB2_2:
0x29: {  	s18 =	smul.u32 $0x5, s21;
	_ =	sdelay $0x1  }
0x2a: {  	s17 =	sadd.s32 $0x2, s18  }
0x2b: {  	s4 =	sshll.u32 s17, $0x7  }
0x2c: {  	s14 =	sor.u32 $0x10, s4  }
0x2d: {  	[tilespmem:s25], [sflag:$0x2] =	stream.indirect.gather [hbm4b:s2+s24], $0x80, s14, s24, $0xb8;
	[tilespmem:$0x1A200] =	vst v63  }
0x2e: {  	s19 =	sadd.s32 $0x3, s18;
	s4 =	sadd.s32 $0x5010, s4  }
0x2f: {  	[tilespmem:s26], [sflag:$0x2] =	stream.indirect.gather [hbm4b:s2+s24], $0x80, s4, s24, $0xb8;
	[tilespmem:$0x1A200] =	vst v63  }
0x30: {  	s16 =	sshll.u32 s19, $0x7  }
0x31: {  	[tilespmem:s28], [sflag:$0x2] =	stream.indirect.gather [hbm4b:s2+s12], $0x80, s16, s12, $0xb8;
	[tilespmem:$0x1A200] =	vst v63  }
0x32: {  	s20 =	sadd.s32 $0x4, s18;
	s4 =	sadd.s32 $0x5000, s16  }
0x33: {  	[tilespmem:s29], [sflag:$0x2] =	stream.indirect.gather [hbm4b:s2+s12], $0x80, s4, s12, $0xb8;
	[tilespmem:$0x1A200] =	vst v63  }
0x34: {  	s14 =	sshll.u32 s20, $0x7  }
0x35: {  	[tilespmem:s30], [sflag:$0x2] =	stream.indirect.gather [hbm4b:s2+s12], $0x80, s14, s12, $0xb8;
	[tilespmem:$0x1A200] =	vst v63  }
0x36: {  	s4 =	sadd.s32 $0x5000, s14  }
0x37: {  	[tilespmem:s31], [sflag:$0x2] =	stream.indirect.gather [hbm4b:s2+s12], $0x80, s4, s12, $0xb8;
	[tilespmem:$0x1A200] =	vst v63  }
0x38: {  	_ =	swait.ge [sflag:s0], $0x3000  }
0x39: {  	[sflag:s0] =	ssyncset.done $0x0  }
0x3a: {  	[sflag:s0] =	ssyncadd.s32 $0xFFFFD000  }
0x3b: {  	s22 =	sshll.u32 s21, $0x8;
	s15 =	sshll.u32 s21, $0x7;
	_ =	swait.ge [sflag:s0], $0x3000  }
0x3c: {  	s15 =	sand.u32 $0x380, s15;
	s4 =	sand.u32 $0x1800, s22;
	[sflag:s0] =	ssyncset.done $0x0  }
0x3d: {  	s4 =	sor.u32 s15, s4;
	[sflag:s0] =	ssyncadd.s32 $0xFFFFD000  }
0x3e: {  	v9 =	vld [tilespmem:s4+$0xA000]  }
0x3f: {  	v24 =	vld [tilespmem:s4+$0xA010]  }
0x40: {  	v23 =	vld [tilespmem:s4+$0xA020]  }
0x41: {  	v22 =	vld [tilespmem:s4+$0xA030]  }
0x42: {  	v21 =	vld [tilespmem:s4+$0xA040]  }
0x43: {  	v19 =	vld [tilespmem:s4+$0xA050]  }
0x44: {  	v20 =	vld [tilespmem:s4+$0xA060]  }
0x45: {  	v17 =	vld [tilespmem:s4+$0xA070]  }
0x46: {  	v18 =	vld [tilespmem:s4+$0xA400]  }
0x47: {  	v15 =	vld [tilespmem:s4+$0xA410]  }
0x48: {  	v16 =	vld [tilespmem:s4+$0xA420]  }
0x49: {  	v13 =	vld [tilespmem:s4+$0xA430]  }
0x4a: {  	v14 =	vld [tilespmem:s4+$0xA440]  }
0x4b: {  	v12 =	vld [tilespmem:s4+$0xA450]  }
0x4c: {  	v10 =	vld [tilespmem:s4+$0xA460]  }
0x4d: {  	s19 =	simm.s32 $0xC100;
	v11 =	vld [tilespmem:s4+$0xA470]  }
0x4e: {  	v25 =	vld [tilespmem:s19+$0x80]  }
0x4f: {  	v26 =	vld [tilespmem:s19+$0x90]  }
0x50: {  	v27 =	vld [tilespmem:s19+$0xA0]  }
0x51: {  	v28 =	vld [tilespmem:s19+$0xB0]  }
0x52: {  	v29 =	vld [tilespmem:s19+$0xC0]  }
0x53: {  	v30 =	vld [tilespmem:s19+$0xD0]  }
0x54: {  	v31 =	vld [tilespmem:s19+$0xE0]  }
0x55: {  	s20 =	simm.s32 $0xF100;
	v32 =	vld [tilespmem:s19+$0xF0]  }
0x56: {  	v33 =	vld [tilespmem:s20+$0x80]  }
0x57: {  	v34 =	vld [tilespmem:s20+$0x90]  }
0x58: {  	v35 =	vld [tilespmem:s20+$0xA0]  }
0x59: {  	v36 =	vld [tilespmem:s20+$0xB0]  }
0x5a: {  	v37 =	vld [tilespmem:s20+$0xC0]  }
0x5b: {  	v38 =	vld [tilespmem:s20+$0xD0]  }
0x5c: {  	v39 =	vld [tilespmem:s20+$0xE0]  }
0x5d: {  	v40 =	vld [tilespmem:s20+$0xF0]  }
0x5e: {  	v41 =	vld [tilespmem:s19+$0xFFFFFF10]  }
0x5f: {  	v42 =	vld [tilespmem:s19+$0xFFFFFF20]  }
0x60: {  	v43 =	vld [tilespmem:s19+$0xFFFFFF30]  }
0x61: {  	v44 =	vld [tilespmem:s19+$0xFFFFFF40]  }
0x62: {  	v45 =	vld [tilespmem:s19+$0xFFFFFF50]  }
0x63: {  	v46 =	vld [tilespmem:s19+$0xFFFFFF60]  }
0x64: {  	v47 =	vld [tilespmem:s19+$0xFFFFFF70]  }
0x65: {  	v48 =	vld [tilespmem:s20+$0xFFFFFF00]  }
0x66: {  	v49 =	vld [tilespmem:s20+$0xFFFFFF10]  }
0x67: {  	v50 =	vld [tilespmem:s20+$0xFFFFFF20]  }
0x68: {  	v51 =	vld [tilespmem:s20+$0xFFFFFF30]  }
0x69: {  	v52 =	vld [tilespmem:s20+$0xFFFFFF40]  }
0x6a: {  	v53 =	vld [tilespmem:s20+$0xFFFFFF50]  }
0x6b: {  	v54 =	vld [tilespmem:s20+$0xFFFFFF60]  }
0x6c: {  	v55 =	vld [tilespmem:s20+$0xFFFFFF70];
	v25 =	vmul.f32 v25, v9;
	v26 =	vmul.f32 v26, v24  }
0x6d: {  	v56 =	vld [tilespmem:s19+$0xFFFFFF80];
	v27 =	vmul.f32 v27, v23;
	v28 =	vmul.f32 v28, v22  }
0x6e: {  	v29 =	vmul.f32 v29, v21;
	v61 =	vmul.f32 v45, v19;
	v45 =	vld [tilespmem:s20+$0xFFFFFFD0]  }
0x6f: {  	v30 =	vmul.f32 v30, v19;
	v31 =	vmul.f32 v31, v20;
	v25 =	vadd.f32 v26, v25;
	v26 =	vld [tilespmem:s19+$0xFFFFFF90]  }
0x70: {  	v32 =	vmul.f32 v32, v17;
	v33 =	vmul.f32 v33, v18;
	v27 =	vadd.f32 v28, v27;
	v28 =	vld [tilespmem:s19+$0xFFFFFFA0]  }
0x71: {  	v34 =	vmul.f32 v34, v15;
	v35 =	vmul.f32 v35, v16;
	v29 =	vadd.f32 v30, v29;
	v30 =	vld [tilespmem:s19+$0xFFFFFFB0]  }
0x72: {  	v37 =	vmul.f32 v37, v14;
	v38 =	vmul.f32 v38, v12;
	v31 =	vadd.f32 v32, v31;
	v32 =	vld [tilespmem:s19+$0xFFFFFFC0]  }
0x73: {  	v39 =	vmul.f32 v39, v10;
	v40 =	vmul.f32 v40, v11;
	v33 =	vadd.f32 v34, v33;
	v34 =	vld [tilespmem:s19+$0xFFFFFFD0]  }
0x74: {  	v36 =	vmul.f32 v36, v13;
	v60 =	vmul.f32 v44, v21;
	v63 =	vadd.f32 v38, v37;
	v37 =	vld [tilespmem:s19+$0xFFFFFFE0]  }
0x75: {  	v58 =	vmul.f32 v43, v22;
	v62 =	vmul.f32 v46, v20;
	v57 =	vadd.f32 v40, v39;
	v39 =	vld [tilespmem:s19+$0xFFFFFFF0]  }
0x76: {  	v35 =	vadd.f32 v36, v35;
	v36 =	vld [tilespmem:s20+$0xFFFFFF90];
	v38 =	vadd.f32 v61, v60;
	v60 =	vmul.f32 v52, v14  }
0x77: {  	v40 =	vld [tilespmem:s20+$0xFFFFFFA0];
	v61 =	vmul.f32 v53, v12;
	v27 =	vadd.f32 v27, v25;
	v29 =	vadd.f32 v31, v29  }
0x78: {  	v53 =	vld [tilespmem:s19+$0x10];
	v25 =	vmul.f32 v42, v23;
	v33 =	vadd.f32 v35, v33;
	v59 =	vadd.f32 v57, v63  }
0x79: {  	v52 =	vld [tilespmem:s20+$0x40];
	v63 =	vmul.f32 v47, v17;
	v57 =	vmul.f32 v48, v18;
	v44 =	vadd.f32 v61, v60  }
0x7a: {  	v31 =	vld [tilespmem:s20+$0xFFFFFF80];
	v60 =	vmul.f32 v45, v12;
	v25 =	vadd.f32 v58, v25;
	v27 =	vadd.f32 v29, v27  }
0x7b: {  	v42 =	vld [tilespmem:s20+$0xFFFFFFC0];
	v29 =	vadd.f32 v59, v33;
	v58 =	vmul.f32 v50, v16;
	v59 =	vmul.f32 v51, v13  }
0x7c: {  	v47 =	vld [tilespmem:s20+$0xFFFFFFE0];
	v35 =	vadd.f32 v63, v62;
	v62 =	vmul.f32 v54, v10;
	v63 =	vmul.f32 v55, v11  }
0x7d: {  	v45 =	vld [tilespmem:s20+$0x10];
	v54 =	vmul.f32 v56, v9;
	v26 =	vmul.f32 v26, v24  }
0x7e: {  	v33 =	vld [tilespmem:s20+$0xFFFFFFB0];
	v28 =	vmul.f32 v28, v23;
	v30 =	vmul.f32 v30, v22  }
0x7f: {  	v51 =	vld [tilespmem:s19+$0x0];
	v32 =	vmul.f32 v32, v21;
	v34 =	vmul.f32 v34, v19  }
0x80: {  	v55 =	vld [tilespmem:s19+$0x20];
	v53 =	vmul.f32 v53, v24;
	v27 =	vadd.f32 v29, v27;
	v35 =	vadd.f32 v35, v38  }
0x81: {  	v56 =	vld [tilespmem:s19+$0x30];
	v29 =	vmul.f32 v49, v15;
	v43 =	vadd.f32 v59, v58;
	v38 =	vadd.f32 v63, v62  }
0x82: {  	v49 =	vld [tilespmem:s20+$0xFFFFFFF0];
	v58 =	vmul.f32 v36, v15;
	v26 =	vadd.f32 v26, v54;
	v28 =	vadd.f32 v30, v28  }
0x83: {  	v36 =	vld [tilespmem:s19+$0x70];
	v32 =	vadd.f32 v34, v32;
	v31 =	vmul.f32 v31, v18;
	v29 =	vadd.f32 v29, v57  }
0x84: {  	v63 =	vld [tilespmem:s20+$0x20];
	v59 =	vmul.f32 v42, v14;
	v61 =	vmul.f32 v47, v10;
	v38 =	vadd.f32 v38, v44  }
0x85: {  	v30 =	vld [tilespmem:s19+$0x50];
	v57 =	vmul.f32 v39, v17;
	v26 =	vadd.f32 v28, v26;
	v29 =	vadd.f32 v43, v29  }
0x86: {  	s15 =	smul.u32 $0xD0, s21;
	v54 =	vld [tilespmem:s20+$0x50];
	v28 =	vmul.f32 v40, v16;
	v33 =	vmul.f32 v33, v13;
	v31 =	vadd.f32 v58, v31  }
0x87: {  	v44 =	vld [tilespmem:s19+$0x40];
	v62 =	vmul.f32 v49, v11;
	v38 =	vadd.f32 v38, v29;
	v29 =	vmul.f32 v37, v20  }
0x88: {  	s22 =	sadd.s32 $0x0, s15;
	v39 =	vld [tilespmem:s19+$0x60];
	v55 =	vmul.f32 v55, v23;
	v28 =	vadd.f32 v33, v28;
	v49 =	vadd.f32 v60, v59  }
0x89: {  	s23 =	sadd.s32 $0x1, s22;
	v40 =	vld [tilespmem:s20+$0x0];
	v56 =	vmul.f32 v56, v22;
	v34 =	vadd.f32 v62, v61;
	v29 =	vadd.f32 v57, v29  }
0x8a: {  	v58 =	vld [tilespmem:s20+$0x70];
	v59 =	vmov s23;
	v36 =	vmul.f32 v36, v17;
	v28 =	vadd.f32 v28, v31  }
0x8b: {  	v60 =	vld [tilespmem:s19+$0xFFFFFF00];
	v63 =	vmul.f32 v63, v16;
	v33 =	vadd.f32 v34, v49;
	v29 =	vadd.f32 v29, v32  }
0x8c: {  	(xrf2) =	vadd.scan.msk.f32 $0xffff, v27;
	v27 =	vadd.f32 v56, v55;
	v37 =	vmul.f32 v41, v24;
	v31 =	vmul.f32 v51, v9;
	v32 =	vld [tilespmem:s20+$0x30]  }
0x8d: {  	v30 =	vmul.f32 v30, v19;
	v57 =	vld [tilespmem:s20+$0x60];
	s20 =	simm.s32 $0xC300;
	v28 =	vadd.f32 v33, v28;
	v26 =	vadd.f32 v29, v26  }
0x8e: {  	v42 =	vand.u32 $0xFFFFFFFD, v59;
	v39 =	vmul.f32 v39, v20;
	v31 =	vadd.f32 v53, v31;
	v47 =	vld [tilespmem:s20+$0x90]  }
0x8f: {  	v56 =	vmul.f32 v58, v11;
	v53 =	vmul.f32 v54, v12;
	v48 =	vld [tilespmem:s20+$0xB0];
	v26 =	vadd.f32 v28, v26  }
0x90: {  	v27 =	vadd.f32 v27, v31;
	v31 =	vmul.f32 v45, v15;
	v33 =	vmul.f32 v60, v9;
	v54 =	vld [tilespmem:s20+$0xD0]  }
0x91: {  	v36 =	vadd.f32 v36, v39;
	v58 =	vld [tilespmem:s20+$0xF0];
	v29 =	vmul.f32 v44, v21;
	(xrf2) =	vadd.scan.msk.f32 $0xffff, v26;
	v26 =	vmul.f32 v32, v13  }
0x92: {  	s5 =	sadd.s32 $0x3, s22;
	v55 =	vmul.f32 v57, v10;
	v57 =	vld [tilespmem:s20+$0xE0];
	v33 =	vadd.f32 v37, v33;
	v28 =	vmul.f32 v40, v18  }
0x93: {  	v61 =	vmov s5;
	v29 =	vadd.f32 v30, v29;
	v30 =	vld [tilespmem:s20+$0x80];
	v26 =	vadd.f32 v26, v63  }
0x94: {  	s23 =	sadd.s32 $0x2, s22;
	v59 =	vmov s22;
	v40 =	vld [tilespmem:s20+$0xA0];
	v28 =	vadd.f32 v31, v28;
	v31 =	vmul.f32 v52, v14  }
0x95: {  	v62 =	vmov s23;
	s23 =	simm.s32 $0xF300;
	v33 =	vadd.f32 v25, v33;
	v52 =	vld [tilespmem:s20+$0xC0];
	v29 =	vadd.f32 v36, v29  }
0x96: {  	v42 =	vbroadcast v42, $0x0;
	v36 =	vadd.f32 v56, v55;
	v32 =	vadd.f32 v53, v31;
	v31 =	vld [tilespmem:s23+$0x80]  }
0x97: {  	v39 =	vand.u32 $0xFFFFFFFE, v62;
	v27 =	vadd.f32 v29, v27;
	v29 =	vld [tilespmem:s23+$0xB0];
	v60 =	vadd.f32 v26, v28;
	v26, _, _ =	vpop (xrf2)  }
0x98: {  	v25 =	vbroadcast v39, $0x0;
	v28 =	vld [tilespmem:s23+$0x90];
	v36 =	vadd.f32 v36, v32;
	[tilespmem:v61+s1+$0x0] =	vst.idx.msk vm0, v26;
	v61 =	vadd.f32 v35, v33  }
0x99: {  	v37 =	vand.u32 $0xFFFFFFFC, v59;
	v39 =	vmul.f32 v54, v19;
	v41 =	vmul.f32 v57, v20;
	v32 =	vld [tilespmem:s23+$0xA0]  }
0x9a: {  	v34 =	vmul.f32 v30, v9;
	v43 =	vadd.f32 v36, v60;
	v33 =	vld [tilespmem:s23+$0xC0];
	v63 =	vadd.f32 v38, v61  }
0x9b: {  	v30 =	vmul.f32 v40, v23;
	v26 =	vbroadcast v37, $0x0;
	v37 =	vld [tilespmem:s23+$0xD0]  }
0x9c: {  	v40 =	vld [tilespmem:s23+$0xE0];
	v36 =	vmul.f32 v52, v21;
	v35 =	vmul.f32 v47, v24;
	v27 =	vadd.f32 v43, v27;
	v62, _, _ =	vpop (xrf2);
	(xrf2) =	vadd.scan.msk.f32 $0xffff, v63  }
0x9d: {  	s19 =	simm.s32 $0x4;
	s22 =	sor.u32 $0xA000, s4;
	s4 =	simm.s32 $0x8;
	v43 =	vld [tilespmem:s23+$0xF0];
	v38 =	vmul.f32 v48, v22;
	[tilespmem:v42+s1+$0x0] =	vst.idx.msk vm0, v62;
	v42 =	vmul.f32 v58, v17  }
.LBB2_3:
0x9e: {  	p0 =	slt.u32 s4, $0x5C;
	v44 =	vld [tilespmem:s20+$0xFFFFFF10];
	v31 =	vmul.f32 v31, v18;
	v28 =	vmul.f32 v28, v15  }
0x9f: {  	v32 =	vmul.f32 v32, v16;
	v29 =	vmul.f32 v29, v13;
	v45 =	vld [tilespmem:s20+$0xFFFFFF20];
	(xrf2) =	vadd.scan.msk.f32 $0xffff, v27  }
0xa0: {  	v33 =	vmul.f32 v33, v14;
	v46 =	vld [tilespmem:s20+$0xFFFFFF30];
	v37 =	vmul.f32 v37, v12  }
0xa1: {  	v34 =	vadd.f32 v35, v34;
	v30 =	vadd.f32 v38, v30;
	v47 =	vld [tilespmem:s20+$0xFFFFFF40];
	v40 =	vmul.f32 v40, v10  }
0xa2: {  	v36 =	vadd.f32 v39, v36;
	v39 =	vadd.f32 v42, v41;
	v35 =	vld [tilespmem:s20+$0xFFFFFF50];
	v38 =	vmul.f32 v43, v11  }
0xa3: {  	v28 =	vadd.f32 v28, v31;
	v29 =	vadd.f32 v29, v32;
	v27 =	vmul.f32 v44, v24;
	v41 =	vld [tilespmem:s20+$0xFFFFFF60]  }
0xa4: {  	v33 =	vadd.f32 v37, v33;
	v31 =	vmul.f32 v45, v23;
	v32 =	vld [tilespmem:s20+$0xFFFFFF70];
	v42 =	vadd.f32 v38, v40  }
0xa5: {  	v30 =	vadd.f32 v30, v34;
	v34 =	vadd.f32 v39, v36;
	v38 =	vmul.f32 v46, v22;
	v40 =	vld [tilespmem:s23+$0xFFFFFF00]  }
0xa6: {  	v29 =	vadd.f32 v29, v28;
	v36 =	vmul.f32 v47, v21;
	v39 =	vld [tilespmem:s23+$0xFFFFFF10];
	v33 =	vadd.f32 v42, v33;
	v37, _, _ =	vpop (xrf2)  }
0xa7: {  	v43 =	vmul.f32 v35, v19;
	v42 =	vld [tilespmem:s23+$0xFFFFFF20];
	v28 =	vadd.f32 v38, v31;
	[tilespmem:v26+s1+$0x0] =	vst.idx.msk vm0, v37  }
0xa8: {  	v30 =	vadd.f32 v34, v30;
	v26 =	vmul.f32 v41, v20;
	v31 =	vld [tilespmem:s23+$0xFFFFFF30];
	v29 =	vadd.f32 v33, v29  }
0xa9: {  	v32 =	vmul.f32 v32, v17;
	v33 =	vld [tilespmem:s23+$0xFFFFFF40];
	v34 =	vadd.f32 v43, v36;
	v35, _, _ =	vpop (xrf2)  }
0xaa: {  	v36 =	vmul.f32 v40, v18;
	v37 =	vld [tilespmem:s23+$0xFFFFFF50];
	v29 =	vadd.f32 v29, v30;
	[tilespmem:v25+s1+$0x0] =	vst.idx.msk vm0, v35  }
0xab: {  	v25 =	vmul.f32 v39, v15;
	v30 =	vld [tilespmem:s23+$0xFFFFFF60];
	v26 =	vadd.f32 v32, v26  }
0xac: {  	v32 =	vmul.f32 v42, v16;
	v35 =	vld [tilespmem:s23+$0xFFFFFF70];
	(xrf2) =	vadd.scan.msk.f32 $0xffff, v29  }
0xad: {  	v31 =	vmul.f32 v31, v13;
	v25 =	vadd.f32 v25, v36;
	v29 =	vadd.f32 v26, v34;
	v26 =	vld [tilespmem:s20+$0xFFFFFF80]  }
0xae: {  	v33 =	vmul.f32 v33, v14;
	v34 =	vld [tilespmem:s20+$0xFFFFFF90]  }
0xaf: {  	v36 =	vmul.f32 v37, v12;
	v31 =	vadd.f32 v31, v32;
	v32 =	vld [tilespmem:s20+$0xFFFFFFA0]  }
0xb0: {  	s5 =	sadd.s32 s15, s19;
	s19 =	smov.u32 s4;
	v30 =	vmul.f32 v30, v10;
	v37 =	vld [tilespmem:s20+$0xFFFFFFB0]  }
0xb1: {  	s6 =	sadd.s32 $0x1, s5;
	s7 =	sadd.s32 $0x2, s5;
	s8 =	sadd.s32 $0x3, s5;
	v35 =	vmul.f32 v35, v11;
	v33 =	vadd.f32 v36, v33;
	v25 =	vadd.f32 v31, v25;
	v31 =	vld [tilespmem:s20+$0xFFFFFFC0]  }
0xb2: {  	v38 =	vmov s6;
	v39 =	vmov s8;
	v26 =	vmul.f32 v26, v9;
	v36 =	vld [tilespmem:s20+$0xFFFFFFD0]  }
0xb3: {  	v40 =	vmov s7;
	v30 =	vadd.f32 v35, v30;
	v34 =	vmul.f32 v34, v24;
	v35 =	vld [tilespmem:s20+$0xFFFFFFE0]  }
0xb4: {  	v41 =	vmov s5;
	v38 =	vand.u32 $0xFFFFFFFD, v38;
	v32 =	vmul.f32 v32, v23;
	v42 =	vld [tilespmem:s20+$0xFFFFFFF0]  }
0xb5: {  	v30 =	vadd.f32 v30, v33;
	v33 =	vmul.f32 v37, v22;
	v37 =	vld [tilespmem:s23+$0xFFFFFF80];
	v26 =	vadd.f32 v34, v26  }
0xb6: {  	v40 =	vand.u32 $0xFFFFFFFE, v40;
	v34 =	vand.u32 $0xFFFFFFFC, v41;
	v31 =	vmul.f32 v31, v21;
	v41 =	vld [tilespmem:s23+$0xFFFFFF90];
	v43, _, _ =	vpop (xrf2)  }
0xb7: {  	v36 =	vmul.f32 v36, v19;
	v44 =	vld [tilespmem:s23+$0xFFFFFFA0];
	v32 =	vadd.f32 v33, v32;
	v33 =	vbroadcast v38, $0x0;
	[tilespmem:v39+s1+$0x0] =	vst.idx.msk vm0, v43  }
0xb8: {  	v30 =	vadd.f32 v30, v25;
	v25 =	vbroadcast v40, $0x0;
	v35 =	vmul.f32 v35, v20;
	v38 =	vld [tilespmem:s23+$0xFFFFFFB0]  }
0xb9: {  	v39 =	vmul.f32 v42, v17;
	v40 =	vld [tilespmem:s23+$0xFFFFFFC0];
	v31 =	vadd.f32 v36, v31;
	v32 =	vadd.f32 v32, v26  }
0xba: {  	v26 =	vbroadcast v34, $0x0;
	v34 =	vmul.f32 v37, v18;
	v36 =	vld [tilespmem:s23+$0xFFFFFFD0]  }
0xbb: {  	v37 =	vmul.f32 v41, v15;
	v41 =	vld [tilespmem:s23+$0xFFFFFFE0];
	v35 =	vadd.f32 v39, v35  }
0xbc: {  	v39 =	vmul.f32 v44, v16;
	v42 =	vld [tilespmem:s23+$0xFFFFFFF0]  }
0xbd: {  	v38 =	vmul.f32 v38, v13;
	v34 =	vadd.f32 v37, v34;
	v31 =	vadd.f32 v35, v31;
	v35 =	vld [tilespmem:s20+$0x0]  }
0xbe: {  	v37 =	vmul.f32 v40, v14;
	v40 =	vld [tilespmem:s20+$0x10]  }
0xbf: {  	v36 =	vmul.f32 v36, v12;
	v38 =	vadd.f32 v38, v39;
	v31 =	vadd.f32 v31, v32;
	v32 =	vld [tilespmem:s20+$0x20]  }
0xc0: {  	v39 =	vmul.f32 v41, v10;
	v41 =	vld [tilespmem:s20+$0x30]  }
0xc1: {  	v42 =	vmul.f32 v42, v11;
	v36 =	vadd.f32 v36, v37;
	v34 =	vadd.f32 v38, v34;
	v37 =	vld [tilespmem:s20+$0x40]  }
0xc2: {  	v35 =	vmul.f32 v35, v9;
	v38 =	vld [tilespmem:s20+$0x50]  }
0xc3: {  	v39 =	vadd.f32 v42, v39;
	v40 =	vmul.f32 v40, v24;
	v42 =	vld [tilespmem:s20+$0x60]  }
0xc4: {  	v32 =	vmul.f32 v32, v23;
	v43 =	vld [tilespmem:s20+$0x70]  }
0xc5: {  	v36 =	vadd.f32 v39, v36;
	v39 =	vmul.f32 v41, v22;
	v41 =	vld [tilespmem:s23+$0x0];
	v35 =	vadd.f32 v40, v35  }
0xc6: {  	v37 =	vmul.f32 v37, v21;
	v40 =	vld [tilespmem:s23+$0x10]  }
0xc7: {  	v34 =	vadd.f32 v36, v34;
	v36 =	vmul.f32 v38, v19;
	v38 =	vld [tilespmem:s23+$0x20];
	v32 =	vadd.f32 v39, v32  }
0xc8: {  	v39 =	vmul.f32 v42, v20;
	v42 =	vld [tilespmem:s23+$0x30]  }
0xc9: {  	v43 =	vmul.f32 v43, v17;
	v44 =	vld [tilespmem:s23+$0x40];
	v36 =	vadd.f32 v36, v37;
	v32 =	vadd.f32 v32, v35  }
0xca: {  	v31 =	vadd.f32 v34, v31;
	v34 =	vmul.f32 v41, v18;
	v35 =	vld [tilespmem:s23+$0x50]  }
0xcb: {  	v37 =	vmul.f32 v40, v15;
	v40 =	vld [tilespmem:s23+$0x60];
	v39 =	vadd.f32 v43, v39  }
0xcc: {  	v38 =	vmul.f32 v38, v16;
	v41 =	vld [tilespmem:s23+$0x70];
	(xrf2) =	vadd.scan.msk.f32 $0xffff, v31  }
0xcd: {  	v31 =	vld [tilespmem:s20+$0xFFFFFF00];
	v42 =	vmul.f32 v42, v13;
	v34 =	vadd.f32 v37, v34;
	v36 =	vadd.f32 v39, v36;
	s20 =	sadd.s32 $0x200, s20  }
0xce: {  	v37 =	vld [tilespmem:s20+$0x80];
	v39 =	vmul.f32 v44, v14  }
0xcf: {  	v43 =	vld [tilespmem:s20+$0x90];
	v35 =	vmul.f32 v35, v12;
	v38 =	vadd.f32 v42, v38;
	v36 =	vadd.f32 v36, v32  }
0xd0: {  	v42 =	vld [tilespmem:s20+$0xA0];
	v32 =	vmul.f32 v40, v10  }
0xd1: {  	v40 =	vld [tilespmem:s20+$0xB0];
	v41 =	vmul.f32 v41, v11;
	v35 =	vadd.f32 v35, v39;
	v34 =	vadd.f32 v38, v34  }
0xd2: {  	v39 =	vld [tilespmem:s20+$0xC0];
	v31 =	vmul.f32 v31, v9  }
0xd3: {  	v44 =	vld [tilespmem:s20+$0xD0];
	v32 =	vadd.f32 v41, v32  }
0xd4: {  	v41 =	vld [tilespmem:s20+$0xE0];
	v27 =	vadd.f32 v27, v31  }
0xd5: {  	s23 =	sadd.s32 $0x200, s23;
	v45 =	vld [tilespmem:s20+$0xF0];
	v32 =	vadd.f32 v32, v35  }
0xd6: {  	v31 =	vld [tilespmem:s23+$0x80];
	v27 =	vadd.f32 v28, v27;
	v35, _, _ =	vpop (xrf2)  }
0xd7: {  	v28 =	vld [tilespmem:s23+$0x90];
	[tilespmem:v33+s1+$0x0] =	vst.idx.msk vm0, v35;
	v33 =	vadd.f32 v32, v34  }
0xd8: {  	v32 =	vld [tilespmem:s23+$0xA0];
	v38 =	vadd.f32 v29, v27  }
.Ltmp0:
0xd9: {  	v29 =	vld [tilespmem:s23+$0xB0];
	v27 =	vadd.f32 v33, v36;
	(pc) =	sbr.rel @p0 .LBB2_3-.Ltmp0, $4  }
0xda: {  	v34 =	vmul.f32 v37, v9;
	v35 =	vmul.f32 v43, v24;
	v33 =	vld [tilespmem:s23+$0xC0];
	v43 =	vadd.f32 v30, v38  }
0xdb: {  	v30 =	vmul.f32 v42, v23;
	v38 =	vmul.f32 v40, v22;
	v37 =	vld [tilespmem:s23+$0xD0]  }
0xdc: {  	v36 =	vmul.f32 v39, v21;
	v39 =	vmul.f32 v44, v19;
	v40 =	vld [tilespmem:s23+$0xE0];
	(xrf2) =	vadd.scan.msk.f32 $0xffff, v43  }
0xdd: {  	s4 =	sadd.s32 $0x4, s4;
	v41 =	vmul.f32 v41, v20;
	v42 =	vmul.f32 v45, v17;
	v43 =	vld [tilespmem:s23+$0xF0]  }
0xde: {  	v44 =	vld [tilespmem:s20+$0xFFFFFF10]  }
0xdf: {  	v45 =	vld [tilespmem:s20+$0xFFFFFF20]  }
0xe0: {  	v46 =	vld [tilespmem:s20+$0xFFFFFF30]  }
0xe1: {  	v47 =	vld [tilespmem:s20+$0xFFFFFF40]  }
0xe2: {  	v48 =	vld [tilespmem:s20+$0xFFFFFF50]  }
0xe3: {  	v49 =	vld [tilespmem:s20+$0xFFFFFF60]  }
0xe4: {  	v50 =	vld [tilespmem:s20+$0xFFFFFF70]  }
0xe5: {  	v51 =	vld [tilespmem:s23+$0xFFFFFF00]  }
0xe6: {  	v52 =	vld [tilespmem:s23+$0xFFFFFF10]  }
0xe7: {  	v53 =	vld [tilespmem:s23+$0xFFFFFF20]  }
0xe8: {  	v54 =	vld [tilespmem:s23+$0xFFFFFF30]  }
0xe9: {  	v55 =	vld [tilespmem:s23+$0xFFFFFF40]  }
0xea: {  	v56 =	vld [tilespmem:s23+$0xFFFFFF50]  }
0xeb: {  	v57 =	vld [tilespmem:s23+$0xFFFFFF60]  }
0xec: {  	v58 =	vld [tilespmem:s23+$0xFFFFFF70]  }
0xed: {  	v59 =	vld [tilespmem:s20+$0xFFFFFF80]  }
0xee: {  	v34 =	vadd.f32 v35, v34;
	v35 =	vld [tilespmem:s20+$0xFFFFFF90]  }
0xef: {  	v30 =	vadd.f32 v38, v30;
	v38 =	vld [tilespmem:s20+$0xFFFFFFA0]  }
0xf0: {  	v31 =	vmul.f32 v31, v18;
	v28 =	vmul.f32 v28, v15;
	v36 =	vadd.f32 v39, v36;
	v39 =	vld [tilespmem:s20+$0xFFFFFFB0]  }
0xf1: {  	v41 =	vadd.f32 v42, v41;
	v42 =	vld [tilespmem:s20+$0xFFFFFFC0]  }
0xf2: {  	v32 =	vmul.f32 v32, v16;
	v29 =	vmul.f32 v29, v13;
	v28 =	vadd.f32 v28, v31;
	v31 =	vld [tilespmem:s20+$0xFFFFFFD0]  }
0xf3: {  	v30 =	vadd.f32 v30, v34;
	v34 =	vld [tilespmem:s20+$0xFFFFFFF0]  }
0xf4: {  	v33 =	vmul.f32 v33, v14;
	v37 =	vmul.f32 v37, v12;
	v29 =	vadd.f32 v29, v32;
	v32 =	vld [tilespmem:s23+$0xFFFFFF90]  }
0xf5: {  	v40 =	vmul.f32 v40, v10;
	v36 =	vadd.f32 v41, v36;
	v41 =	vld [tilespmem:s23+$0xFFFFFF80];
	v43 =	vmul.f32 v43, v11  }
0xf6: {  	v63 =	vadd.f32 v37, v33;
	v33 =	vld [tilespmem:s20+$0xFFFFFFE0];
	v61 =	vmul.f32 v45, v23;
	v62 =	vmul.f32 v46, v22  }
0xf7: {  	v28 =	vadd.f32 v29, v28;
	v45 =	vld [tilespmem:s23+$0xFFFFFFC0];
	v46 =	vmul.f32 v53, v16;
	v35 =	vmul.f32 v35, v24  }
0xf8: {  	v53 =	vld [tilespmem:s20+$0x20];
	v38 =	vmul.f32 v38, v23;
	v39 =	vmul.f32 v39, v22;
	v60 =	vadd.f32 v43, v40  }
0xf9: {  	v43 =	vld [tilespmem:s23+$0xFFFFFFA0];
	v42 =	vmul.f32 v42, v21;
	v40 =	vadd.f32 v62, v61;
	v61 =	vmul.f32 v49, v20  }
0xfa: {  	v30 =	vadd.f32 v36, v30;
	v62 =	vmul.f32 v50, v17;
	v49 =	vmul.f32 v54, v13;
	v50 =	vld [tilespmem:s23+$0xFFFFFFE0]  }
0xfb: {  	v54 =	vld [tilespmem:s20+$0x0];
	v31 =	vmul.f32 v31, v19;
	v38 =	vadd.f32 v39, v38;
	v34 =	vmul.f32 v34, v17  }
0xfc: {  	v39 =	vld [tilespmem:s20+$0x50];
	v32 =	vmul.f32 v32, v15;
	v29 =	vadd.f32 v60, v63;
	v63 =	vmul.f32 v47, v21  }
0xfd: {  	v60 =	vmul.f32 v48, v19;
	v48 =	vld [tilespmem:s23+$0xFFFFFFD0];
	v41 =	vmul.f32 v41, v18;
	v36 =	vadd.f32 v62, v61  }
0xfe: {  	v61 =	vmul.f32 v56, v12;
	v62 =	vmul.f32 v57, v10;
	v46 =	vadd.f32 v49, v46;
	v49 =	vld [tilespmem:s20+$0x10]  }
0xff: {  	v57 =	vmul.f32 v59, v9;
	v33 =	vmul.f32 v33, v20;
	v31 =	vadd.f32 v31, v42;
	v42 =	vld [tilespmem:s20+$0x70]  }
0x100: {  	v56 =	vld [tilespmem:s23+$0x40];
	v28 =	vadd.f32 v29, v28;
	v37 =	vadd.f32 v60, v63;
	v63 =	vmul.f32 v51, v18  }
0x101: {  	v29 =	vld [tilespmem:s23+$0xFFFFFFB0];
	v60 =	vmul.f32 v55, v14;
	v59 =	vmul.f32 v45, v14  }
0x102: {  	v32 =	vadd.f32 v32, v41;
	v28 =	vadd.f32 v28, v30;
	v30 =	vmul.f32 v52, v15;
	v52 =	vld [tilespmem:s23+$0xFFFFFFF0]  }
0x103: {  	v35 =	vadd.f32 v35, v57;
	v47 =	vadd.f32 v61, v60;
	v60 =	vmul.f32 v48, v12;
	v48 =	vld [tilespmem:s23+$0x10]  }
0x104: {  	v30 =	vadd.f32 v30, v63;
	v63 =	vmul.f32 v58, v11;
	v58 =	vmul.f32 v43, v16;
	v43 =	vld [tilespmem:s23+$0x0]  }
0x105: {  	v55 =	vmul.f32 v44, v24;
	v33 =	vadd.f32 v34, v33;
	v34 =	vadd.f32 v60, v59;
	v60 =	vld [tilespmem:s23+$0x60]  }
0x106: {  	v23 =	vmul.f32 v53, v23;
	v36 =	vadd.f32 v36, v37;
	v30 =	vadd.f32 v46, v30;
	v46 =	vld [tilespmem:s20+$0x30]  }
0x107: {  	v61 =	vmul.f32 v50, v10;
	v29 =	vmul.f32 v29, v13;
	v37 =	vadd.f32 v63, v62;
	v63 =	vld [tilespmem:s23+$0x20]  }
0x108: {  	v57 =	vmul.f32 v54, v9;
	v35 =	vadd.f32 v38, v35;
	v62 =	vmul.f32 v52, v11;
	v52 =	vld [tilespmem:s23+$0x30]  }
0x109: {  	v19 =	vmul.f32 v39, v19;
	v31 =	vadd.f32 v33, v31;
	v29 =	vadd.f32 v29, v58;
	v58 =	vld [tilespmem:s23+$0x50]  }
0x10a: {  	v24 =	vmul.f32 v49, v24;
	v17 =	vmul.f32 v42, v17;
	v37 =	vadd.f32 v37, v47;
	v47 =	vld [tilespmem:s20+$0x40]  }
0x10b: {  	v14 =	vmul.f32 v56, v14;
	v31 =	vadd.f32 v31, v35;
	v41 =	vadd.f32 v62, v61;
	v61 =	vld [tilespmem:s20+$0xFFFFFF00]  }
0x10c: {  	v24 =	vadd.f32 v24, v57;
	v15 =	vmul.f32 v48, v15;
	v29 =	vadd.f32 v29, v32;
	v62 =	vld [tilespmem:s23+$0x70]  }
0x10d: {  	v18 =	vmul.f32 v43, v18;
	v30 =	vadd.f32 v37, v30;
	v37 =	vld [tilespmem:s20+$0x60];
	v10 =	vmul.f32 v60, v10  }
0x10e: {  	v59 =	vadd.f32 v41, v34;
	v22 =	vmul.f32 v46, v22;
	v16 =	vmul.f32 v63, v16  }
0x10f: {  	v15 =	vadd.f32 v15, v18;
	v13 =	vmul.f32 v52, v13;
	v12 =	vmul.f32 v58, v12  }
0x110: {  	v21 =	vmul.f32 v47, v21;
	v29 =	vadd.f32 v59, v29;
	v22 =	vadd.f32 v22, v23  }
0x111: {  	v9 =	vmul.f32 v61, v9;
	v11 =	vmul.f32 v62, v11;
	v13 =	vadd.f32 v13, v16  }
0x112: {  	v12 =	vadd.f32 v12, v14;
	v20 =	vmul.f32 v37, v20;
	v19 =	vadd.f32 v19, v21  }
0x113: {  	v21 =	vadd.f32 v22, v24;
	v9 =	vadd.f32 v55, v9  }
0x114: {  	v10 =	vadd.f32 v11, v10;
	v17 =	vadd.f32 v17, v20  }
0x115: {  	v13 =	vadd.f32 v13, v15;
	v9 =	vadd.f32 v40, v9  }
0x116: {  	v10 =	vadd.f32 v10, v12;
	v11 =	vadd.f32 v17, v19  }
0x117: {  	v12 =	vadd.f32 v29, v31;
	v9 =	vadd.f32 v36, v9  }
0x118: {  	(xrf2) =	vadd.scan.msk.f32 $0xffff, v27;
	v10 =	vadd.f32 v10, v13;
	v11 =	vadd.f32 v11, v21  }
0x119: {  	(xrf2) =	vadd.scan.msk.f32 $0xffff, v28;
	v9 =	vadd.f32 v30, v9  }
0x11a: {  	(xrf2) =	vadd.scan.msk.f32 $0xffff, v12;
	v10 =	vadd.f32 v10, v11  }
0x11b: {  	s4 =	sadd.s32 s15, s19;
	(xrf2) =	vadd.scan.msk.f32 $0xffff, v9  }
0x11c: {  	s5 =	sadd.s32 $0x1, s4;
	(xrf2) =	vadd.scan.msk.f32 $0xffff, v10  }
0x11d: {  	s20 =	sadd.s32 $0x2, s4;
	v9 =	vmov s5  }
0x11e: {  	s6 =	sadd.s32 $0x3, s4;
	v12 =	vmov s20;
	v11 =	vmov s4;
	v9 =	vand.u32 $0xFFFFFFFD, v9  }
0x11f: {  	v11 =	vand.u32 $0xFFFFFFFC, v11;
	v10 =	vmov s6;
	v9 =	vbroadcast v9, $0x0  }
0x120: {  	v12 =	vand.u32 $0xFFFFFFFE, v12;
	v11 =	vbroadcast v11, $0x0  }
0x121: {  	v13, _, _ =	vpop (xrf2);
	v12 =	vbroadcast v12, $0x0  }
0x122: {  	v14, _, _ =	vpop (xrf2);
	[tilespmem:v26+s1+$0x0] =	vst.idx.msk vm0, v13  }
0x123: {  	v13, _, _ =	vpop (xrf2);
	[tilespmem:v25+s1+$0x0] =	vst.idx.msk vm0, v14  }
0x124: {  	v14, _, _ =	vpop (xrf2);
	[tilespmem:v10+s1+$0x0] =	vst.idx.msk vm0, v13  }
0x125: {  	p0 =	seq.s32 s21, $0x1F;
	s20 =	sadd.s32 $0x1, s21;
	[tilespmem:v9+s1+$0x0] =	vst.idx.msk vm0, v14;
	v9, _, _ =	vpop (xrf2)  }
0x126: {  	s4 =	smul.u32 @!p0 $0x280, s20;
	[tilespmem:v11+s1+$0x0] =	vst.idx.msk vm0, v9;
	v9, _, _ =	vpop (xrf2)  }
0x127: {  	s5 =	simm.s32 @!p0 $0x28;
	s6 =	simm.s32 @!p0 $0xC000;
	[tilespmem:v12+s1+$0x0] =	vst.idx.msk vm0, v9  }
0x128: {  	[tilespmem:s6], [sflag:$0x1] =	stream.indirect.gather @!p0 [hbm4b:s2+s5], $0x80, s4, s5, $0xb8;
	[tilespmem:$0x1A200] =	vst v63  }
0x129: {  	s7 =	simm.s32 @!p0 $0xF000;
	s6 =	sadd.s32 @!p0 $0x5000, s4  }
0x12a: {  	[tilespmem:s7], [sflag:$0x1] =	stream.indirect.gather @!p0 [hbm4b:s2+s5], $0x80, s6, s5, $0xb8;
	[tilespmem:$0x1A200] =	vst v63  }
0x12b: {  	s6 =	sadd.s32 @!p0 $0x80, s4;
	s7 =	simm.s32 @!p0 $0xD400  }
0x12c: {  	[tilespmem:s7], [sflag:$0x1] =	stream.indirect.gather @!p0 [hbm4b:s2+s5], $0x80, s6, s5, $0xb8;
	[tilespmem:$0x1A200] =	vst v63  }
0x12d: {  	s6 =	sadd.s32 @!p0 $0x5080, s4;
	s7 =	simm.s32 @!p0 $0x10400  }
0x12e: {  	[tilespmem:s7], [sflag:$0x1] =	stream.indirect.gather @!p0 [hbm4b:s2+s5], $0x80, s6, s5, $0xb8;
	[tilespmem:$0x1A200] =	vst v63  }
0x12f: {  	s5 =	sadd.s32 @!p0 $0x100, s4;
	s6 =	simm.s32 @!p0 $0x10;
	s7 =	simm.s32 @!p0 $0xE800  }
0x130: {  	[tilespmem:s7], [sflag:$0x1] =	stream.indirect.gather @!p0 [hbm4b:s2+s6], $0x80, s5, s6, $0xb8;
	[tilespmem:$0x1A200] =	vst v63  }
0x131: {  	s4 =	sadd.s32 @!p0 $0x5100, s4;
	s5 =	simm.s32 @!p0 $0x11800  }
0x132: {  	[tilespmem:s5], [sflag:$0x1] =	stream.indirect.gather @!p0 [hbm4b:s2+s6], $0x80, s4, s6, $0xb8;
	[tilespmem:$0x1A200] =	vst v63  }
0x133: {  	_ =	swait.ge [sflag:s11], $0x3400  }
0x134: {  	[sflag:s11] =	ssyncset.done $0x0  }
0x135: {  	[sflag:s11] =	ssyncadd.s32 $0xFFFFCC00  }
0x136: {  	_ =	swait.ge [sflag:s11], $0x3400  }
0x137: {  	[sflag:s11] =	ssyncset.done $0x0  }
0x138: {  	[sflag:s11] =	ssyncadd.s32 $0xFFFFCC00  }
0x139: {  	v9 =	vld [tilespmem:s22+$0x0]  }
0x13a: {  	v24 =	vld [tilespmem:s22+$0x10]  }
0x13b: {  	v23 =	vld [tilespmem:s22+$0x20]  }
0x13c: {  	v22 =	vld [tilespmem:s22+$0x30]  }
0x13d: {  	v21 =	vld [tilespmem:s22+$0x40]  }
0x13e: {  	v19 =	vld [tilespmem:s22+$0x50]  }
0x13f: {  	v20 =	vld [tilespmem:s22+$0x60]  }
0x140: {  	v17 =	vld [tilespmem:s22+$0x70]  }
0x141: {  	v18 =	vld [tilespmem:s22+$0x400]  }
0x142: {  	v15 =	vld [tilespmem:s22+$0x410]  }
0x143: {  	v16 =	vld [tilespmem:s22+$0x420]  }
0x144: {  	v13 =	vld [tilespmem:s22+$0x430]  }
0x145: {  	v14 =	vld [tilespmem:s22+$0x440]  }
0x146: {  	v12 =	vld [tilespmem:s22+$0x450]  }
0x147: {  	v10 =	vld [tilespmem:s22+$0x460]  }
0x148: {  	s23 =	simm.s32 $0x12100;
	v11 =	vld [tilespmem:s22+$0x470]  }
0x149: {  	v25 =	vld [tilespmem:s23+$0x80]  }
0x14a: {  	v26 =	vld [tilespmem:s23+$0x90]  }
0x14b: {  	v27 =	vld [tilespmem:s23+$0xA0]  }
0x14c: {  	v28 =	vld [tilespmem:s23+$0xB0]  }
0x14d: {  	v29 =	vld [tilespmem:s23+$0xC0]  }
0x14e: {  	v30 =	vld [tilespmem:s23+$0xD0]  }
0x14f: {  	v31 =	vld [tilespmem:s23+$0xE0]  }
0x150: {  	s7 =	simm.s32 $0x15500;
	v32 =	vld [tilespmem:s23+$0xF0]  }
0x151: {  	v33 =	vld [tilespmem:s7+$0x80]  }
0x152: {  	v34 =	vld [tilespmem:s7+$0x90]  }
0x153: {  	v35 =	vld [tilespmem:s7+$0xA0]  }
0x154: {  	v36 =	vld [tilespmem:s7+$0xB0]  }
0x155: {  	v37 =	vld [tilespmem:s7+$0xC0]  }
0x156: {  	v38 =	vld [tilespmem:s7+$0xD0]  }
0x157: {  	v39 =	vld [tilespmem:s7+$0xE0]  }
0x158: {  	v63 =	vld [tilespmem:s7+$0xF0]  }
0x159: {  	v41 =	vld [tilespmem:s23+$0xFFFFFF10]  }
0x15a: {  	v42 =	vld [tilespmem:s23+$0xFFFFFF20]  }
0x15b: {  	v43 =	vld [tilespmem:s23+$0xFFFFFF30]  }
0x15c: {  	v60 =	vld [tilespmem:s23+$0xFFFFFF40]  }
0x15d: {  	v61 =	vld [tilespmem:s23+$0xFFFFFF50]  }
0x15e: {  	v62 =	vld [tilespmem:s23+$0xFFFFFF60]  }
0x15f: {  	v47 =	vld [tilespmem:s23+$0xFFFFFF70]  }
0x160: {  	v48 =	vld [tilespmem:s7+$0xFFFFFF00]  }
0x161: {  	v49 =	vld [tilespmem:s7+$0xFFFFFF10]  }
0x162: {  	v50 =	vld [tilespmem:s7+$0xFFFFFF20]  }
0x163: {  	v51 =	vld [tilespmem:s7+$0xFFFFFF30]  }
0x164: {  	v52 =	vld [tilespmem:s7+$0xFFFFFF40]  }
0x165: {  	v53 =	vld [tilespmem:s7+$0xFFFFFF50]  }
0x166: {  	v54 =	vld [tilespmem:s7+$0xFFFFFF60];
	v25 =	vmul.f32 v25, v9;
	v26 =	vmul.f32 v26, v24  }
0x167: {  	v55 =	vld [tilespmem:s7+$0xFFFFFF70];
	v27 =	vmul.f32 v27, v23;
	v28 =	vmul.f32 v28, v22  }
0x168: {  	v56 =	vld [tilespmem:s23+$0xFFFFFF80];
	v29 =	vmul.f32 v29, v21;
	v30 =	vmul.f32 v30, v19  }
0x169: {  	v45 =	vld [tilespmem:s7+$0xFFFFFFD0];
	s22 =	simm.s32 $0x12300;
	v31 =	vmul.f32 v31, v20;
	v32 =	vmul.f32 v32, v17  }
0x16a: {  	v46 =	vld [tilespmem:s22+$0xD0];
	v33 =	vmul.f32 v33, v18;
	v34 =	vmul.f32 v34, v15  }
0x16b: {  	v35 =	vmul.f32 v35, v16;
	v36 =	vmul.f32 v36, v13;
	v25 =	vadd.f32 v26, v25;
	v26 =	vld [tilespmem:s23+$0xFFFFFF90]  }
0x16c: {  	v37 =	vmul.f32 v37, v14;
	v38 =	vmul.f32 v38, v12;
	v27 =	vadd.f32 v28, v27;
	v28 =	vld [tilespmem:s23+$0xFFFFFFA0]  }
0x16d: {  	v39 =	vmul.f32 v39, v10;
	v40 =	vmul.f32 v63, v11;
	v29 =	vadd.f32 v30, v29;
	v30 =	vld [tilespmem:s23+$0xFFFFFFB0]  }
0x16e: {  	v58 =	vmul.f32 v43, v22;
	v60 =	vmul.f32 v60, v21;
	v31 =	vadd.f32 v32, v31;
	v32 =	vld [tilespmem:s23+$0xFFFFFFC0]  }
0x16f: {  	v61 =	vmul.f32 v61, v19;
	v62 =	vmul.f32 v62, v20;
	v33 =	vadd.f32 v34, v33;
	v34 =	vld [tilespmem:s23+$0xFFFFFFD0]  }
0x170: {  	v48 =	vmul.f32 v48, v18;
	v35 =	vadd.f32 v36, v35;
	v63 =	vadd.f32 v38, v37;
	v37 =	vld [tilespmem:s23+$0xFFFFFFE0]  }
0x171: {  	v57 =	vadd.f32 v40, v39;
	v39 =	vld [tilespmem:s23+$0xFFFFFFF0];
	v38 =	vadd.f32 v61, v60;
	v60 =	vmul.f32 v53, v12  }
0x172: {  	v36 =	vld [tilespmem:s7+$0xFFFFFF90];
	v27 =	vadd.f32 v27, v25;
	v25 =	vmul.f32 v42, v23;
	v29 =	vadd.f32 v31, v29  }
0x173: {  	v40 =	vld [tilespmem:s7+$0xFFFFFFA0];
	v33 =	vadd.f32 v35, v33;
	v59 =	vadd.f32 v57, v63;
	v63 =	vmul.f32 v47, v17  }
0x174: {  	v61 =	vld [tilespmem:s7+$0xFFFFFFF0];
	v57 =	vmul.f32 v50, v16;
	v25 =	vadd.f32 v58, v25;
	v27 =	vadd.f32 v29, v27  }
0x175: {  	v53 =	vld [tilespmem:s23+$0x10];
	v29 =	vadd.f32 v59, v33;
	v58 =	vmul.f32 v51, v13;
	v59 =	vmul.f32 v52, v14  }
0x176: {  	v31 =	vld [tilespmem:s7+$0xFFFFFF80];
	v35 =	vadd.f32 v63, v62;
	v62 =	vmul.f32 v54, v10;
	v63 =	vmul.f32 v55, v11  }
0x177: {  	v42 =	vld [tilespmem:s7+$0xFFFFFFC0];
	v54 =	vmul.f32 v56, v9;
	v26 =	vmul.f32 v26, v24  }
0x178: {  	v47 =	vld [tilespmem:s7+$0xFFFFFFE0];
	v28 =	vmul.f32 v28, v23;
	v30 =	vmul.f32 v30, v22  }
0x179: {  	v33 =	vld [tilespmem:s7+$0xFFFFFFB0];
	v32 =	vmul.f32 v32, v21;
	v34 =	vmul.f32 v34, v19  }
0x17a: {  	v51 =	vld [tilespmem:s23+$0x0];
	v56 =	vmul.f32 v39, v17;
	v61 =	vmul.f32 v61, v11  }
0x17b: {  	v55 =	vld [tilespmem:s23+$0x20];
	v53 =	vmul.f32 v53, v24;
	v27 =	vadd.f32 v29, v27;
	v35 =	vadd.f32 v35, v38  }
0x17c: {  	v52 =	vld [tilespmem:s7+$0x40];
	v29 =	vmul.f32 v49, v15;
	v43 =	vadd.f32 v58, v57;
	v44 =	vadd.f32 v60, v59  }
0x17d: {  	v39 =	vld [tilespmem:s23+$0x60];
	v38 =	vadd.f32 v63, v62;
	v57 =	vmul.f32 v36, v15;
	v26 =	vadd.f32 v26, v54  }
0x17e: {  	v36 =	vld [tilespmem:s23+$0x70];
	v59 =	vmul.f32 v45, v12;
	v28 =	vadd.f32 v30, v28;
	v29 =	vadd.f32 v29, v48  }
0x17f: {  	v45 =	vld [tilespmem:s7+$0x10];
	v32 =	vadd.f32 v34, v32;
	v31 =	vmul.f32 v31, v18;
	v58 =	vmul.f32 v42, v14  }
0x180: {  	v62 =	vld [tilespmem:s7+$0x20];
	v60 =	vmul.f32 v47, v10;
	v38 =	vadd.f32 v38, v44;
	v29 =	vadd.f32 v43, v29  }
0x181: {  	s21 =	sadd.s32 $0x60, s15;
	v63 =	vld [tilespmem:s7+$0x30];
	v26 =	vadd.f32 v28, v26;
	v28 =	vmul.f32 v40, v16;
	v33 =	vmul.f32 v33, v13  }
0x182: {  	s5 =	sadd.s32 $0x0, s21;
	v31 =	vadd.f32 v57, v31;
	v43 =	vld [tilespmem:s23+$0x30];
	v38 =	vadd.f32 v38, v29;
	v29 =	vmul.f32 v37, v20  }
0x183: {  	s8 =	sadd.s32 $0x1, s5;
	v30 =	vld [tilespmem:s23+$0x50];
	v49 =	vadd.f32 v59, v58;
	v34 =	vadd.f32 v61, v60;
	v55 =	vmul.f32 v55, v23  }
0x184: {  	v44 =	vld [tilespmem:s23+$0x40];
	v59 =	vmov s8;
	v28 =	vadd.f32 v33, v28;
	v29 =	vadd.f32 v56, v29  }
0x185: {  	v40 =	vld [tilespmem:s7+$0x0];
	v39 =	vmul.f32 v39, v20;
	v33 =	vadd.f32 v34, v49;
	v36 =	vmul.f32 v36, v17  }
0x186: {  	v60 =	vld [tilespmem:s23+$0xFFFFFF00];
	s23 =	sadd.s32 $0x2, s5;
	v62 =	vmul.f32 v62, v16;
	v28 =	vadd.f32 v28, v31;
	v29 =	vadd.f32 v29, v32  }
0x187: {  	v54 =	vld [tilespmem:s7+$0x50];
	v61 =	vmov s23;
	v31 =	vmul.f32 v51, v9;
	v56 =	vmul.f32 v43, v22  }
0x188: {  	v57 =	vld [tilespmem:s7+$0x60];
	v37 =	vmul.f32 v41, v24;
	v28 =	vadd.f32 v33, v28;
	v26 =	vadd.f32 v29, v26  }
0x189: {  	(xrf2) =	vadd.scan.msk.f32 $0xffff, v27;
	v58 =	vld [tilespmem:s7+$0x70];
	v30 =	vmul.f32 v30, v19;
	v31 =	vadd.f32 v53, v31;
	v27 =	vadd.f32 v56, v55  }
0x18a: {  	v47 =	vld [tilespmem:s22+$0x90];
	v36 =	vadd.f32 v36, v39;
	v29 =	vmul.f32 v44, v21;
	v26 =	vadd.f32 v28, v26  }
0x18b: {  	v48 =	vld [tilespmem:s22+$0xB0];
	v27 =	vadd.f32 v27, v31;
	v31 =	vmul.f32 v45, v15;
	v28 =	vmul.f32 v40, v18  }
0x18c: {  	s23 =	simm.s32 $0x15700;
	v41 =	vld [tilespmem:s22+$0xC0];
	v33 =	vmul.f32 v60, v9;
	v29 =	vadd.f32 v30, v29;
	(xrf2) =	vadd.scan.msk.f32 $0xffff, v26;
	v26 =	vmul.f32 v63, v13  }
0x18d: {  	v32 =	vld [tilespmem:s23+$0xA0];
	v63 =	vadd.f32 v31, v28;
	v28 =	vmul.f32 v52, v14;
	v31 =	vmul.f32 v54, v12  }
0x18e: {  	v53 =	vmul.f32 v58, v11;
	v56 =	vld [tilespmem:s22+$0xF0];
	v29 =	vadd.f32 v36, v29;
	v52 =	vmul.f32 v57, v10  }
0x18f: {  	s19 =	sadd.s32 $0x3, s5;
	v42 =	vand.u32 $0xFFFFFFFD, v59;
	v30 =	vld [tilespmem:s22+$0x80];
	v55 =	vadd.f32 v31, v28;
	v28 =	vadd.f32 v37, v33  }
0x190: {  	v34 =	vmov s19;
	v54 =	vld [tilespmem:s22+$0xE0];
	v26 =	vadd.f32 v26, v62;
	v36 =	vadd.f32 v53, v52  }
0x191: {  	v42 =	vbroadcast v42, $0x0;
	v39 =	vmul.f32 v46, v19;
	v40 =	vld [tilespmem:s22+$0xA0];
	v59 =	vadd.f32 v25, v28  }
0x192: {  	v58 =	vand.u32 $0xFFFFFFFE, v61;
	v31 =	vld [tilespmem:s23+$0x80];
	v60 =	vadd.f32 v26, v63;
	v36 =	vadd.f32 v36, v55  }
0x193: {  	v57 =	vmov s5;
	v27 =	vadd.f32 v29, v27;
	v29 =	vld [tilespmem:s23+$0xB0];
	v61 =	vadd.f32 v35, v59  }
0x194: {  	v33 =	vand.u32 $0xFFFFFFFC, v57;
	v28 =	vld [tilespmem:s23+$0x90];
	v43 =	vadd.f32 v36, v60;
	v35 =	vmul.f32 v47, v24  }
0x195: {  	v37 =	vld [tilespmem:s23+$0xD0];
	v26, _, _ =	vpop (xrf2);
	v36 =	vmul.f32 v41, v21;
	v41 =	vmul.f32 v54, v20;
	v63 =	vadd.f32 v38, v61  }
0x196: {  	[tilespmem:v34+s1+$0x0] =	vst.idx.msk vm0, v26;
	v26 =	vbroadcast v33, $0x0;
	v34 =	vmul.f32 v30, v9;
	v33 =	vld [tilespmem:s23+$0xC0]  }
0x197: {  	v30 =	vmul.f32 v40, v23;
	v40 =	vld [tilespmem:s23+$0xE0];
	v38 =	vmul.f32 v48, v22;
	v62, _, _ =	vpop (xrf2);
	(xrf2) =	vadd.scan.msk.f32 $0xffff, v63  }
0x198: {  	s4 =	simm.s32 $0x8;
	s19 =	simm.s32 $0x4;
	v25 =	vbroadcast v58, $0x0;
	v27 =	vadd.f32 v43, v27;
	v43 =	vld [tilespmem:s23+$0xF0];
	[tilespmem:v42+s1+$0x0] =	vst.idx.msk vm0, v62;
	v42 =	vmul.f32 v56, v17  }
.LBB2_5:
0x199: {  	p0 =	slt.u32 s4, $0x64;
	v44 =	vld [tilespmem:s22+$0xFFFFFF10];
	v31 =	vmul.f32 v31, v18;
	v28 =	vmul.f32 v28, v15  }
0x19a: {  	v32 =	vmul.f32 v32, v16;
	v29 =	vmul.f32 v29, v13;
	v45 =	vld [tilespmem:s22+$0xFFFFFF20];
	(xrf2) =	vadd.scan.msk.f32 $0xffff, v27  }
0x19b: {  	v33 =	vmul.f32 v33, v14;
	v46 =	vld [tilespmem:s22+$0xFFFFFF30];
	v37 =	vmul.f32 v37, v12  }
0x19c: {  	v34 =	vadd.f32 v35, v34;
	v30 =	vadd.f32 v38, v30;
	v47 =	vld [tilespmem:s22+$0xFFFFFF40];
	v40 =	vmul.f32 v40, v10  }
0x19d: {  	v36 =	vadd.f32 v39, v36;
	v39 =	vadd.f32 v42, v41;
	v35 =	vld [tilespmem:s22+$0xFFFFFF50];
	v38 =	vmul.f32 v43, v11  }
0x19e: {  	v28 =	vadd.f32 v28, v31;
	v29 =	vadd.f32 v29, v32;
	v27 =	vmul.f32 v44, v24;
	v41 =	vld [tilespmem:s22+$0xFFFFFF60]  }
0x19f: {  	v33 =	vadd.f32 v37, v33;
	v31 =	vmul.f32 v45, v23;
	v32 =	vld [tilespmem:s22+$0xFFFFFF70];
	v42 =	vadd.f32 v38, v40  }
0x1a0: {  	v30 =	vadd.f32 v30, v34;
	v34 =	vadd.f32 v39, v36;
	v38 =	vmul.f32 v46, v22;
	v40 =	vld [tilespmem:s23+$0xFFFFFF00]  }
0x1a1: {  	v29 =	vadd.f32 v29, v28;
	v36 =	vmul.f32 v47, v21;
	v39 =	vld [tilespmem:s23+$0xFFFFFF10];
	v33 =	vadd.f32 v42, v33;
	v37, _, _ =	vpop (xrf2)  }
0x1a2: {  	v43 =	vmul.f32 v35, v19;
	v42 =	vld [tilespmem:s23+$0xFFFFFF20];
	v28 =	vadd.f32 v38, v31;
	[tilespmem:v26+s1+$0x0] =	vst.idx.msk vm0, v37  }
0x1a3: {  	v30 =	vadd.f32 v34, v30;
	v26 =	vmul.f32 v41, v20;
	v31 =	vld [tilespmem:s23+$0xFFFFFF30];
	v29 =	vadd.f32 v33, v29  }
0x1a4: {  	v32 =	vmul.f32 v32, v17;
	v33 =	vld [tilespmem:s23+$0xFFFFFF40];
	v34 =	vadd.f32 v43, v36;
	v35, _, _ =	vpop (xrf2)  }
0x1a5: {  	v36 =	vmul.f32 v40, v18;
	v37 =	vld [tilespmem:s23+$0xFFFFFF50];
	v29 =	vadd.f32 v29, v30;
	[tilespmem:v25+s1+$0x0] =	vst.idx.msk vm0, v35  }
0x1a6: {  	v25 =	vmul.f32 v39, v15;
	v30 =	vld [tilespmem:s23+$0xFFFFFF60];
	v26 =	vadd.f32 v32, v26  }
0x1a7: {  	v32 =	vmul.f32 v42, v16;
	v35 =	vld [tilespmem:s23+$0xFFFFFF70];
	(xrf2) =	vadd.scan.msk.f32 $0xffff, v29  }
0x1a8: {  	v31 =	vmul.f32 v31, v13;
	v25 =	vadd.f32 v25, v36;
	v29 =	vadd.f32 v26, v34;
	v26 =	vld [tilespmem:s22+$0xFFFFFF80]  }
0x1a9: {  	v33 =	vmul.f32 v33, v14;
	v34 =	vld [tilespmem:s22+$0xFFFFFF90]  }
0x1aa: {  	v36 =	vmul.f32 v37, v12;
	v31 =	vadd.f32 v31, v32;
	v32 =	vld [tilespmem:s22+$0xFFFFFFA0]  }
0x1ab: {  	s5 =	sadd.s32 s21, s19;
	s19 =	smov.u32 s4;
	v30 =	vmul.f32 v30, v10;
	v37 =	vld [tilespmem:s22+$0xFFFFFFB0]  }
0x1ac: {  	s6 =	sadd.s32 $0x1, s5;
	s7 =	sadd.s32 $0x2, s5;
	s8 =	sadd.s32 $0x3, s5;
	v35 =	vmul.f32 v35, v11;
	v33 =	vadd.f32 v36, v33;
	v25 =	vadd.f32 v31, v25;
	v31 =	vld [tilespmem:s22+$0xFFFFFFC0]  }
0x1ad: {  	v38 =	vmov s6;
	v39 =	vmov s8;
	v26 =	vmul.f32 v26, v9;
	v36 =	vld [tilespmem:s22+$0xFFFFFFD0]  }
0x1ae: {  	v40 =	vmov s7;
	v30 =	vadd.f32 v35, v30;
	v34 =	vmul.f32 v34, v24;
	v35 =	vld [tilespmem:s22+$0xFFFFFFE0]  }
0x1af: {  	v41 =	vmov s5;
	v38 =	vand.u32 $0xFFFFFFFD, v38;
	v32 =	vmul.f32 v32, v23;
	v42 =	vld [tilespmem:s22+$0xFFFFFFF0]  }
0x1b0: {  	v30 =	vadd.f32 v30, v33;
	v33 =	vmul.f32 v37, v22;
	v37 =	vld [tilespmem:s23+$0xFFFFFF80];
	v26 =	vadd.f32 v34, v26  }
0x1b1: {  	v40 =	vand.u32 $0xFFFFFFFE, v40;
	v34 =	vand.u32 $0xFFFFFFFC, v41;
	v31 =	vmul.f32 v31, v21;
	v41 =	vld [tilespmem:s23+$0xFFFFFF90];
	v43, _, _ =	vpop (xrf2)  }
0x1b2: {  	v36 =	vmul.f32 v36, v19;
	v44 =	vld [tilespmem:s23+$0xFFFFFFA0];
	v32 =	vadd.f32 v33, v32;
	v33 =	vbroadcast v38, $0x0;
	[tilespmem:v39+s1+$0x0] =	vst.idx.msk vm0, v43  }
0x1b3: {  	v30 =	vadd.f32 v30, v25;
	v25 =	vbroadcast v40, $0x0;
	v35 =	vmul.f32 v35, v20;
	v38 =	vld [tilespmem:s23+$0xFFFFFFB0]  }
0x1b4: {  	v39 =	vmul.f32 v42, v17;
	v40 =	vld [tilespmem:s23+$0xFFFFFFC0];
	v31 =	vadd.f32 v36, v31;
	v32 =	vadd.f32 v32, v26  }
0x1b5: {  	v26 =	vbroadcast v34, $0x0;
	v34 =	vmul.f32 v37, v18;
	v36 =	vld [tilespmem:s23+$0xFFFFFFD0]  }
0x1b6: {  	v37 =	vmul.f32 v41, v15;
	v41 =	vld [tilespmem:s23+$0xFFFFFFE0];
	v35 =	vadd.f32 v39, v35  }
0x1b7: {  	v39 =	vmul.f32 v44, v16;
	v42 =	vld [tilespmem:s23+$0xFFFFFFF0]  }
0x1b8: {  	v38 =	vmul.f32 v38, v13;
	v34 =	vadd.f32 v37, v34;
	v31 =	vadd.f32 v35, v31;
	v35 =	vld [tilespmem:s22+$0x0]  }
0x1b9: {  	v37 =	vmul.f32 v40, v14;
	v40 =	vld [tilespmem:s22+$0x10]  }
0x1ba: {  	v36 =	vmul.f32 v36, v12;
	v38 =	vadd.f32 v38, v39;
	v31 =	vadd.f32 v31, v32;
	v32 =	vld [tilespmem:s22+$0x20]  }
0x1bb: {  	v39 =	vmul.f32 v41, v10;
	v41 =	vld [tilespmem:s22+$0x30]  }
0x1bc: {  	v42 =	vmul.f32 v42, v11;
	v36 =	vadd.f32 v36, v37;
	v34 =	vadd.f32 v38, v34;
	v37 =	vld [tilespmem:s22+$0x40]  }
0x1bd: {  	v35 =	vmul.f32 v35, v9;
	v38 =	vld [tilespmem:s22+$0x50]  }
0x1be: {  	v39 =	vadd.f32 v42, v39;
	v40 =	vmul.f32 v40, v24;
	v42 =	vld [tilespmem:s22+$0x60]  }
0x1bf: {  	v32 =	vmul.f32 v32, v23;
	v43 =	vld [tilespmem:s22+$0x70]  }
0x1c0: {  	v36 =	vadd.f32 v39, v36;
	v39 =	vmul.f32 v41, v22;
	v41 =	vld [tilespmem:s23+$0x0];
	v35 =	vadd.f32 v40, v35  }
0x1c1: {  	v37 =	vmul.f32 v37, v21;
	v40 =	vld [tilespmem:s23+$0x10]  }
0x1c2: {  	v34 =	vadd.f32 v36, v34;
	v36 =	vmul.f32 v38, v19;
	v38 =	vld [tilespmem:s23+$0x20];
	v32 =	vadd.f32 v39, v32  }
0x1c3: {  	v39 =	vmul.f32 v42, v20;
	v42 =	vld [tilespmem:s23+$0x30]  }
0x1c4: {  	v43 =	vmul.f32 v43, v17;
	v44 =	vld [tilespmem:s23+$0x40];
	v36 =	vadd.f32 v36, v37;
	v32 =	vadd.f32 v32, v35  }
0x1c5: {  	v31 =	vadd.f32 v34, v31;
	v34 =	vmul.f32 v41, v18;
	v35 =	vld [tilespmem:s23+$0x50]  }
0x1c6: {  	v37 =	vmul.f32 v40, v15;
	v40 =	vld [tilespmem:s23+$0x60];
	v39 =	vadd.f32 v43, v39  }
0x1c7: {  	v38 =	vmul.f32 v38, v16;
	v41 =	vld [tilespmem:s23+$0x70];
	(xrf2) =	vadd.scan.msk.f32 $0xffff, v31  }
0x1c8: {  	v31 =	vld [tilespmem:s22+$0xFFFFFF00];
	v42 =	vmul.f32 v42, v13;
	v34 =	vadd.f32 v37, v34;
	v36 =	vadd.f32 v39, v36;
	s22 =	sadd.s32 $0x200, s22  }
0x1c9: {  	v37 =	vld [tilespmem:s22+$0x80];
	v39 =	vmul.f32 v44, v14  }
0x1ca: {  	v43 =	vld [tilespmem:s22+$0x90];
	v35 =	vmul.f32 v35, v12;
	v38 =	vadd.f32 v42, v38;
	v36 =	vadd.f32 v36, v32  }
0x1cb: {  	v42 =	vld [tilespmem:s22+$0xA0];
	v32 =	vmul.f32 v40, v10  }
0x1cc: {  	v40 =	vld [tilespmem:s22+$0xB0];
	v41 =	vmul.f32 v41, v11;
	v35 =	vadd.f32 v35, v39;
	v34 =	vadd.f32 v38, v34  }
0x1cd: {  	v39 =	vld [tilespmem:s22+$0xC0];
	v31 =	vmul.f32 v31, v9  }
0x1ce: {  	v44 =	vld [tilespmem:s22+$0xD0];
	v32 =	vadd.f32 v41, v32  }
0x1cf: {  	v41 =	vld [tilespmem:s22+$0xE0];
	v27 =	vadd.f32 v27, v31  }
0x1d0: {  	s23 =	sadd.s32 $0x200, s23;
	v45 =	vld [tilespmem:s22+$0xF0];
	v32 =	vadd.f32 v32, v35  }
0x1d1: {  	v31 =	vld [tilespmem:s23+$0x80];
	v27 =	vadd.f32 v28, v27;
	v35, _, _ =	vpop (xrf2)  }
0x1d2: {  	v28 =	vld [tilespmem:s23+$0x90];
	[tilespmem:v33+s1+$0x0] =	vst.idx.msk vm0, v35;
	v33 =	vadd.f32 v32, v34  }
0x1d3: {  	v32 =	vld [tilespmem:s23+$0xA0];
	v38 =	vadd.f32 v29, v27  }
.Ltmp1:
0x1d4: {  	v29 =	vld [tilespmem:s23+$0xB0];
	v27 =	vadd.f32 v33, v36;
	(pc) =	sbr.rel @p0 .LBB2_5-.Ltmp1, $4  }
0x1d5: {  	v34 =	vmul.f32 v37, v9;
	v35 =	vmul.f32 v43, v24;
	v33 =	vld [tilespmem:s23+$0xC0];
	v43 =	vadd.f32 v30, v38  }
0x1d6: {  	v30 =	vmul.f32 v42, v23;
	v38 =	vmul.f32 v40, v22;
	v37 =	vld [tilespmem:s23+$0xD0]  }
0x1d7: {  	v36 =	vmul.f32 v39, v21;
	v39 =	vmul.f32 v44, v19;
	v40 =	vld [tilespmem:s23+$0xE0];
	(xrf2) =	vadd.scan.msk.f32 $0xffff, v43  }
0x1d8: {  	s4 =	sadd.s32 $0x4, s4;
	v41 =	vmul.f32 v41, v20;
	v42 =	vmul.f32 v45, v17;
	v43 =	vld [tilespmem:s23+$0xF0]  }
0x1d9: {  	v44 =	vld [tilespmem:s22+$0xFFFFFF10]  }
0x1da: {  	v45 =	vld [tilespmem:s22+$0xFFFFFF20]  }
0x1db: {  	v46 =	vld [tilespmem:s22+$0xFFFFFF30]  }
0x1dc: {  	v47 =	vld [tilespmem:s22+$0xFFFFFF40]  }
0x1dd: {  	v48 =	vld [tilespmem:s22+$0xFFFFFF50]  }
0x1de: {  	v49 =	vld [tilespmem:s22+$0xFFFFFF60]  }
0x1df: {  	v50 =	vld [tilespmem:s22+$0xFFFFFF70]  }
0x1e0: {  	v51 =	vld [tilespmem:s23+$0xFFFFFF00]  }
0x1e1: {  	v52 =	vld [tilespmem:s23+$0xFFFFFF10]  }
0x1e2: {  	v53 =	vld [tilespmem:s23+$0xFFFFFF20]  }
0x1e3: {  	v54 =	vld [tilespmem:s23+$0xFFFFFF30]  }
0x1e4: {  	v55 =	vld [tilespmem:s23+$0xFFFFFF40]  }
0x1e5: {  	v56 =	vld [tilespmem:s23+$0xFFFFFF50]  }
0x1e6: {  	v57 =	vld [tilespmem:s23+$0xFFFFFF60]  }
0x1e7: {  	v58 =	vld [tilespmem:s23+$0xFFFFFF70]  }
0x1e8: {  	v59 =	vld [tilespmem:s22+$0xFFFFFF80]  }
0x1e9: {  	v34 =	vadd.f32 v35, v34;
	v35 =	vld [tilespmem:s22+$0xFFFFFF90]  }
0x1ea: {  	v30 =	vadd.f32 v38, v30;
	v38 =	vld [tilespmem:s22+$0xFFFFFFA0]  }
0x1eb: {  	v31 =	vmul.f32 v31, v18;
	v28 =	vmul.f32 v28, v15;
	v36 =	vadd.f32 v39, v36;
	v39 =	vld [tilespmem:s22+$0xFFFFFFB0]  }
0x1ec: {  	v41 =	vadd.f32 v42, v41;
	v42 =	vld [tilespmem:s22+$0xFFFFFFC0]  }
0x1ed: {  	v32 =	vmul.f32 v32, v16;
	v29 =	vmul.f32 v29, v13;
	v28 =	vadd.f32 v28, v31;
	v31 =	vld [tilespmem:s22+$0xFFFFFFD0]  }
0x1ee: {  	v30 =	vadd.f32 v30, v34;
	v34 =	vld [tilespmem:s22+$0xFFFFFFF0]  }
0x1ef: {  	v33 =	vmul.f32 v33, v14;
	v37 =	vmul.f32 v37, v12;
	v29 =	vadd.f32 v29, v32;
	v32 =	vld [tilespmem:s23+$0xFFFFFF90]  }
0x1f0: {  	v40 =	vmul.f32 v40, v10;
	v36 =	vadd.f32 v41, v36;
	v41 =	vld [tilespmem:s23+$0xFFFFFF80]  }
0x1f1: {  	v43 =	vmul.f32 v43, v11;
	v61 =	vadd.f32 v37, v33;
	v33 =	vld [tilespmem:s22+$0xFFFFFFE0];
	v63 =	vmul.f32 v46, v22  }
0x1f2: {  	v28 =	vadd.f32 v29, v28;
	v29 =	vld [tilespmem:s23+$0xFFFFFFB0];
	v46 =	vmul.f32 v53, v16;
	v35 =	vmul.f32 v35, v24  }
0x1f3: {  	v38 =	vmul.f32 v38, v23;
	v39 =	vmul.f32 v39, v22;
	v62 =	vadd.f32 v43, v40;
	v43 =	vld [tilespmem:s23+$0xFFFFFFA0]  }
0x1f4: {  	v30 =	vadd.f32 v36, v30;
	v40 =	vmul.f32 v45, v23;
	v45 =	vld [tilespmem:s23+$0xFFFFFFC0];
	v42 =	vmul.f32 v42, v21  }
0x1f5: {  	v31 =	vmul.f32 v31, v19;
	v38 =	vadd.f32 v39, v38;
	v39 =	vld [tilespmem:s22+$0x50];
	v34 =	vmul.f32 v34, v17  }
0x1f6: {  	v32 =	vmul.f32 v32, v15;
	v60 =	vadd.f32 v62, v61;
	v62 =	vmul.f32 v48, v19;
	v48 =	vld [tilespmem:s23+$0xFFFFFFD0]  }
0x1f7: {  	v40 =	vadd.f32 v63, v40;
	v63 =	vmul.f32 v49, v20;
	v49 =	vmul.f32 v54, v13;
	v54 =	vld [tilespmem:s22+$0x0]  }
0x1f8: {  	v61 =	vmul.f32 v47, v21;
	v41 =	vmul.f32 v41, v18;
	v31 =	vadd.f32 v31, v42;
	v42 =	vld [tilespmem:s22+$0x70]  }
0x1f9: {  	v33 =	vmul.f32 v33, v20;
	v28 =	vadd.f32 v60, v28;
	v60 =	vmul.f32 v50, v17;
	v50 =	vld [tilespmem:s23+$0xFFFFFFE0]  }
0x1fa: {  	v37 =	vadd.f32 v62, v61;
	v62 =	vmul.f32 v52, v15;
	v52 =	vld [tilespmem:s23+$0xFFFFFFF0];
	v46 =	vadd.f32 v49, v46  }
0x1fb: {  	v61 =	vmul.f32 v51, v18;
	v49 =	vld [tilespmem:s22+$0x10];
	v32 =	vadd.f32 v32, v41;
	v33 =	vadd.f32 v34, v33  }
0x1fc: {  	v29 =	vmul.f32 v29, v13;
	v51 =	vld [tilespmem:s23+$0x20];
	v28 =	vadd.f32 v28, v30;
	v36 =	vadd.f32 v60, v63  }
0x1fd: {  	v30 =	vadd.f32 v62, v61;
	v63 =	vmul.f32 v55, v14;
	v60 =	vmul.f32 v56, v12;
	v56 =	vld [tilespmem:s22+$0x20]  }
0x1fe: {  	v61 =	vmul.f32 v57, v10;
	v62 =	vmul.f32 v58, v11;
	v57 =	vld [tilespmem:s22+$0x30];
	v31 =	vadd.f32 v33, v31  }
0x1ff: {  	v58 =	vmul.f32 v43, v16;
	v43 =	vld [tilespmem:s23+$0x0];
	v36 =	vadd.f32 v36, v37;
	v47 =	vadd.f32 v60, v63  }
0x200: {  	v63 =	vmul.f32 v59, v9;
	v37 =	vadd.f32 v62, v61;
	v60 =	vmul.f32 v48, v12;
	v48 =	vld [tilespmem:s23+$0x10]  }
0x201: {  	v30 =	vadd.f32 v46, v30;
	v59 =	vmul.f32 v45, v14;
	v62 =	vmul.f32 v52, v11;
	v52 =	vld [tilespmem:s23+$0x50]  }
0x202: {  	v29 =	vadd.f32 v29, v58;
	v61 =	vmul.f32 v50, v10;
	v37 =	vadd.f32 v37, v47;
	v47 =	vld [tilespmem:s22+$0x40]  }
0x203: {  	v50 =	vmul.f32 v49, v24;
	v35 =	vadd.f32 v35, v63;
	v34 =	vadd.f32 v60, v59;
	v59 =	vld [tilespmem:s22+$0xFFFFFF00]  }
0x204: {  	v63 =	vmul.f32 v54, v9;
	v29 =	vadd.f32 v29, v32;
	v54 =	vmul.f32 v56, v23;
	v56 =	vld [tilespmem:s23+$0x60]  }
0x205: {  	v60 =	vmul.f32 v39, v19;
	v41 =	vadd.f32 v62, v61;
	v57 =	vmul.f32 v57, v22;
	v62 =	vld [tilespmem:s23+$0x70]  }
0x206: {  	v30 =	vadd.f32 v37, v30;
	v37 =	vld [tilespmem:s22+$0x60];
	v35 =	vadd.f32 v38, v35;
	v38 =	vmul.f32 v44, v24  }
0x207: {  	v33 =	vld [tilespmem:s23+$0x30];
	v24 =	vadd.f32 v50, v63;
	v63 =	vmul.f32 v42, v17;
	v55 =	vadd.f32 v41, v34  }
0x208: {  	v44 =	vld [tilespmem:s23+$0x40];
	v22 =	vadd.f32 v57, v54;
	v39 =	vmul.f32 v48, v15;
	v41 =	vmul.f32 v51, v16  }
0x209: {  	v31 =	vadd.f32 v31, v35;
	v46 =	vmul.f32 v52, v12;
	v58 =	vmul.f32 v47, v21  }
0x20a: {  	v29 =	vadd.f32 v55, v29;
	v9 =	vmul.f32 v59, v9;
	v10 =	vmul.f32 v56, v10  }
0x20b: {  	v42 =	vadd.f32 v22, v24;
	v11 =	vmul.f32 v62, v11;
	v61 =	vmul.f32 v37, v20  }
0x20c: {  	v37 =	vmul.f32 v43, v18;
	v19 =	vadd.f32 v60, v58;
	v43 =	vmul.f32 v33, v13  }
0x20d: {  	v44 =	vmul.f32 v44, v14;
	v9 =	vadd.f32 v38, v9;
	v10 =	vadd.f32 v11, v10  }
0x20e: {  	v17 =	vadd.f32 v63, v61;
	v15 =	vadd.f32 v39, v37  }
0x20f: {  	v13 =	vadd.f32 v43, v41;
	v12 =	vadd.f32 v46, v44  }
0x210: {  	v9 =	vadd.f32 v40, v9;
	v11 =	vadd.f32 v17, v19  }
0x211: {  	v13 =	vadd.f32 v13, v15;
	v10 =	vadd.f32 v10, v12  }
0x212: {  	v47 =	vadd.f32 v29, v31;
	v9 =	vadd.f32 v36, v9  }
0x213: {  	(xrf2) =	vadd.scan.msk.f32 $0xffff, v27;
	v11 =	vadd.f32 v11, v42;
	v10 =	vadd.f32 v10, v13  }
0x214: {  	(xrf2) =	vadd.scan.msk.f32 $0xffff, v28;
	v9 =	vadd.f32 v30, v9  }
0x215: {  	(xrf2) =	vadd.scan.msk.f32 $0xffff, v47;
	v10 =	vadd.f32 v10, v11  }
0x216: {  	s4 =	sadd.s32 s21, s19;
	(xrf2) =	vadd.scan.msk.f32 $0xffff, v9  }
0x217: {  	s5 =	sadd.s32 $0x1, s4;
	(xrf2) =	vadd.scan.msk.f32 $0xffff, v10  }
0x218: {  	s19 =	sadd.s32 $0x2, s4;
	v9 =	vmov s5  }
0x219: {  	s6 =	sadd.s32 $0x3, s4;
	v48 =	vmov s19;
	v11 =	vmov s4;
	v9 =	vand.u32 $0xFFFFFFFD, v9  }
0x21a: {  	v11 =	vand.u32 $0xFFFFFFFC, v11;
	v10 =	vmov s6;
	v9 =	vbroadcast v9, $0x0  }
0x21b: {  	v12 =	vand.u32 $0xFFFFFFFE, v48;
	v11 =	vbroadcast v11, $0x0  }
0x21c: {  	v49, _, _ =	vpop (xrf2);
	v12 =	vbroadcast v12, $0x0  }
0x21d: {  	[tilespmem:v26+s1+$0x0] =	vst.idx.msk vm0, v49;
	v50, _, _ =	vpop (xrf2);
	v51 =	vmov s18  }
0x21e: {  	[tilespmem:v25+s1+$0x0] =	vst.idx.msk vm0, v50;
	v52, _, _ =	vpop (xrf2);
	v13 =	vshll.u32 v51, $0x7  }
0x21f: {  	v53, _, _ =	vpop (xrf2);
	[tilespmem:v10+s1+$0x0] =	vst.idx.msk vm0, v52;
	v10 =	vor.u32 v0, v13  }
0x220: {  	[tilespmem:v9+s1+$0x0] =	vst.idx.msk vm0, v53;
	v9, _, _ =	vpop (xrf2)  }
0x221: {  	s22 =	sshll.u32 s18, $0x7;
	[tilespmem:v11+s1+$0x0] =	vst.idx.msk vm0, v9;
	v9, _, _ =	vpop (xrf2)  }
0x222: {  	s4 =	sadd.s32 $0x80, s22;
	[tilespmem:v12+s1+$0x0] =	vst.idx.msk vm0, v9  }
0x223: {  	v55 =	vor.u32 s4, v4;
	v12 =	vld [tilespmem:s15+$0x18800]  }
0x224: {  	v10 =	vld.idx.msk [tilespmem:v10+s10+$0x0], $0xffff  }
0x225: {  	v56 =	vor.u32 s4, v7;
	v54 =	vld [tilespmem:s15+$0x18810]  }
0x226: {  	v9 =	vadd.s32 v1, v13;
	v15 =	vld [tilespmem:s15+$0x18820]  }
0x227: {  	v9 =	vor.u32 v3, v9;
	v59 =	vld [tilespmem:s15+$0x18830]  }
0x228: {  	v14 =	vld.idx.msk [tilespmem:v55+s10+$0x0], $0xffff  }
0x229: {  	v61 =	vld [tilespmem:s15+$0x18840]  }
0x22a: {  	v16 =	vld.idx.msk [tilespmem:v56+s10+$0x0], $0xffff  }
0x22b: {  	v57 =	vmov s17;
	v37 =	vor.u32 s16, v4;
	v63 =	vld [tilespmem:s15+$0x18850]  }
0x22c: {  	v11 =	vor.u32 v2, v13;
	v58 =	vld.idx.msk [tilespmem:v9+s10+$0x0], $0xffff;
	v9 =	vshll.u32 v57, $0x7  }
0x22d: {  	v36 =	vld [tilespmem:s21+$0x18800];
	v60 =	vor.u32 v0, v9;
	v62 =	vor.u32 v2, v9;
	v9 =	vadd.s32 v1, v9  }
0x22e: {  	s23 =	sand.u32 $0x1FF0, s15;
	v25 =	vld [tilespmem:s15+$0x18870];
	v9 =	vor.u32 v3, v9  }
0x22f: {  	v40 =	vld [tilespmem:s23+$0x18880]  }
0x230: {  	v38 =	vor.u32 s16, v7;
	v24 =	vld.idx.msk [tilespmem:v37+s10+$0x0], $0xffff  }
0x231: {  	v42 =	vld [tilespmem:s15+$0x18890]  }
0x232: {  	v11 =	vld.idx.msk [tilespmem:v11+s10+$0x0], $0xffff  }
0x233: {  	v39 =	vld.idx.msk [tilespmem:v9+s10+$0x0], $0xffff;
	v9 =	vor.u32 s14, v0  }
0x234: {  	v41 =	vor.u32 s14, v2;
	v21 =	vld.idx.msk [tilespmem:v62+s10+$0x0], $0xffff  }
0x235: {  	v43 =	vor.u32 s14, v5;
	v26 =	vld.idx.msk [tilespmem:v38+s10+$0x0], $0xffff  }
0x236: {  	v44 =	vld [tilespmem:s15+$0x188A0]  }
0x237: {  	vm2 =	veq.s32 v10, $0x0;
	v19 =	vld.idx.msk [tilespmem:v60+s10+$0x0], $0xffff  }
0x238: {  	vm3 =	veq.s32 v14, $0x0;
	v45 =	vld.idx.msk [tilespmem:v9+s10+$0x0], $0xffff;
	v9 =	vsel vm2, $0xC7C34F80, v12  }
0x239: {  	v29 =	vld.idx.msk [tilespmem:v41+s10+$0x0], $0xffff;
	vm2 =	veq.s32 v11, $0x0;
	v11 =	vsel vm3, $0xC7C34F80, v59;
	vm3 =	veq.s32 v21, $0x0  }
0x23a: {  	v31 =	vld.idx.msk [tilespmem:v43+s10+$0x0], $0xffff;
	v10 =	vsel vm2, $0xC7C34F80, v54;
	vm2 =	veq.s32 v58, $0x0;
	v14 =	vsel vm3, $0xC7C34F80, v36  }
0x23b: {  	v46 =	vld [tilespmem:s15+$0x188C0];
	vm3 =	veq.s32 v26, $0x0;
	v12 =	vsel vm2, $0xC7C34F80, v15;
	vm2 =	veq.s32 v16, $0x0  }
0x23c: {  	v47 =	vld [tilespmem:s15+$0x188B0];
	v16 =	vsel vm3, $0xC7C34F80, v42;
	v13 =	vsel vm2, $0xC7C34F80, v61;
	vm2 =	veq.s32 v19, $0x0  }
0x23d: {  	v49 =	vmax.f32 v9, v10;
	v17 =	vsel vm2, $0xC7C34F80, v63;
	vm2 =	veq.s32 v39, $0x0  }
0x23e: {  	v50 =	vmax.f32 v12, v11;
	v15 =	vsel vm2, $0xC7C34F80, v25;
	vm2 =	veq.s32 v24, $0x0  }
0x23f: {  	v22 =	vmax.f32 v49, v50;
	v18 =	vsel vm2, $0xC7C34F80, v40;
	vm2 =	veq.s32 v31, $0x0  }
0x240: {  	vm3 =	veq.s32 v45, $0x0;
	v48 =	vsel vm2, $0xC7C34F80, v46;
	vm2 =	veq.s32 v29, $0x0  }
0x241: {  	v51 =	vmax.f32 v13, v17;
	v21 =	vsel vm3, $0xC7C34F80, v44;
	v20 =	vsel vm2, $0xC7C34F80, v47  }
0x242: {  	v25 =	vmax.f32 v14, v15;
	v52 =	vmax.f32 v18, v16;
	v53 =	vmax.f32 v21, v20  }
0x243: {  	v54 =	vmax.f32 v51, v25;
	v19 =	vnsel vm1, $0xFF800000, v48;
	v55 =	vmax.f32 v52, v53  }
0x244: {  	v22 =	vmax.f32 v22, v54;
	v56 =	vmax.f32 v55, v19  }
0x245: {  	v22 =	vmax.f32 v22, v56  }
0x246: {  	(xrf0) =	vmax.scan.msk.f32 $0xffff, v22;
	_ =	sdelay $0x5  }
0x247: {  	v22, _, _ =	vpop (xrf0)  }
0x248: {  	v22 =	vperm.xlane v22, v8;
	_ =	sdelay $0x1  }
0x249: {  	(xrf0) =	vmax.scan.msk.f32 $0xffff, v22;
	_ =	sdelay $0x5  }
0x24a: {  	v22, _, _ =	vpop (xrf0)  }
0x24b: {  	v57 =	vsub.f32 v9, v22  }
0x24c: {  	v58 =	vsub.f32 v10, v22  }
0x24d: {  	v59 =	vsub.f32 v12, v22;
	v23 =	vmul.f32 $1.442695020e+00, v57  }
0x24e: {  	v60 =	vsub.f32 v11, v22;
	v24 =	vmul.f32 $1.442695020e+00, v58  }
0x24f: {  	v62 =	vsub.f32 v13, v22;
	v61 =	vmul.f32 $1.442695020e+00, v59;
	(erf) = vpow2.f32 v23  }
0x250: {  	v28 =	vsub.f32 v17, v22;
	v63 =	vmul.f32 $1.442695020e+00, v60;
	(erf) = vpow2.f32 v24  }
0x251: {  	v30 =	vsub.f32 v14, v22;
	v29 =	vmul.f32 $1.442695020e+00, v62;
	(erf) = vpow2.f32 v61  }
0x252: {  	v32 =	vsub.f32 v15, v22;
	v31 =	vmul.f32 $1.442695020e+00, v28;
	(erf) = vpow2.f32 v63  }
0x253: {  	v34 =	vsub.f32 v18, v22;
	v33 =	vmul.f32 $1.442695020e+00, v30;
	(erf) = vpow2.f32 v29  }
0x254: {  	v36 =	vsub.f32 v16, v22;
	v35 =	vmul.f32 $1.442695020e+00, v32;
	(erf) = vpow2.f32 v31  }
0x255: {  	v38 =	vsub.f32 v21, v22;
	v37 =	vmul.f32 $1.442695020e+00, v34;
	(erf) = vpow2.f32 v33  }
0x256: {  	v40 =	vsub.f32 v20, v22;
	v39 =	vmul.f32 $1.442695020e+00, v36;
	(erf) = vpow2.f32 v35  }
0x257: {  	v41 =	vmul.f32 $1.442695020e+00, v38;
	(erf) = vpow2.f32 v37  }
0x258: {  	v43 =	vmul.f32 $1.442695020e+00, v40;
	v42 =	vpop (erf);
	(erf) = vpow2.f32 v39  }
0x259: {  	v44 =	vpop (erf);
	(erf) = vpow2.f32 v41  }
0x25a: {  	v46 =	vsub.f32 v19, v22;
	v45 =	vpop (erf);
	(erf) = vpow2.f32 v43  }
0x25b: {  	v47 =	vpop (erf)  }
0x25c: {  	v24 =	vmul.f32 $1.442695020e+00, v46;
	v48 =	vpop (erf)  }
0x25d: {  	v49 =	vpop (erf)  }
0x25e: {  	(erf) = vpow2.f32 v24;
	v50 =	vpop (erf)  }
0x25f: {  	v51 =	vpop (erf)  }
0x260: {  	v52 =	vpop (erf)  }
0x261: {  	v53 =	vpop (erf)  }
0x262: {  	v25 =	vadd.f32 v44, v42;
	v23 =	vadd.f32 v47, v45;
	v54 =	vpop (erf)  }
0x263: {  	v56 =	vadd.f32 v49, v48;
	v24 =	vadd.f32 v51, v50;
	v55 =	vpop (erf)  }
0x264: {  	v57 =	vadd.f32 v53, v52;
	v26 =	vadd.f32 v55, v54  }
0x265: {  	v23 =	vadd.f32 v23, v25  }
0x266: {  	v24 =	vadd.f32 v24, v56;
	v58 =	vadd.f32 v26, v57  }
0x267: {  	v59 =	vpop (erf)  }
0x268: {  	v23 =	vadd.f32 v24, v23;
	v60 =	vadd.f32 v58, v59;
	_ =	sdelay $0x1  }
0x269: {  	v23 =	vadd.f32 v60, v23;
	_ =	sdelay $0x1  }
0x26a: {  	(xrf2) =	vadd.scan.msk.f32 $0xffff, v23;
	_ =	sdelay $0x9  }
0x26b: {  	v23, _, _ =	vpop (xrf2)  }
0x26c: {  	(xrf0) =	vmax.scan.msk.f32 $0xffff, v23;
	_ =	sdelay $0x5  }
0x26d: {  	v23, _, _ =	vpop (xrf0)  }
0x26e: {  	v23 =	vperm.xlane v23, v8;
	_ =	sdelay $0x1  }
0x26f: {  	(xrf0) =	vmax.scan.msk.f32 $0xffff, v23;
	_ =	sdelay $0x5  }
0x270: {  	v23, _, _ =	vpop (xrf0)  }
0x271: {  	v61 =	vand.u32 $0x7FFFFF, v23  }
0x272: {  	v24 =	vor.u32 $0x3F800000, v61  }
0x273: {  	v62 =	vadd.f32 $1.000000000e+00, v24;
	_ =	sdelay $0x1  }
0x274: {  	(erf) = vrcp.f32 v62;
	_ =	sdelay $0x7  }
0x275: {  	v24 =	vadd.f32 $-1.000000000e+00, v24  }
0x276: {  	v25 =	vpop (erf)  }
0x277: {  	v24 =	vmul.f32 v25, v24;
	_ =	sdelay $0x1  }
0x278: {  	v25 =	vmul.f32 v24, v24;
	_ =	sdelay $0x1  }
0x279: {  	v63 =	vmul.f32 v25, v6;
	_ =	sdelay $0x1  }
0x27a: {  	v26 =	vadd.f32 $2.000000030e-01, v63;
	_ =	sdelay $0x1  }
0x27b: {  	v26 =	vmul.f32 v26, v25;
	_ =	sdelay $0x1  }
0x27c: {  	v26 =	vadd.f32 $3.333333430e-01, v26  }
0x27d: {  	v23 =	vshrl.u32 v23, $0x17  }
0x27e: {  	v23 =	vand.u32 $0xFF, v23;
	v25 =	vmul.f32 v26, v25  }
0x27f: {  	v23 =	vadd.s32 $0xFFFFFF81, v23  }
0x280: {  	v23 =	vcvt.s32.f32 v23;
	v24 =	vadd.f32 v24, v24;
	v25 =	vadd.f32 $1.000000000e+00, v25;
	_ =	sdelay $0x1  }
0x281: {  	v23 =	vmul.f32 $6.931471820e-01, v23;
	v24 =	vmul.f32 v25, v24;
	_ =	sdelay $0x1  }
0x282: {  	v23 =	vadd.f32 v24, v23;
	_ =	sdelay $0x1  }
0x283: {  	v22 =	vadd.f32 v23, v22;
	_ =	sdelay $0x1  }
0x284: {  	v9 =	vsub.f32 v9, v22  }
0x285: {  	v10 =	vsub.f32 v10, v22  }
0x286: {  	[tilespmem:s15+$0x18800] =	vst v9;
	v9 =	vsub.f32 v12, v22  }
0x287: {  	[tilespmem:s15+$0x18810] =	vst v10;
	v10 =	vsub.f32 v11, v22  }
0x288: {  	[tilespmem:s15+$0x18820] =	vst v9;
	v9 =	vsub.f32 v13, v22  }
0x289: {  	[tilespmem:s15+$0x18830] =	vst v10;
	v10 =	vsub.f32 v17, v22  }
0x28a: {  	[tilespmem:s15+$0x18840] =	vst v9;
	v9 =	vsub.f32 v14, v22  }
0x28b: {  	[tilespmem:s15+$0x18850] =	vst v10;
	v10 =	vsub.f32 v15, v22  }
0x28c: {  	[tilespmem:s21+$0x18800] =	vst v9;
	v9 =	vsub.f32 v18, v22  }
0x28d: {  	p0 =	sne.s32 s20, $0x20;
	[tilespmem:s15+$0x18870] =	vst v10;
	v10 =	vsub.f32 v16, v22  }
.Ltmp2:
0x28e: {  	[tilespmem:s23+$0x18880] =	vst v9;
	v9 =	vsub.f32 v21, v22;
	(pc) =	sbr.rel @p0 .LBB2_2-.Ltmp2, $4  }
0x28f: {  	[tilespmem:s15+$0x18890] =	vst v10;
	v10 =	vsub.f32 v20, v22  }
0x290: {  	[tilespmem:s15+$0x188A0] =	vst v9;
	v9 =	vsub.f32 v19, v22  }
0x291: {  	[tilespmem:s15+$0x188B0] =	vst v10  }
0x292: {  	s21 =	smov.u32 s20;
	[tilespmem:s15+$0x188C0] =	vst v9  }
0x293: {  	s4 =	rddreg [dreg:$0x6]  }
0x294: {  	[hbm4b:s4+s3] =	stream.linear.scatter [tilespmem:s1], [sflag:$0x3], $0x1A00, $0x38;
	[tilespmem:$0x1A200] =	vst v63  }
0x295: {  	_ =	swait.ge [sflag:s9], $0x1A00  }
0x296: {  	s13 =	sadd.s32 $0x1, s13;
	s23 =	rddreg [dreg:$0x7]  }
0x297: {  	p0 =	sne.s32 s13, s23  }
.Ltmp3:
0x298: {  	_ = 	snop;
	(pc) =	sbr.rel @p0 .LBB2_1-.Ltmp3, $3  }
0x299: {  	_ =	sdelay $0x1  }
0x29a: {  	[sflag:s9] =	ssyncset.done $0x0  }
0x29b: {  	[sflag:s9] =	ssyncadd.s32 $0xFFFFE600  }
0x29c: {  	_ =	sfence.sel $0x180000  }
0x29d: {  	[bflag:$0x0] =	sbarrier.arrive $0xFFFF  }
0x29e: {  	_ =	strace $0x9000004A  }
0x29f: {  	s0 =	stileid.u32;
	[bflag:$0x2] =	sbarrier.arrive $0xFFFF  }
0x2a0: {  	p0 =	sne.s32 s0, $0x0;
	s0 =	rddreg [dreg:$0x2]  }
0x2a1: {  	s0 =	sadd.s32 @!p0 $0x100000, s0  }
0x2a2: {  	[sflag:s0] =	ssyncadd.tile.s32 @!p0 $0x1;
	_ =	shalt  }
.Lfunc_end2:
_tile_overlayer_lowered:
.L_overlay_start_2:
0x2a3: {  	(tag) =	ssettag $0x2  }
0x2a4: {  	s0 =	rddreg [dreg:$0x0];
	s2 =	stileid.u32  }
0x2a5: {  	s1 =	rddreg [dreg:$0x1];
	p0 =	sne.s32 s2, $0x0  }
0x2a6: {  	s3 =	rddreg [dreg:$0x2];
	[bflag:$0x3] =	sbarrier.arrive $0xFFFF;
	s2 =	simm.s32 @!p0 $0x1C03  }
0x2a7: {  	[timem:s3], [sflag:s2] =	dma.local @!p0 [hbm:s0], s1  }
0x2a8: {  	s0 =	simm.s32 @!p0 $0x3  }
0x2a9: {  	_ =	swait.ge @!p0 [sflag:s0], s1  }
0x2aa: {  	s1 =	ssub.s32 @!p0 $0x0, s1;
	[sflag:s0] =	ssyncset.done @!p0 $0x0  }
0x2ab: {  	[sflag:s0] =	ssyncadd.s32 @!p0 s1  }
0x2ac: {  	[bflag:$0x3] =	sbarrier.arrive $0xFFFF  }
0x2ad: {  	_ =	shalt  }

</sc_bundles>
